<compile_context>
chip_gen: v7x
topology: tpu7x:2x2x1
jax: 0.10.2.dev20260603
libtpu: 0.0.44.dev20260713+nightly
codegen_flags: <defaults>
</compile_context>

<pallas_src>
import functools

import jax
import jax.numpy as jnp
from jax import lax
from jax.experimental import pallas as pl
from jax.experimental.pallas import tpu as pltpu
from jax.experimental.pallas import tpu_sc as plsc

B = 16
L_PAD = 1024
D = 1024
HID = 16384
TOPK = 32
NUM_VIEWS = 8
GAMMA = 10.0
EPS = 1e-6
T_LEN = 256

ENC_PREC = lax.Precision.DEFAULT
DEC_PREC = lax.Precision.DEFAULT

_INTERPRET = False


def _clipnorm(x, axis):
    n = jnp.sqrt(jnp.sum(x * x, axis=axis, keepdims=True))
    return x / jnp.clip(n, 1e-12)


def _prep_kernel(gt_ref, tp_ref, tm_ref, v0_ref, cx_ref, cy_ref,
                 tg_ref, xnt_ref, vv_ref, xnv_ref):
    tm = tm_ref[...]
    tp = tp_ref[...]
    ts = jnp.sum(tp * tm[:, :, None], axis=1)
    tg = ts / (jnp.sum(tm, axis=1, keepdims=True) + 1e-6)
    tg_ref[...] = tg
    xnt_ref[...] = _clipnorm(tg, -1)

    hg = gt_ref[1].astype(jnp.float32)
    wg = gt_ref[2].astype(jnp.float32)
    x0 = 0.5 / wg
    y0 = 0.5 / hg
    cx = cx_ref[...]
    cy = cy_ref[...]
    dist = (cx - x0) ** 2 + (cy - y0) ** 2
    m = jnp.exp(-GAMMA * dist)
    v0 = v0_ref[...]
    num = m[:, :, None] * v0[:, None, :]
    vv = num / (m + EPS)[:, :, None]
    vv_ref[...] = vv
    xnv_ref[...] = _clipnorm(vv, -1)


def _enc_kernel(x_ref, e_ref, o_ref):
    e = e_ref[...]
    n2 = jnp.sum(e * e, axis=1, keepdims=True)
    w = e / jnp.clip(jnp.sqrt(n2), 1e-12)
    raw = lax.dot_general(x_ref[...], w, (((1,), (1,)), ((), ())),
                          precision=ENC_PREC)
    cos = jnp.clip(raw, -1.0, 1.0)
    o_ref[...] = 2.0 - jnp.sqrt(2.0 - 2.0 * cos)


_NCHUNK = HID // 16
_CBUF = 256
_CAP = 224


def _sc_process_row(src, dst, row_v, zbuf_v, cbv_v, cbi_v):
    pltpu.sync_copy(src, row_v)

    def _mom(i, carry):
        s, mx = carry
        v = row_v[pl.ds(i * 16, 16)]
        return s + v, jnp.maximum(mx, v)

    s, mx = lax.fori_loop(
        0, _NCHUNK, _mom,
        (jnp.zeros((16,), jnp.float32), jnp.full((16,), -1.0, jnp.float32)))
    mu = jnp.sum(s) * (1.0 / HID)
    big = jnp.max(mx)

    neg1 = jnp.full((16,), -1.0, jnp.float32)

    def _collect(theta):
        for j in range(_CBUF // 16):
            cbv_v[pl.ds(j * 16, 16)] = neg1

        def _cbody(i, cnt):
            v = row_v[pl.ds(i * 16, 16)]
            m = v > theta
            c = jnp.sum(m.astype(jnp.int32))

            @pl.when((c > 0) & (cnt <= _CAP))
            def _():
                idx = lax.iota(jnp.int32, 16) + i * 16
                plsc.store_compressed(cbv_v.at[pl.ds(cnt, 16)], v, mask=m)
                plsc.store_compressed(cbi_v.at[pl.ds(cnt, 16)], idx, mask=m)

            return cnt + c

        return lax.fori_loop(0, _NCHUNK, _cbody, jnp.int32(0))

    def _wcond(carry):
        _, _, _, cnt, it = carry
        return ((cnt < TOPK) | (cnt > _CAP)) & (it < 10)

    def _wbody(carry):
        tlo, thi, theta, _, it = carry
        cnt = _collect(theta)
        tlo = jnp.where(cnt > _CAP, theta, tlo)
        thi = jnp.where(cnt < TOPK, theta, thi)
        return tlo, thi, 0.5 * (tlo + thi), cnt, it + 1

    theta0 = big - 0.26 * (big - mu)
    _, _, _, cnt, _ = lax.while_loop(
        _wcond, _wbody,
        (mu - (big - mu), big, theta0, jnp.int32(-1), jnp.int32(0)))
    success = (cnt >= TOPK) & (cnt <= _CAP)

    @pl.when(success)
    def _small():
        vals = [cbv_v[pl.ds(j * 16, 16)] for j in range(_CBUF // 16)]
        idxs = [cbi_v[pl.ds(j * 16, 16)] for j in range(_CBUF // 16)]
        bits = [plsc.bitcast(v, jnp.int32) for v in vals]

        def _vbit(i, tau):
            cand = tau | lax.shift_left(jnp.int32(1), 30 - i)
            acc = jnp.zeros((16,), jnp.int32)
            for b in bits:
                acc = acc + (b >= cand).astype(jnp.int32)
            return jnp.where(jnp.sum(acc) >= TOPK, cand, tau)

        tau = lax.fori_loop(0, 31, _vbit, jnp.int32(0))

        accm = jnp.zeros((16,), jnp.int32)
        for b in bits:
            accm = accm + (b > tau).astype(jnp.int32)
        need = TOPK - jnp.sum(accm)

        def _ibit(i, c):
            cand = c | lax.shift_left(jnp.int32(1), 13 - i)
            acc = jnp.zeros((16,), jnp.int32)
            for b, ix in zip(bits, idxs):
                acc = acc + ((b == tau) & (ix < cand)).astype(jnp.int32)
            return jnp.where(jnp.sum(acc) < need, cand, c)

        cidx = lax.fori_loop(0, 14, _ibit, jnp.int32(0))

        zero16 = jnp.zeros((16,), jnp.float32)
        sels = []
        for b, ix, v in zip(bits, idxs, vals):
            sel = (b > tau) | ((b == tau) & (ix <= cidx))
            sels.append(sel)
            plsc.store_scatter(zbuf_v, [ix], v, mask=sel)
        pltpu.sync_copy(zbuf_v, dst)
        for ix, sel in zip(idxs, sels):
            plsc.store_scatter(zbuf_v, [ix], zero16, mask=sel)

    @pl.when(jnp.logical_not(success))
    def _full():
        def _count_ge(cand):
            def _b(i, cnt):
                v = row_v[pl.ds(i * 16, 16)]
                b = plsc.bitcast(v, jnp.int32)
                return cnt + jnp.sum((b >= cand).astype(jnp.int32))
            return lax.fori_loop(0, _NCHUNK, _b, jnp.int32(0))

        def _vbit(i, tau):
            cand = tau | lax.shift_left(jnp.int32(1), 30 - i)
            return jnp.where(_count_ge(cand) >= TOPK, cand, tau)

        tau = lax.fori_loop(0, 31, _vbit, jnp.int32(0))
        need = TOPK - _count_ge(tau + 1)

        def _ibit(i, c):
            cand = c | lax.shift_left(jnp.int32(1), 13 - i)

            def _b(k, cnt):
                v = row_v[pl.ds(k * 16, 16)]
                b = plsc.bitcast(v, jnp.int32)
                ix = lax.iota(jnp.int32, 16) + k * 16
                return cnt + jnp.sum(((b == tau) & (ix < cand)).astype(jnp.int32))

            return jnp.where(lax.fori_loop(0, _NCHUNK, _b, jnp.int32(0)) < need,
                             cand, c)

        cidx = lax.fori_loop(0, 14, _ibit, jnp.int32(0))

        def _w(k, _):
            v = row_v[pl.ds(k * 16, 16)]
            b = plsc.bitcast(v, jnp.int32)
            ix = lax.iota(jnp.int32, 16) + k * 16
            sel = (b > tau) | ((b == tau) & (ix <= cidx))
            zbuf_v[pl.ds(k * 16, 16)] = jnp.where(sel, v, 0.0)
            return 0

        lax.fori_loop(0, _NCHUNK, _w, 0)
        pltpu.sync_copy(zbuf_v, dst)

        def _z(k, _):
            zbuf_v[pl.ds(k * 16, 16)] = jnp.zeros((16,), jnp.float32)
            return 0

        lax.fori_loop(0, _NCHUNK, _z, 0)


def _sc_topk_body(av, at, lv, lt, row_v, zbuf_v, cbv_v, cbi_v):
    nc = 2
    wid = lax.axis_index("s") * nc + lax.axis_index("c")

    def _z(k, _):
        zbuf_v[pl.ds(k * 16, 16)] = jnp.zeros((16,), jnp.float32)
        return 0

    lax.fori_loop(0, _NCHUNK, _z, 0)

    def _vrow(rep, _):
        r = wid * 4 + rep
        _sc_process_row(av.at[r], lv.at[r], row_v, zbuf_v, cbv_v, cbi_v)
        return 0

    lax.fori_loop(0, 4, _vrow, 0)

    @pl.when(wid < 16)
    def _():
        _sc_process_row(at.at[wid], lt.at[wid], row_v, zbuf_v, cbv_v, cbi_v)


def _dec_kernel(l_ref, d_ref, b_ref, o_ref):
    @pl.when(pl.program_id(0) == 0)
    def _init():
        o_ref[...] = jnp.broadcast_to(b_ref[...], o_ref.shape)
    o_ref[...] += lax.dot_general(l_ref[...], d_ref[...],
                                  (((1,), (1,)), ((), ())),
                                  precision=DEC_PREC)


def _encode(x, enc, hb):
    r = x.shape[0]
    return pl.pallas_call(
        _enc_kernel,
        grid=(HID // hb,),
        in_specs=[
            pl.BlockSpec((r, D), lambda h: (0, 0)),
            pl.BlockSpec((hb, D), lambda h: (h, 0)),
        ],
        out_specs=pl.BlockSpec((r, hb), lambda h: (0, h)),
        out_shape=jax.ShapeDtypeStruct((r, HID), jnp.float32),
        interpret=_INTERPRET,
    )(x, enc)


def _topk_latent_sc(acts_v, acts_t):
    mesh = plsc.VectorSubcoreMesh(core_axis_name="c", subcore_axis_name="s",
                                  num_cores=2)
    f = pl.kernel(
        _sc_topk_body,
        mesh=mesh,
        compiler_params=pltpu.CompilerParams(needs_layout_passes=False),
        out_type=[
            jax.ShapeDtypeStruct((B * NUM_VIEWS, HID), jnp.float32),
            jax.ShapeDtypeStruct((B, HID), jnp.float32),
        ],
        scratch_types=[
            pltpu.VMEM((HID,), jnp.float32),
            pltpu.VMEM((HID,), jnp.float32),
            pltpu.VMEM((_CBUF,), jnp.float32),
            pltpu.VMEM((_CBUF,), jnp.int32),
        ],
    )
    return f(acts_v, acts_t)


def _decode(latent, dec_w, dec_b, hb):
    r = latent.shape[0]
    return pl.pallas_call(
        _dec_kernel,
        grid=(HID // hb,),
        in_specs=[
            pl.BlockSpec((r, hb), lambda h: (0, h)),
            pl.BlockSpec((D, hb), lambda h: (0, h)),
            pl.BlockSpec((1, D), lambda h: (0, 0)),
        ],
        out_specs=pl.BlockSpec((r, D), lambda h: (0, 0)),
        out_shape=jax.ShapeDtypeStruct((r, D), jnp.float32),
        interpret=_INTERPRET,
    )(latent, dec_w, dec_b.reshape(1, D))


def kernel(v_pad, v_len, grid_thws, t_pad, t_mask, centers,
           encoder_v, decoder_v_w, decoder_v_b,
           encoder_t, decoder_t_w, decoder_t_b):
    del v_len
    v0 = v_pad[:, 0, :]
    cx = centers[:, :, 0]
    cy = centers[:, :, 1]
    gt = grid_thws[0]

    t_global, xn_t, v_views, xn_v = pl.pallas_call(
        _prep_kernel,
        in_specs=[
            pl.BlockSpec(memory_space=pltpu.SMEM),
            pl.BlockSpec((B, T_LEN, D), lambda: (0, 0, 0)),
            pl.BlockSpec((B, T_LEN), lambda: (0, 0)),
            pl.BlockSpec((B, D), lambda: (0, 0)),
            pl.BlockSpec((B, NUM_VIEWS), lambda: (0, 0)),
            pl.BlockSpec((B, NUM_VIEWS), lambda: (0, 0)),
        ],
        out_specs=[
            pl.BlockSpec((B, D), lambda: (0, 0)),
            pl.BlockSpec((B, D), lambda: (0, 0)),
            pl.BlockSpec((B, NUM_VIEWS, D), lambda: (0, 0, 0)),
            pl.BlockSpec((B, NUM_VIEWS, D), lambda: (0, 0, 0)),
        ],
        out_shape=[
            jax.ShapeDtypeStruct((B, D), jnp.float32),
            jax.ShapeDtypeStruct((B, D), jnp.float32),
            jax.ShapeDtypeStruct((B, NUM_VIEWS, D), jnp.float32),
            jax.ShapeDtypeStruct((B, NUM_VIEWS, D), jnp.float32),
        ],
        interpret=_INTERPRET,
    )(gt, t_pad, t_mask, v0, cx, cy)

    xv = xn_v.reshape(B * NUM_VIEWS, D)

    acts_v = _encode(xv, encoder_v, 2048)
    acts_t = _encode(xn_t, encoder_t, 2048)

    latent_v, latent_t = _topk_latent_sc(acts_v, acts_t)

    recon_v = _decode(latent_v, decoder_v_w, decoder_v_b, 2048)
    recon_t = _decode(latent_t, decoder_t_w, decoder_t_b, 2048)

    return (recon_v.reshape(B, NUM_VIEWS, D), v_views, recon_t, t_global,
            latent_v.reshape(B, NUM_VIEWS, HID), latent_t)

# --- scband reference (transcript-rebuilt; emitter-appended) ---
"""Pipeline reference for scband-asymmetric-multimodal-sae-58385785422191 (READ-ONLY COPY).

The authoritative reference and input builder live on the scoring server;
editing this copy changes nothing except your own understanding.
"""

import jax, jax.numpy as jnp
import numpy as np

B = 16
L_PAD = 1024
D = 1024
HID = 16384
TOPK = 32
NUM_VIEWS = 8
GAMMA = 10.0
EPS = 1e-6
T_LEN = 256


def _l2norm(x, axis):
    n = jnp.sqrt(jnp.sum(x * x, axis=axis, keepdims=True))
    return x / jnp.clip(n, 1e-12)


def _sae(x, enc, dec_w, dec_b, topk):
    w = _l2norm(enc, 1)
    xn = _l2norm(x, -1)
    cos = xn @ w.T
    cos = jnp.clip(cos, -1.0, 1.0)
    acts = 2.0 - jnp.sqrt(2.0 - 2.0 * cos)
    vals, idx = jax.lax.top_k(acts, topk)
    rows = jnp.arange(acts.shape[0])[:, None]
    latent = jnp.zeros_like(acts).at[rows, idx].set(vals)
    recon = latent @ dec_w.T + dec_b
    return recon, latent


def _sampler(v_pad, grid_thws, centers):
    Hg_static = 1
    Wg_static = 1
    Hg = grid_thws[0, 1].astype(jnp.float32)
    Wg = grid_thws[0, 2].astype(jnp.float32)
    L = Hg_static * Wg_static
    y = (jnp.arange(Hg_static, dtype=jnp.float32) + 0.5) / Hg
    x = (jnp.arange(Wg_static, dtype=jnp.float32) + 0.5) / Wg
    gy, gx = jnp.meshgrid(y, x, indexing='ij')
    coords = jnp.stack([gx.ravel(), gy.ravel()], axis=-1)
    diff = centers[:, :, None, :] - coords[None, None, :, :]
    dist_sq = jnp.sum(diff ** 2, axis=-1)
    m = jnp.exp(-GAMMA * dist_sq)
    valid = v_pad[:, :L, :]
    num = jnp.einsum('bkl,bld->bkd', m, valid)
    den = jnp.sum(m, axis=-1, keepdims=True) + EPS
    return num / den


def _forward(v_pad, t_pad, t_mask, centers, enc_v, dec_v_w, dec_v_b, enc_t, dec_t_w, dec_t_b, grid_thws):
    t_sum = jnp.sum(t_pad * t_mask[:, :, None], axis=1)
    t_global = t_sum / (jnp.sum(t_mask, axis=1, keepdims=True) + 1e-6)
    v_views = _sampler(v_pad, grid_thws, centers)
    recon_t, latent_t = _sae(t_global, enc_t, dec_t_w, dec_t_b, TOPK)
    Bv, K, Dv = v_views.shape
    recon_v_flat, latent_v_flat = _sae(v_views.reshape(Bv * K, Dv), enc_v, dec_v_w, dec_v_b, TOPK)
    recon_v = recon_v_flat.reshape(Bv, K, Dv)
    latent_v = latent_v_flat.reshape(Bv, K, -1)
    return (recon_v, v_views, recon_t, t_global, latent_v, latent_t)


def setup_inputs(seed: int = 0):
    key = jax.random.key(seed)
    ks = jax.random.split(key, 10)
    v_pad = jax.random.normal(ks[0], (B, L_PAD, D), jnp.float32)
    v_len = jax.random.randint(ks[1], (B,), 1, L_PAD + 1, dtype=jnp.int32)
    grid_thws = jnp.ones((B, 3), dtype=jnp.int32)
    t_pad = jax.random.normal(ks[2], (B, T_LEN, D), jnp.float32)
    t_mask = jnp.ones((B, T_LEN), jnp.float32)
    centers = jax.random.uniform(ks[3], (B, NUM_VIEWS, 2), dtype=jnp.float32)
    encoder_v = jax.random.normal(ks[4], (HID, D), jnp.float32) * 0.02
    decoder_v_w = jax.random.normal(ks[5], (D, HID), jnp.float32) * 0.02
    decoder_v_b = jnp.zeros((D,), jnp.float32)
    encoder_t = jax.random.normal(ks[6], (HID, D), jnp.float32) * 0.02
    decoder_t_w = jax.random.normal(ks[7], (D, HID), jnp.float32) * 0.02
    decoder_t_b = jnp.zeros((D,), jnp.float32)
    return {"v_pad": v_pad, "v_len": v_len, "grid_thws": grid_thws, "t_pad": t_pad, "t_mask": t_mask, "centers": centers, "encoder_v": encoder_v, "decoder_v_w": decoder_v_w, "decoder_v_b": decoder_v_b, "encoder_t": encoder_t, "decoder_t_w": decoder_t_w, "decoder_t_b": decoder_t_b}


def reference(v_pad, v_len, grid_thws, t_pad, t_mask, centers, encoder_v, decoder_v_w, decoder_v_b, encoder_t, decoder_t_w, decoder_t_b):
    return _forward(v_pad, t_pad, t_mask, centers, encoder_v, decoder_v_w, decoder_v_b, encoder_t, decoder_t_w, decoder_t_b, grid_thws)

if __name__ == "__main__":
    import jax
    _d = setup_inputs()
    print(jax.jit(kernel)(*tuple(_d.values())))

</pallas_src>

<mosaic_0001>
#map = affine_map<(d0, d1) -> (0, 0)>
module attributes {stable_mosaic.version = 14 : i64} {
  func.func @_sc_topk_body(%arg0: i32, %arg1: i32, %arg2: memref<128x16384xf32, #tpu.memory_space<hbm>>, %arg3: memref<16x16384xf32, #tpu.memory_space<hbm>>, %arg4: memref<128x16384xf32, #tpu.memory_space<hbm>>, %arg5: memref<16x16384xf32, #tpu.memory_space<hbm>>, %arg6: memref<16384xf32, #tpu.memory_space<vmem>>, %arg7: memref<16384xf32, #tpu.memory_space<vmem>>, %arg8: memref<256xf32, #tpu.memory_space<vmem>>, %arg9: memref<256xi32, #tpu.memory_space<vmem>>) attributes {dimension_semantics = [#tpu.dimension_semantics<core_parallel>, #tpu.dimension_semantics<subcore_parallel>], iteration_bounds = array<i64: 2, 16>, scalar_prefetch = 0 : i64, scratch_operands = 4 : i64, tpu.core_type = #tpu.core_type<sc_vector_subcore>, window_params = [{transform_indices = #map}, {transform_indices = #map}, {transform_indices = #map}, {transform_indices = #map}]} {
    %mul3A = arith.constant 2 : i32
    %mul3A_0 = arith.muli %arg1, %mul3A : i32
    %add3A = arith.addi %mul3A_0, %arg0 : i32
    %scan3A = arith.constant 0 : i32
    %scan3A_1 = arith.constant 0 : i32
    %scan3A_2 = arith.constant 1024 : i32
    %scan3A_3 = arith.addi %scan3A_1, %scan3A_2 : i32
    %scan3A_4 = arith.constant 1 : i32
    %scan3A_5 = scf.for %scan3A_16 = %scan3A_1 to %scan3A_3 step %scan3A_4 iter_args(%scan3A_17 = %scan3A) -> (i32)  : i32 {
      %broadcast_in_dim3A = arith.constant 0.000000e+00 : f32
      %broadcast_in_dim3A_18 = vector.broadcast %broadcast_in_dim3A : f32 to vector<16xf32>
      %mul3A_19 = arith.constant 16 : i32
      %mul3A_20 = arith.muli %scan3A_16, %mul3A_19 : i32
      %swap3A = arith.index_cast %mul3A_20 : i32 to index
      %swap3A_21 = tpu.vector_load %arg7[%swap3A] {strides = array<i32>} : memref<16384xf32, #tpu.memory_space<vmem>>, vector<16xf32>,
      tpu.vector_store %arg7[%swap3A], %broadcast_in_dim3A_18 {strides = array<i32>} : memref<16384xf32, #tpu.memory_space<vmem>>, vector<16xf32>,
      %scan3A_22 = arith.constant 0 : i32
      scf.yield %scan3A_22 : i32
    }
    %scan3A_6 = arith.constant 1024 : i32
    %scan3A_7 = arith.constant 0 : i32
    %scan3A_8 = arith.constant 0 : i32
    %scan3A_9 = arith.constant 4 : i32
    %scan3A_10 = arith.addi %scan3A_8, %scan3A_9 : i32
    %scan3A_11 = arith.constant 1 : i32
    %scan3A_12 = scf.for %scan3A_16 = %scan3A_8 to %scan3A_10 step %scan3A_11 iter_args(%scan3A_17 = %scan3A_7) -> (i32)  : i32 {
      %mul3A_18 = arith.constant 4 : i32
      %mul3A_19 = arith.muli %add3A, %mul3A_18 : i32
      %add3A_20 = arith.addi %mul3A_19, %scan3A_16 : i32
      "tpu.region"() ({
        %run_scoped3A = tpu.sem_alloc : memref<!tpu.dma_semaphore, #tpu.memory_space<semaphore_mem>>
        %dma_start3A = arith.constant 0 : i32
        %dma_start3A_57 = tpu.memref_slice %arg2[%add3A_20, %dma_start3A] : memref<128x16384xf32, #tpu.memory_space<hbm>> -> memref<1x16384xf32, #tpu.memory_space<hbm>>
        %dma_start3A_58 = tpu.memref_squeeze %dma_start3A_57 : memref<1x16384xf32, #tpu.memory_space<hbm>> -> memref<16384xf32, #tpu.memory_space<hbm>>
        %dma_start3A_59 = arith.constant 0 : i32
        %dma_start3A_60 = tpu.memref_slice %arg2[%add3A_20, %dma_start3A_59] : memref<128x16384xf32, #tpu.memory_space<hbm>> -> memref<1x16384xf32, #tpu.memory_space<hbm>>
        %dma_start3A_61 = tpu.memref_squeeze %dma_start3A_60 : memref<1x16384xf32, #tpu.memory_space<hbm>> -> memref<16384xf32, #tpu.memory_space<hbm>>
        tpu.enqueue_dma source(%dma_start3A_61 : memref<16384xf32, #tpu.memory_space<hbm>>) target(%arg6 : memref<16384xf32, #tpu.memory_space<vmem>>) target_semaphore(%run_scoped3A : memref<!tpu.dma_semaphore, #tpu.memory_space<semaphore_mem>>)
        %dma_wait3A = arith.constant 0 : i32
        %dma_wait3A_62 = tpu.memref_slice %arg2[%add3A_20, %dma_wait3A] : memref<128x16384xf32, #tpu.memory_space<hbm>> -> memref<1x16384xf32, #tpu.memory_space<hbm>>
        %dma_wait3A_63 = tpu.memref_squeeze %dma_wait3A_62 : memref<1x16384xf32, #tpu.memory_space<hbm>> -> memref<16384xf32, #tpu.memory_space<hbm>>
        %dma_wait3A_64 = arith.constant 0 : i32
        %dma_wait3A_65 = tpu.memref_slice %arg2[%add3A_20, %dma_wait3A_64] : memref<128x16384xf32, #tpu.memory_space<hbm>> -> memref<1x16384xf32, #tpu.memory_space<hbm>>
        %dma_wait3A_66 = tpu.memref_squeeze %dma_wait3A_65 : memref<1x16384xf32, #tpu.memory_space<hbm>> -> memref<16384xf32, #tpu.memory_space<hbm>>
        tpu.wait_dma2 semaphore(%run_scoped3A : memref<!tpu.dma_semaphore, #tpu.memory_space<semaphore_mem>>) src(%dma_wait3A_66 : memref<16384xf32, #tpu.memory_space<hbm>>) dst(%arg6 : memref<16384xf32, #tpu.memory_space<vmem>>)
        tpu.yield
      }) : () -> ()
      %broadcast_in_dim3A = arith.constant 0.000000e+00 : f32
      %broadcast_in_dim3A_21 = vector.broadcast %broadcast_in_dim3A : f32 to vector<16xf32>
      %broadcast_in_dim3A_22 = arith.constant -1.000000e+00 : f32
      %broadcast_in_dim3A_23 = vector.broadcast %broadcast_in_dim3A_22 : f32 to vector<16xf32>
      %scan3A_24 = arith.constant 0 : i32
      %scan3A_25 = arith.constant 1024 : i32
      %scan3A_26 = arith.addi %scan3A_24, %scan3A_25 : i32
      %scan3A_27 = arith.constant 1 : i32
      %scan3A_28:2 = scf.for %scan3A_57 = %scan3A_24 to %scan3A_26 step %scan3A_27 iter_args(%scan3A_58 = %broadcast_in_dim3A_21, %scan3A_59 = %broadcast_in_dim3A_23) -> (vector<16xf32>, vector<16xf32>)  : i32 {
        %mul3A_60 = arith.constant 16 : i32
        %mul3A_61 = arith.muli %scan3A_57, %mul3A_60 : i32
        %get3A = arith.index_cast %mul3A_61 : i32 to index
        %get3A_62 = tpu.vector_load %arg6[%get3A] {strides = array<i32>} : memref<16384xf32, #tpu.memory_space<vmem>>, vector<16xf32>,
        %add3A_63 = arith.addf %scan3A_58, %get3A_62 : vector<16xf32>
        %max3A = arith.maximumf %scan3A_59, %get3A_62 : vector<16xf32>
        scf.yield %add3A_63, %max3A : vector<16xf32>, vector<16xf32>
      }
      %scan3A_29 = arith.constant 1024 : i32
      %reduce_sum3A = arith.constant true
      %reduce_sum3A_30 = vector.broadcast %reduce_sum3A : i1 to vector<16xi1>
      %reduce_sum3A_31 = tpu.scan <sum>, %scan3A_28#0 masked %reduce_sum3A_30 : vector<16xf32>, vector<16xi1> -> vector<16xf32>
      %reduce_sum3A_32 = vector.extract %reduce_sum3A_31[15] : f32 from vector<16xf32>
      %mul3A_33 = arith.constant 6.10351563E-5 : f32
      %mul3A_34 = arith.mulf %reduce_sum3A_32, %mul3A_33 : f32
      %reduce_max3A = arith.constant true
      %reduce_max3A_35 = vector.broadcast %reduce_max3A : i1 to vector<16xi1>
      %reduce_max3A_36 = tpu.scan <max>, %scan3A_28#1 masked %reduce_max3A_35 : vector<16xf32>, vector<16xi1> -> vector<16xf32>
      %reduce_max3A_37 = vector.extract %reduce_max3A_36[15] : f32 from vector<16xf32>
      %broadcast_in_dim3A_38 = arith.constant -1.000000e+00 : f32
      %broadcast_in_dim3A_39 = vector.broadcast %broadcast_in_dim3A_38 : f32 to vector<16xf32>
      %sub3A = arith.subf %reduce_max3A_37, %mul3A_34 : f32
      %mul3A_40 = arith.constant 2.600000e-01 : f32
      %mul3A_41 = arith.mulf %mul3A_40, %sub3A : f32
      %sub3A_42 = arith.subf %reduce_max3A_37, %mul3A_41 : f32
      %sub3A_43 = arith.subf %reduce_max3A_37, %mul3A_34 : f32
      %sub3A_44 = arith.subf %mul3A_34, %sub3A_43 : f32
      %while3A = arith.constant -1 : i32
      %while3A_45 = arith.constant 0 : i32
      %while3A_46:5 = scf.while (%while3A_57 = %sub3A_44, %while3A_58 = %reduce_max3A_37, %while3A_59 = %sub3A_42, %while3A_60 = %while3A, %while3A_61 = %while3A_45) : (f32, f32, f32, i32, i32) -> (f32, f32, f32, i32, i32) {
        %lt3A_62 = arith.constant 32 : i32
        %lt3A_63 = arith.cmpi slt, %while3A_60, %lt3A_62 : i32
        %gt3A = arith.constant 224 : i32
        %gt3A_64 = arith.cmpi sgt, %while3A_60, %gt3A : i32
        %or3A = arith.ori %lt3A_63, %gt3A_64 : i1
        %lt3A_65 = arith.constant 10 : i32
        %lt3A_66 = arith.cmpi slt, %while3A_61, %lt3A_65 : i32
        %and3A_67 = arith.andi %or3A, %lt3A_66 : i1
        scf.condition(%and3A_67) %while3A_57, %while3A_58, %while3A_59, %while3A_60, %while3A_61 : f32, f32, f32, i32, i32
      } do {
      ^bb0(%while3A_57: f32, %while3A_58: f32, %while3A_59: f32, %while3A_60: i32, %while3A_61: i32):
        %swap3A = arith.constant 0 : index
        %swap3A_62 = tpu.vector_load %arg8[%swap3A] {strides = array<i32>} : memref<256xf32, #tpu.memory_space<vmem>>, vector<16xf32>,
        tpu.vector_store %arg8[%swap3A], %broadcast_in_dim3A_39 {strides = array<i32>} : memref<256xf32, #tpu.memory_space<vmem>>, vector<16xf32>,
        %swap3A_63 = arith.constant 16 : index
        %swap3A_64 = tpu.vector_load %arg8[%swap3A_63] {strides = array<i32>} : memref<256xf32, #tpu.memory_space<vmem>>, vector<16xf32>,
        tpu.vector_store %arg8[%swap3A_63], %broadcast_in_dim3A_39 {strides = array<i32>} : memref<256xf32, #tpu.memory_space<vmem>>, vector<16xf32>,
        %swap3A_65 = arith.constant 32 : index
        %swap3A_66 = tpu.vector_load %arg8[%swap3A_65] {strides = array<i32>} : memref<256xf32, #tpu.memory_space<vmem>>, vector<16xf32>,
        tpu.vector_store %arg8[%swap3A_65], %broadcast_in_dim3A_39 {strides = array<i32>} : memref<256xf32, #tpu.memory_space<vmem>>, vector<16xf32>,
        %swap3A_67 = arith.constant 48 : index
        %swap3A_68 = tpu.vector_load %arg8[%swap3A_67] {strides = array<i32>} : memref<256xf32, #tpu.memory_space<vmem>>, vector<16xf32>,
        tpu.vector_store %arg8[%swap3A_67], %broadcast_in_dim3A_39 {strides = array<i32>} : memref<256xf32, #tpu.memory_space<vmem>>, vector<16xf32>,
        %swap3A_69 = arith.constant 64 : index
        %swap3A_70 = tpu.vector_load %arg8[%swap3A_69] {strides = array<i32>} : memref<256xf32, #tpu.memory_space<vmem>>, vector<16xf32>,
        tpu.vector_store %arg8[%swap3A_69], %broadcast_in_dim3A_39 {strides = array<i32>} : memref<256xf32, #tpu.memory_space<vmem>>, vector<16xf32>,
        %swap3A_71 = arith.constant 80 : index
        %swap3A_72 = tpu.vector_load %arg8[%swap3A_71] {strides = array<i32>} : memref<256xf32, #tpu.memory_space<vmem>>, vector<16xf32>,
        tpu.vector_store %arg8[%swap3A_71], %broadcast_in_dim3A_39 {strides = array<i32>} : memref<256xf32, #tpu.memory_space<vmem>>, vector<16xf32>,
        %swap3A_73 = arith.constant 96 : index
        %swap3A_74 = tpu.vector_load %arg8[%swap3A_73] {strides = array<i32>} : memref<256xf32, #tpu.memory_space<vmem>>, vector<16xf32>,
        tpu.vector_store %arg8[%swap3A_73], %broadcast_in_dim3A_39 {strides = array<i32>} : memref<256xf32, #tpu.memory_space<vmem>>, vector<16xf32>,
        %swap3A_75 = arith.constant 112 : index
        %swap3A_76 = tpu.vector_load %arg8[%swap3A_75] {strides = array<i32>} : memref<256xf32, #tpu.memory_space<vmem>>, vector<16xf32>,
        tpu.vector_store %arg8[%swap3A_75], %broadcast_in_dim3A_39 {strides = array<i32>} : memref<256xf32, #tpu.memory_space<vmem>>, vector<16xf32>,
        %swap3A_77 = arith.constant 128 : index
        %swap3A_78 = tpu.vector_load %arg8[%swap3A_77] {strides = array<i32>} : memref<256xf32, #tpu.memory_space<vmem>>, vector<16xf32>,
        tpu.vector_store %arg8[%swap3A_77], %broadcast_in_dim3A_39 {strides = array<i32>} : memref<256xf32, #tpu.memory_space<vmem>>, vector<16xf32>,
        %swap3A_79 = arith.constant 144 : index
        %swap3A_80 = tpu.vector_load %arg8[%swap3A_79] {strides = array<i32>} : memref<256xf32, #tpu.memory_space<vmem>>, vector<16xf32>,
        tpu.vector_store %arg8[%swap3A_79], %broadcast_in_dim3A_39 {strides = array<i32>} : memref<256xf32, #tpu.memory_space<vmem>>, vector<16xf32>,
        %swap3A_81 = arith.constant 160 : index
        %swap3A_82 = tpu.vector_load %arg8[%swap3A_81] {strides = array<i32>} : memref<256xf32, #tpu.memory_space<vmem>>, vector<16xf32>,
        tpu.vector_store %arg8[%swap3A_81], %broadcast_in_dim3A_39 {strides = array<i32>} : memref<256xf32, #tpu.memory_space<vmem>>, vector<16xf32>,
        %swap3A_83 = arith.constant 176 : index
        %swap3A_84 = tpu.vector_load %arg8[%swap3A_83] {strides = array<i32>} : memref<256xf32, #tpu.memory_space<vmem>>, vector<16xf32>,
        tpu.vector_store %arg8[%swap3A_83], %broadcast_in_dim3A_39 {strides = array<i32>} : memref<256xf32, #tpu.memory_space<vmem>>, vector<16xf32>,
        %swap3A_85 = arith.constant 192 : index
        %swap3A_86 = tpu.vector_load %arg8[%swap3A_85] {strides = array<i32>} : memref<256xf32, #tpu.memory_space<vmem>>, vector<16xf32>,
        tpu.vector_store %arg8[%swap3A_85], %broadcast_in_dim3A_39 {strides = array<i32>} : memref<256xf32, #tpu.memory_space<vmem>>, vector<16xf32>,
        %swap3A_87 = arith.constant 208 : index
        %swap3A_88 = tpu.vector_load %arg8[%swap3A_87] {strides = array<i32>} : memref<256xf32, #tpu.memory_space<vmem>>, vector<16xf32>,
        tpu.vector_store %arg8[%swap3A_87], %broadcast_in_dim3A_39 {strides = array<i32>} : memref<256xf32, #tpu.memory_space<vmem>>, vector<16xf32>,
        %swap3A_89 = arith.constant 224 : index
        %swap3A_90 = tpu.vector_load %arg8[%swap3A_89] {strides = array<i32>} : memref<256xf32, #tpu.memory_space<vmem>>, vector<16xf32>,
        tpu.vector_store %arg8[%swap3A_89], %broadcast_in_dim3A_39 {strides = array<i32>} : memref<256xf32, #tpu.memory_space<vmem>>, vector<16xf32>,
        %swap3A_91 = arith.constant 240 : index
        %swap3A_92 = tpu.vector_load %arg8[%swap3A_91] {strides = array<i32>} : memref<256xf32, #tpu.memory_space<vmem>>, vector<16xf32>,
        tpu.vector_store %arg8[%swap3A_91], %broadcast_in_dim3A_39 {strides = array<i32>} : memref<256xf32, #tpu.memory_space<vmem>>, vector<16xf32>,
        %scan3A_93 = arith.constant 0 : i32
        %scan3A_94 = arith.constant 0 : i32
        %scan3A_95 = arith.constant 1024 : i32
        %scan3A_96 = arith.addi %scan3A_94, %scan3A_95 : i32
        %scan3A_97 = arith.constant 1 : i32
        %scan3A_98 = scf.for %scan3A_109 = %scan3A_94 to %scan3A_96 step %scan3A_97 iter_args(%scan3A_110 = %scan3A_93) -> (i32)  : i32 {
          %mul3A_111 = arith.constant 16 : i32
          %mul3A_112 = arith.muli %scan3A_109, %mul3A_111 : i32
          %get3A = arith.index_cast %mul3A_112 : i32 to index
          %get3A_113 = tpu.vector_load %arg6[%get3A] {strides = array<i32>} : memref<16384xf32, #tpu.memory_space<vmem>>, vector<16xf32>,
          %gt3A_114 = vector.broadcast %while3A_59 : f32 to vector<16xf32>
          %gt3A_115 = arith.cmpf ogt, %get3A_113, %gt3A_114 : vector<16xf32>
          %convert_element_type3A_116 = arith.extui %gt3A_115 : vector<16xi1> to vector<16xi32>
          %reduce_sum3A_117 = arith.constant true
          %reduce_sum3A_118 = vector.broadcast %reduce_sum3A_117 : i1 to vector<16xi1>
          %reduce_sum3A_119 = tpu.scan <sum>, %convert_element_type3A_116 masked %reduce_sum3A_118 : vector<16xi32>, vector<16xi1> -> vector<16xi32>
          %reduce_sum3A_120 = vector.extract %reduce_sum3A_119[15] : i32 from vector<16xi32>
          %gt3A_121 = arith.constant 0 : i32
          %gt3A_122 = arith.cmpi sgt, %reduce_sum3A_120, %gt3A_121 : i32
          %le3A_123 = arith.constant 224 : i32
          %le3A_124 = arith.cmpi sle, %scan3A_110, %le3A_123 : i32
          %and3A_125 = arith.andi %gt3A_122, %le3A_124 : i1
          %convert_element_type3A_126 = arith.extui %and3A_125 : i1 to i32
          %cond3A_127 = arith.constant 0 : i32
          %cond3A_128 = arith.cmpi ne, %convert_element_type3A_126, %cond3A_127 : i32
          scf.if %cond3A_128 {
            %iota3A = tpu.iota {dimensions = array<i32: 0>} : vector<16xi32>
            %mul3A_130 = arith.constant 16 : i32
            %mul3A_131 = arith.muli %scan3A_109, %mul3A_130 : i32
            %add3A_132 = vector.broadcast %mul3A_131 : i32 to vector<16xi32>
            %add3A_133 = arith.addi %iota3A, %add3A_132 : vector<16xi32>
            %swap3A_134 = arith.index_cast %scan3A_110 : i32 to index
            %swap3A_135 = tpu.vector_load %arg8[%swap3A_134] masked %gt3A_115 {strides = array<i32>} : memref<256xf32, #tpu.memory_space<vmem>>, vector<16xf32>, vector<16xi1>
            tpu.vector_store %arg8[%swap3A_134], %get3A_113 masked %gt3A_115 {strides = array<i32>} : memref<256xf32, #tpu.memory_space<vmem>>, vector<16xf32>, vector<16xi1>
            %swap3A_136 = arith.index_cast %scan3A_110 : i32 to index
            %swap3A_137 = tpu.vector_load %arg9[%swap3A_136] masked %gt3A_115 {strides = array<i32>} : memref<256xi32, #tpu.memory_space<vmem>>, vector<16xi32>, vector<16xi1>
            tpu.vector_store %arg9[%swap3A_136], %add3A_133 masked %gt3A_115 {strides = array<i32>} : memref<256xi32, #tpu.memory_space<vmem>>, vector<16xi32>, vector<16xi1>
          } else {
          }
          %add3A_129 = arith.addi %scan3A_110, %reduce_sum3A_120 : i32
          scf.yield %add3A_129 : i32
        }
        %scan3A_99 = arith.constant 1024 : i32
        %gt3A = arith.constant 224 : i32
        %gt3A_100 = arith.cmpi sgt, %scan3A_98, %gt3A : i32
        %select_n3A = arith.select %gt3A_100, %while3A_59, %while3A_57 : f32
        %lt3A_101 = arith.constant 32 : i32
        %lt3A_102 = arith.cmpi slt, %scan3A_98, %lt3A_101 : i32
        %select_n3A_103 = arith.select %lt3A_102, %while3A_59, %while3A_58 : f32
        %add3A_104 = arith.addf %select_n3A, %select_n3A_103 : f32
        %mul3A_105 = arith.constant 5.000000e-01 : f32
        %mul3A_106 = arith.mulf %mul3A_105, %add3A_104 : f32
        %add3A_107 = arith.constant 1 : i32
        %add3A_108 = arith.addi %while3A_61, %add3A_107 : i32
        scf.yield %select_n3A, %select_n3A_103, %mul3A_106, %scan3A_98, %add3A_108 : f32, f32, f32, i32, i32
      }
      %ge3A = arith.constant 32 : i32
      %ge3A_47 = arith.cmpi sge, %while3A_46#3, %ge3A : i32
      %le3A = arith.constant 224 : i32
      %le3A_48 = arith.cmpi sle, %while3A_46#3, %le3A : i32
      %and3A = arith.andi %ge3A_47, %le3A_48 : i1
      %convert_element_type3A_49 = arith.extui %and3A : i1 to i32
      %cond3A_50 = arith.constant 0 : i32
      %cond3A_51 = arith.cmpi ne, %convert_element_type3A_49, %cond3A_50 : i32
      scf.if %cond3A_51 {
        %get3A = arith.constant 0 : index
        %get3A_57 = tpu.vector_load %arg8[%get3A] {strides = array<i32>} : memref<256xf32, #tpu.memory_space<vmem>>, vector<16xf32>,
        %get3A_58 = arith.constant 16 : index
        %get3A_59 = tpu.vector_load %arg8[%get3A_58] {strides = array<i32>} : memref<256xf32, #tpu.memory_space<vmem>>, vector<16xf32>,
        %get3A_60 = arith.constant 32 : index
        %get3A_61 = tpu.vector_load %arg8[%get3A_60] {strides = array<i32>} : memref<256xf32, #tpu.memory_space<vmem>>, vector<16xf32>,
        %get3A_62 = arith.constant 48 : index
        %get3A_63 = tpu.vector_load %arg8[%get3A_62] {strides = array<i32>} : memref<256xf32, #tpu.memory_space<vmem>>, vector<16xf32>,
        %get3A_64 = arith.constant 64 : index
        %get3A_65 = tpu.vector_load %arg8[%get3A_64] {strides = array<i32>} : memref<256xf32, #tpu.memory_space<vmem>>, vector<16xf32>,
        %get3A_66 = arith.constant 80 : index
        %get3A_67 = tpu.vector_load %arg8[%get3A_66] {strides = array<i32>} : memref<256xf32, #tpu.memory_space<vmem>>, vector<16xf32>,
        %get3A_68 = arith.constant 96 : index
        %get3A_69 = tpu.vector_load %arg8[%get3A_68] {strides = array<i32>} : memref<256xf32, #tpu.memory_space<vmem>>, vector<16xf32>,
        %get3A_70 = arith.constant 112 : index
        %get3A_71 = tpu.vector_load %arg8[%get3A_70] {strides = array<i32>} : memref<256xf32, #tpu.memory_space<vmem>>, vector<16xf32>,
        %get3A_72 = arith.constant 128 : index
        %get3A_73 = tpu.vector_load %arg8[%get3A_72] {strides = array<i32>} : memref<256xf32, #tpu.memory_space<vmem>>, vector<16xf32>,
        %get3A_74 = arith.constant 144 : index
        %get3A_75 = tpu.vector_load %arg8[%get3A_74] {strides = array<i32>} : memref<256xf32, #tpu.memory_space<vmem>>, vector<16xf32>,
        %get3A_76 = arith.constant 160 : index
        %get3A_77 = tpu.vector_load %arg8[%get3A_76] {strides = array<i32>} : memref<256xf32, #tpu.memory_space<vmem>>, vector<16xf32>,
        %get3A_78 = arith.constant 176 : index
        %get3A_79 = tpu.vector_load %arg8[%get3A_78] {strides = array<i32>} : memref<256xf32, #tpu.memory_space<vmem>>, vector<16xf32>,
        %get3A_80 = arith.constant 192 : index
        %get3A_81 = tpu.vector_load %arg8[%get3A_80] {strides = array<i32>} : memref<256xf32, #tpu.memory_space<vmem>>, vector<16xf32>,
        %get3A_82 = arith.constant 208 : index
        %get3A_83 = tpu.vector_load %arg8[%get3A_82] {strides = array<i32>} : memref<256xf32, #tpu.memory_space<vmem>>, vector<16xf32>,
        %get3A_84 = arith.constant 224 : index
        %get3A_85 = tpu.vector_load %arg8[%get3A_84] {strides = array<i32>} : memref<256xf32, #tpu.memory_space<vmem>>, vector<16xf32>,
        %get3A_86 = arith.constant 240 : index
        %get3A_87 = tpu.vector_load %arg8[%get3A_86] {strides = array<i32>} : memref<256xf32, #tpu.memory_space<vmem>>, vector<16xf32>,
        %get3A_88 = arith.constant 0 : index
        %get3A_89 = tpu.vector_load %arg9[%get3A_88] {strides = array<i32>} : memref<256xi32, #tpu.memory_space<vmem>>, vector<16xi32>,
        %get3A_90 = arith.constant 16 : index
        %get3A_91 = tpu.vector_load %arg9[%get3A_90] {strides = array<i32>} : memref<256xi32, #tpu.memory_space<vmem>>, vector<16xi32>,
        %get3A_92 = arith.constant 32 : index
        %get3A_93 = tpu.vector_load %arg9[%get3A_92] {strides = array<i32>} : memref<256xi32, #tpu.memory_space<vmem>>, vector<16xi32>,
        %get3A_94 = arith.constant 48 : index
        %get3A_95 = tpu.vector_load %arg9[%get3A_94] {strides = array<i32>} : memref<256xi32, #tpu.memory_space<vmem>>, vector<16xi32>,
        %get3A_96 = arith.constant 64 : index
        %get3A_97 = tpu.vector_load %arg9[%get3A_96] {strides = array<i32>} : memref<256xi32, #tpu.memory_space<vmem>>, vector<16xi32>,
        %get3A_98 = arith.constant 80 : index
        %get3A_99 = tpu.vector_load %arg9[%get3A_98] {strides = array<i32>} : memref<256xi32, #tpu.memory_space<vmem>>, vector<16xi32>,
        %get3A_100 = arith.constant 96 : index
        %get3A_101 = tpu.vector_load %arg9[%get3A_100] {strides = array<i32>} : memref<256xi32, #tpu.memory_space<vmem>>, vector<16xi32>,
        %get3A_102 = arith.constant 112 : index
        %get3A_103 = tpu.vector_load %arg9[%get3A_102] {strides = array<i32>} : memref<256xi32, #tpu.memory_space<vmem>>, vector<16xi32>,
        %get3A_104 = arith.constant 128 : index
        %get3A_105 = tpu.vector_load %arg9[%get3A_104] {strides = array<i32>} : memref<256xi32, #tpu.memory_space<vmem>>, vector<16xi32>,
        %get3A_106 = arith.constant 144 : index
        %get3A_107 = tpu.vector_load %arg9[%get3A_106] {strides = array<i32>} : memref<256xi32, #tpu.memory_space<vmem>>, vector<16xi32>,
        %get3A_108 = arith.constant 160 : index
        %get3A_109 = tpu.vector_load %arg9[%get3A_108] {strides = array<i32>} : memref<256xi32, #tpu.memory_space<vmem>>, vector<16xi32>,
        %get3A_110 = arith.constant 176 : index
        %get3A_111 = tpu.vector_load %arg9[%get3A_110] {strides = array<i32>} : memref<256xi32, #tpu.memory_space<vmem>>, vector<16xi32>,
        %get3A_112 = arith.constant 192 : index
        %get3A_113 = tpu.vector_load %arg9[%get3A_112] {strides = array<i32>} : memref<256xi32, #tpu.memory_space<vmem>>, vector<16xi32>,
        %get3A_114 = arith.constant 208 : index
        %get3A_115 = tpu.vector_load %arg9[%get3A_114] {strides = array<i32>} : memref<256xi32, #tpu.memory_space<vmem>>, vector<16xi32>,
        %get3A_116 = arith.constant 224 : index
        %get3A_117 = tpu.vector_load %arg9[%get3A_116] {strides = array<i32>} : memref<256xi32, #tpu.memory_space<vmem>>, vector<16xi32>,
        %get3A_118 = arith.constant 240 : index
        %get3A_119 = tpu.vector_load %arg9[%get3A_118] {strides = array<i32>} : memref<256xi32, #tpu.memory_space<vmem>>, vector<16xi32>,
        %bitcast3A = vector.bitcast %get3A_57 : vector<16xf32> to vector<16xi32>
        %bitcast3A_120 = vector.bitcast %get3A_59 : vector<16xf32> to vector<16xi32>
        %bitcast3A_121 = vector.bitcast %get3A_61 : vector<16xf32> to vector<16xi32>
        %bitcast3A_122 = vector.bitcast %get3A_63 : vector<16xf32> to vector<16xi32>
        %bitcast3A_123 = vector.bitcast %get3A_65 : vector<16xf32> to vector<16xi32>
        %bitcast3A_124 = vector.bitcast %get3A_67 : vector<16xf32> to vector<16xi32>
        %bitcast3A_125 = vector.bitcast %get3A_69 : vector<16xf32> to vector<16xi32>
        %bitcast3A_126 = vector.bitcast %get3A_71 : vector<16xf32> to vector<16xi32>
        %bitcast3A_127 = vector.bitcast %get3A_73 : vector<16xf32> to vector<16xi32>
        %bitcast3A_128 = vector.bitcast %get3A_75 : vector<16xf32> to vector<16xi32>
        %bitcast3A_129 = vector.bitcast %get3A_77 : vector<16xf32> to vector<16xi32>
        %bitcast3A_130 = vector.bitcast %get3A_79 : vector<16xf32> to vector<16xi32>
        %bitcast3A_131 = vector.bitcast %get3A_81 : vector<16xf32> to vector<16xi32>
        %bitcast3A_132 = vector.bitcast %get3A_83 : vector<16xf32> to vector<16xi32>
        %bitcast3A_133 = vector.bitcast %get3A_85 : vector<16xf32> to vector<16xi32>
        %bitcast3A_134 = vector.bitcast %get3A_87 : vector<16xf32> to vector<16xi32>
        %scan3A_135 = arith.constant 0 : i32
        %scan3A_136 = arith.constant 0 : i32
        %scan3A_137 = arith.constant 31 : i32
        %scan3A_138 = arith.addi %scan3A_136, %scan3A_137 : i32
        %scan3A_139 = arith.constant 1 : i32
        %scan3A_140 = scf.for %scan3A_348 = %scan3A_136 to %scan3A_138 step %scan3A_139 iter_args(%scan3A_349 = %scan3A_135) -> (i32)  : i32 {
          %sub3A_350 = arith.constant 30 : i32
          %sub3A_351 = arith.subi %sub3A_350, %scan3A_348 : i32
          %shift_left3A = arith.constant 1 : i32
          %shift_left3A_352 = arith.shli %shift_left3A, %sub3A_351 : i32
          %or3A_353 = arith.ori %scan3A_349, %shift_left3A_352 : i32
          %broadcast_in_dim3A_354 = arith.constant 0 : i32
          %broadcast_in_dim3A_355 = vector.broadcast %broadcast_in_dim3A_354 : i32 to vector<16xi32>
          %ge3A_356 = vector.broadcast %or3A_353 : i32 to vector<16xi32>
          %ge3A_357 = arith.cmpi sge, %bitcast3A, %ge3A_356 : vector<16xi32>
          %convert_element_type3A_358 = arith.extui %ge3A_357 : vector<16xi1> to vector<16xi32>
          %add3A_359 = arith.addi %broadcast_in_dim3A_355, %convert_element_type3A_358 : vector<16xi32>
          %ge3A_360 = vector.broadcast %or3A_353 : i32 to vector<16xi32>
          %ge3A_361 = arith.cmpi sge, %bitcast3A_120, %ge3A_360 : vector<16xi32>
          %convert_element_type3A_362 = arith.extui %ge3A_361 : vector<16xi1> to vector<16xi32>
          %add3A_363 = arith.addi %add3A_359, %convert_element_type3A_362 : vector<16xi32>
          %ge3A_364 = vector.broadcast %or3A_353 : i32 to vector<16xi32>
          %ge3A_365 = arith.cmpi sge, %bitcast3A_121, %ge3A_364 : vector<16xi32>
          %convert_element_type3A_366 = arith.extui %ge3A_365 : vector<16xi1> to vector<16xi32>
          %add3A_367 = arith.addi %add3A_363, %convert_element_type3A_366 : vector<16xi32>
          %ge3A_368 = vector.broadcast %or3A_353 : i32 to vector<16xi32>
          %ge3A_369 = arith.cmpi sge, %bitcast3A_122, %ge3A_368 : vector<16xi32>
          %convert_element_type3A_370 = arith.extui %ge3A_369 : vector<16xi1> to vector<16xi32>
          %add3A_371 = arith.addi %add3A_367, %convert_element_type3A_370 : vector<16xi32>
          %ge3A_372 = vector.broadcast %or3A_353 : i32 to vector<16xi32>
          %ge3A_373 = arith.cmpi sge, %bitcast3A_123, %ge3A_372 : vector<16xi32>
          %convert_element_type3A_374 = arith.extui %ge3A_373 : vector<16xi1> to vector<16xi32>
          %add3A_375 = arith.addi %add3A_371, %convert_element_type3A_374 : vector<16xi32>
          %ge3A_376 = vector.broadcast %or3A_353 : i32 to vector<16xi32>
          %ge3A_377 = arith.cmpi sge, %bitcast3A_124, %ge3A_376 : vector<16xi32>
          %convert_element_type3A_378 = arith.extui %ge3A_377 : vector<16xi1> to vector<16xi32>
          %add3A_379 = arith.addi %add3A_375, %convert_element_type3A_378 : vector<16xi32>
          %ge3A_380 = vector.broadcast %or3A_353 : i32 to vector<16xi32>
          %ge3A_381 = arith.cmpi sge, %bitcast3A_125, %ge3A_380 : vector<16xi32>
          %convert_element_type3A_382 = arith.extui %ge3A_381 : vector<16xi1> to vector<16xi32>
          %add3A_383 = arith.addi %add3A_379, %convert_element_type3A_382 : vector<16xi32>
          %ge3A_384 = vector.broadcast %or3A_353 : i32 to vector<16xi32>
          %ge3A_385 = arith.cmpi sge, %bitcast3A_126, %ge3A_384 : vector<16xi32>
          %convert_element_type3A_386 = arith.extui %ge3A_385 : vector<16xi1> to vector<16xi32>
          %add3A_387 = arith.addi %add3A_383, %convert_element_type3A_386 : vector<16xi32>
          %ge3A_388 = vector.broadcast %or3A_353 : i32 to vector<16xi32>
          %ge3A_389 = arith.cmpi sge, %bitcast3A_127, %ge3A_388 : vector<16xi32>
          %convert_element_type3A_390 = arith.extui %ge3A_389 : vector<16xi1> to vector<16xi32>
          %add3A_391 = arith.addi %add3A_387, %convert_element_type3A_390 : vector<16xi32>
          %ge3A_392 = vector.broadcast %or3A_353 : i32 to vector<16xi32>
          %ge3A_393 = arith.cmpi sge, %bitcast3A_128, %ge3A_392 : vector<16xi32>
          %convert_element_type3A_394 = arith.extui %ge3A_393 : vector<16xi1> to vector<16xi32>
          %add3A_395 = arith.addi %add3A_391, %convert_element_type3A_394 : vector<16xi32>
          %ge3A_396 = vector.broadcast %or3A_353 : i32 to vector<16xi32>
          %ge3A_397 = arith.cmpi sge, %bitcast3A_129, %ge3A_396 : vector<16xi32>
          %convert_element_type3A_398 = arith.extui %ge3A_397 : vector<16xi1> to vector<16xi32>
          %add3A_399 = arith.addi %add3A_395, %convert_element_type3A_398 : vector<16xi32>
          %ge3A_400 = vector.broadcast %or3A_353 : i32 to vector<16xi32>
          %ge3A_401 = arith.cmpi sge, %bitcast3A_130, %ge3A_400 : vector<16xi32>
          %convert_element_type3A_402 = arith.extui %ge3A_401 : vector<16xi1> to vector<16xi32>
          %add3A_403 = arith.addi %add3A_399, %convert_element_type3A_402 : vector<16xi32>
          %ge3A_404 = vector.broadcast %or3A_353 : i32 to vector<16xi32>
          %ge3A_405 = arith.cmpi sge, %bitcast3A_131, %ge3A_404 : vector<16xi32>
          %convert_element_type3A_406 = arith.extui %ge3A_405 : vector<16xi1> to vector<16xi32>
          %add3A_407 = arith.addi %add3A_403, %convert_element_type3A_406 : vector<16xi32>
          %ge3A_408 = vector.broadcast %or3A_353 : i32 to vector<16xi32>
          %ge3A_409 = arith.cmpi sge, %bitcast3A_132, %ge3A_408 : vector<16xi32>
          %convert_element_type3A_410 = arith.extui %ge3A_409 : vector<16xi1> to vector<16xi32>
          %add3A_411 = arith.addi %add3A_407, %convert_element_type3A_410 : vector<16xi32>
          %ge3A_412 = vector.broadcast %or3A_353 : i32 to vector<16xi32>
          %ge3A_413 = arith.cmpi sge, %bitcast3A_133, %ge3A_412 : vector<16xi32>
          %convert_element_type3A_414 = arith.extui %ge3A_413 : vector<16xi1> to vector<16xi32>
          %add3A_415 = arith.addi %add3A_411, %convert_element_type3A_414 : vector<16xi32>
          %ge3A_416 = vector.broadcast %or3A_353 : i32 to vector<16xi32>
          %ge3A_417 = arith.cmpi sge, %bitcast3A_134, %ge3A_416 : vector<16xi32>
          %convert_element_type3A_418 = arith.extui %ge3A_417 : vector<16xi1> to vector<16xi32>
          %add3A_419 = arith.addi %add3A_415, %convert_element_type3A_418 : vector<16xi32>
          %reduce_sum3A_420 = arith.constant true
          %reduce_sum3A_421 = vector.broadcast %reduce_sum3A_420 : i1 to vector<16xi1>
          %reduce_sum3A_422 = tpu.scan <sum>, %add3A_419 masked %reduce_sum3A_421 : vector<16xi32>, vector<16xi1> -> vector<16xi32>
          %reduce_sum3A_423 = vector.extract %reduce_sum3A_422[15] : i32 from vector<16xi32>
          %ge3A_424 = arith.constant 32 : i32
          %ge3A_425 = arith.cmpi sge, %reduce_sum3A_423, %ge3A_424 : i32
          %select_n3A = arith.select %ge3A_425, %or3A_353, %scan3A_349 : i32
          scf.yield %select_n3A : i32
        }
        %scan3A_141 = arith.constant 31 : i32
        %broadcast_in_dim3A_142 = arith.constant 0 : i32
        %broadcast_in_dim3A_143 = vector.broadcast %broadcast_in_dim3A_142 : i32 to vector<16xi32>
        %gt3A = vector.broadcast %scan3A_140 : i32 to vector<16xi32>
        %gt3A_144 = arith.cmpi sgt, %bitcast3A, %gt3A : vector<16xi32>
        %convert_element_type3A_145 = arith.extui %gt3A_144 : vector<16xi1> to vector<16xi32>
        %add3A_146 = arith.addi %broadcast_in_dim3A_143, %convert_element_type3A_145 : vector<16xi32>
        %gt3A_147 = vector.broadcast %scan3A_140 : i32 to vector<16xi32>
        %gt3A_148 = arith.cmpi sgt, %bitcast3A_120, %gt3A_147 : vector<16xi32>
        %convert_element_type3A_149 = arith.extui %gt3A_148 : vector<16xi1> to vector<16xi32>
        %add3A_150 = arith.addi %add3A_146, %convert_element_type3A_149 : vector<16xi32>
        %gt3A_151 = vector.broadcast %scan3A_140 : i32 to vector<16xi32>
        %gt3A_152 = arith.cmpi sgt, %bitcast3A_121, %gt3A_151 : vector<16xi32>
        %convert_element_type3A_153 = arith.extui %gt3A_152 : vector<16xi1> to vector<16xi32>
        %add3A_154 = arith.addi %add3A_150, %convert_element_type3A_153 : vector<16xi32>
        %gt3A_155 = vector.broadcast %scan3A_140 : i32 to vector<16xi32>
        %gt3A_156 = arith.cmpi sgt, %bitcast3A_122, %gt3A_155 : vector<16xi32>
        %convert_element_type3A_157 = arith.extui %gt3A_156 : vector<16xi1> to vector<16xi32>
        %add3A_158 = arith.addi %add3A_154, %convert_element_type3A_157 : vector<16xi32>
        %gt3A_159 = vector.broadcast %scan3A_140 : i32 to vector<16xi32>
        %gt3A_160 = arith.cmpi sgt, %bitcast3A_123, %gt3A_159 : vector<16xi32>
        %convert_element_type3A_161 = arith.extui %gt3A_160 : vector<16xi1> to vector<16xi32>
        %add3A_162 = arith.addi %add3A_158, %convert_element_type3A_161 : vector<16xi32>
        %gt3A_163 = vector.broadcast %scan3A_140 : i32 to vector<16xi32>
        %gt3A_164 = arith.cmpi sgt, %bitcast3A_124, %gt3A_163 : vector<16xi32>
        %convert_element_type3A_165 = arith.extui %gt3A_164 : vector<16xi1> to vector<16xi32>
        %add3A_166 = arith.addi %add3A_162, %convert_element_type3A_165 : vector<16xi32>
        %gt3A_167 = vector.broadcast %scan3A_140 : i32 to vector<16xi32>
        %gt3A_168 = arith.cmpi sgt, %bitcast3A_125, %gt3A_167 : vector<16xi32>
        %convert_element_type3A_169 = arith.extui %gt3A_168 : vector<16xi1> to vector<16xi32>
        %add3A_170 = arith.addi %add3A_166, %convert_element_type3A_169 : vector<16xi32>
        %gt3A_171 = vector.broadcast %scan3A_140 : i32 to vector<16xi32>
        %gt3A_172 = arith.cmpi sgt, %bitcast3A_126, %gt3A_171 : vector<16xi32>
        %convert_element_type3A_173 = arith.extui %gt3A_172 : vector<16xi1> to vector<16xi32>
        %add3A_174 = arith.addi %add3A_170, %convert_element_type3A_173 : vector<16xi32>
        %gt3A_175 = vector.broadcast %scan3A_140 : i32 to vector<16xi32>
        %gt3A_176 = arith.cmpi sgt, %bitcast3A_127, %gt3A_175 : vector<16xi32>
        %convert_element_type3A_177 = arith.extui %gt3A_176 : vector<16xi1> to vector<16xi32>
        %add3A_178 = arith.addi %add3A_174, %convert_element_type3A_177 : vector<16xi32>
        %gt3A_179 = vector.broadcast %scan3A_140 : i32 to vector<16xi32>
        %gt3A_180 = arith.cmpi sgt, %bitcast3A_128, %gt3A_179 : vector<16xi32>
        %convert_element_type3A_181 = arith.extui %gt3A_180 : vector<16xi1> to vector<16xi32>
        %add3A_182 = arith.addi %add3A_178, %convert_element_type3A_181 : vector<16xi32>
        %gt3A_183 = vector.broadcast %scan3A_140 : i32 to vector<16xi32>
        %gt3A_184 = arith.cmpi sgt, %bitcast3A_129, %gt3A_183 : vector<16xi32>
        %convert_element_type3A_185 = arith.extui %gt3A_184 : vector<16xi1> to vector<16xi32>
        %add3A_186 = arith.addi %add3A_182, %convert_element_type3A_185 : vector<16xi32>
        %gt3A_187 = vector.broadcast %scan3A_140 : i32 to vector<16xi32>
        %gt3A_188 = arith.cmpi sgt, %bitcast3A_130, %gt3A_187 : vector<16xi32>
        %convert_element_type3A_189 = arith.extui %gt3A_188 : vector<16xi1> to vector<16xi32>
        %add3A_190 = arith.addi %add3A_186, %convert_element_type3A_189 : vector<16xi32>
        %gt3A_191 = vector.broadcast %scan3A_140 : i32 to vector<16xi32>
        %gt3A_192 = arith.cmpi sgt, %bitcast3A_131, %gt3A_191 : vector<16xi32>
        %convert_element_type3A_193 = arith.extui %gt3A_192 : vector<16xi1> to vector<16xi32>
        %add3A_194 = arith.addi %add3A_190, %convert_element_type3A_193 : vector<16xi32>
        %gt3A_195 = vector.broadcast %scan3A_140 : i32 to vector<16xi32>
        %gt3A_196 = arith.cmpi sgt, %bitcast3A_132, %gt3A_195 : vector<16xi32>
        %convert_element_type3A_197 = arith.extui %gt3A_196 : vector<16xi1> to vector<16xi32>
        %add3A_198 = arith.addi %add3A_194, %convert_element_type3A_197 : vector<16xi32>
        %gt3A_199 = vector.broadcast %scan3A_140 : i32 to vector<16xi32>
        %gt3A_200 = arith.cmpi sgt, %bitcast3A_133, %gt3A_199 : vector<16xi32>
        %convert_element_type3A_201 = arith.extui %gt3A_200 : vector<16xi1> to vector<16xi32>
        %add3A_202 = arith.addi %add3A_198, %convert_element_type3A_201 : vector<16xi32>
        %gt3A_203 = vector.broadcast %scan3A_140 : i32 to vector<16xi32>
        %gt3A_204 = arith.cmpi sgt, %bitcast3A_134, %gt3A_203 : vector<16xi32>
        %convert_element_type3A_205 = arith.extui %gt3A_204 : vector<16xi1> to vector<16xi32>
        %add3A_206 = arith.addi %add3A_202, %convert_element_type3A_205 : vector<16xi32>
        %reduce_sum3A_207 = arith.constant true
        %reduce_sum3A_208 = vector.broadcast %reduce_sum3A_207 : i1 to vector<16xi1>
        %reduce_sum3A_209 = tpu.scan <sum>, %add3A_206 masked %reduce_sum3A_208 : vector<16xi32>, vector<16xi1> -> vector<16xi32>
        %reduce_sum3A_210 = vector.extract %reduce_sum3A_209[15] : i32 from vector<16xi32>
        %sub3A_211 = arith.constant 32 : i32
        %sub3A_212 = arith.subi %sub3A_211, %reduce_sum3A_210 : i32
        %scan3A_213 = arith.constant 0 : i32
        %scan3A_214 = arith.constant 0 : i32
        %scan3A_215 = arith.constant 14 : i32
        %scan3A_216 = arith.addi %scan3A_214, %scan3A_215 : i32
        %scan3A_217 = arith.constant 1 : i32
        %scan3A_218 = scf.for %scan3A_348 = %scan3A_214 to %scan3A_216 step %scan3A_217 iter_args(%scan3A_349 = %scan3A_213) -> (i32)  : i32 {
          %sub3A_350 = arith.constant 13 : i32
          %sub3A_351 = arith.subi %sub3A_350, %scan3A_348 : i32
          %shift_left3A = arith.constant 1 : i32
          %shift_left3A_352 = arith.shli %shift_left3A, %sub3A_351 : i32
          %or3A_353 = arith.ori %scan3A_349, %shift_left3A_352 : i32
          %broadcast_in_dim3A_354 = arith.constant 0 : i32
          %broadcast_in_dim3A_355 = vector.broadcast %broadcast_in_dim3A_354 : i32 to vector<16xi32>
          %eq3A_356 = vector.broadcast %scan3A_140 : i32 to vector<16xi32>
          %eq3A_357 = arith.cmpi eq, %bitcast3A, %eq3A_356 : vector<16xi32>
          %lt3A_358 = vector.broadcast %or3A_353 : i32 to vector<16xi32>
          %lt3A_359 = arith.cmpi slt, %get3A_89, %lt3A_358 : vector<16xi32>
          %and3A_360 = arith.andi %eq3A_357, %lt3A_359 : vector<16xi1>
          %convert_element_type3A_361 = arith.extui %and3A_360 : vector<16xi1> to vector<16xi32>
          %add3A_362 = arith.addi %broadcast_in_dim3A_355, %convert_element_type3A_361 : vector<16xi32>
          %eq3A_363 = vector.broadcast %scan3A_140 : i32 to vector<16xi32>
          %eq3A_364 = arith.cmpi eq, %bitcast3A_120, %eq3A_363 : vector<16xi32>
          %lt3A_365 = vector.broadcast %or3A_353 : i32 to vector<16xi32>
          %lt3A_366 = arith.cmpi slt, %get3A_91, %lt3A_365 : vector<16xi32>
          %and3A_367 = arith.andi %eq3A_364, %lt3A_366 : vector<16xi1>
          %convert_element_type3A_368 = arith.extui %and3A_367 : vector<16xi1> to vector<16xi32>
          %add3A_369 = arith.addi %add3A_362, %convert_element_type3A_368 : vector<16xi32>
          %eq3A_370 = vector.broadcast %scan3A_140 : i32 to vector<16xi32>
          %eq3A_371 = arith.cmpi eq, %bitcast3A_121, %eq3A_370 : vector<16xi32>
          %lt3A_372 = vector.broadcast %or3A_353 : i32 to vector<16xi32>
          %lt3A_373 = arith.cmpi slt, %get3A_93, %lt3A_372 : vector<16xi32>
          %and3A_374 = arith.andi %eq3A_371, %lt3A_373 : vector<16xi1>
          %convert_element_type3A_375 = arith.extui %and3A_374 : vector<16xi1> to vector<16xi32>
          %add3A_376 = arith.addi %add3A_369, %convert_element_type3A_375 : vector<16xi32>
          %eq3A_377 = vector.broadcast %scan3A_140 : i32 to vector<16xi32>
          %eq3A_378 = arith.cmpi eq, %bitcast3A_122, %eq3A_377 : vector<16xi32>
          %lt3A_379 = vector.broadcast %or3A_353 : i32 to vector<16xi32>
          %lt3A_380 = arith.cmpi slt, %get3A_95, %lt3A_379 : vector<16xi32>
          %and3A_381 = arith.andi %eq3A_378, %lt3A_380 : vector<16xi1>
          %convert_element_type3A_382 = arith.extui %and3A_381 : vector<16xi1> to vector<16xi32>
          %add3A_383 = arith.addi %add3A_376, %convert_element_type3A_382 : vector<16xi32>
          %eq3A_384 = vector.broadcast %scan3A_140 : i32 to vector<16xi32>
          %eq3A_385 = arith.cmpi eq, %bitcast3A_123, %eq3A_384 : vector<16xi32>
          %lt3A_386 = vector.broadcast %or3A_353 : i32 to vector<16xi32>
          %lt3A_387 = arith.cmpi slt, %get3A_97, %lt3A_386 : vector<16xi32>
          %and3A_388 = arith.andi %eq3A_385, %lt3A_387 : vector<16xi1>
          %convert_element_type3A_389 = arith.extui %and3A_388 : vector<16xi1> to vector<16xi32>
          %add3A_390 = arith.addi %add3A_383, %convert_element_type3A_389 : vector<16xi32>
          %eq3A_391 = vector.broadcast %scan3A_140 : i32 to vector<16xi32>
          %eq3A_392 = arith.cmpi eq, %bitcast3A_124, %eq3A_391 : vector<16xi32>
          %lt3A_393 = vector.broadcast %or3A_353 : i32 to vector<16xi32>
          %lt3A_394 = arith.cmpi slt, %get3A_99, %lt3A_393 : vector<16xi32>
          %and3A_395 = arith.andi %eq3A_392, %lt3A_394 : vector<16xi1>
          %convert_element_type3A_396 = arith.extui %and3A_395 : vector<16xi1> to vector<16xi32>
          %add3A_397 = arith.addi %add3A_390, %convert_element_type3A_396 : vector<16xi32>
          %eq3A_398 = vector.broadcast %scan3A_140 : i32 to vector<16xi32>
          %eq3A_399 = arith.cmpi eq, %bitcast3A_125, %eq3A_398 : vector<16xi32>
          %lt3A_400 = vector.broadcast %or3A_353 : i32 to vector<16xi32>
          %lt3A_401 = arith.cmpi slt, %get3A_101, %lt3A_400 : vector<16xi32>
          %and3A_402 = arith.andi %eq3A_399, %lt3A_401 : vector<16xi1>
          %convert_element_type3A_403 = arith.extui %and3A_402 : vector<16xi1> to vector<16xi32>
          %add3A_404 = arith.addi %add3A_397, %convert_element_type3A_403 : vector<16xi32>
          %eq3A_405 = vector.broadcast %scan3A_140 : i32 to vector<16xi32>
          %eq3A_406 = arith.cmpi eq, %bitcast3A_126, %eq3A_405 : vector<16xi32>
          %lt3A_407 = vector.broadcast %or3A_353 : i32 to vector<16xi32>
          %lt3A_408 = arith.cmpi slt, %get3A_103, %lt3A_407 : vector<16xi32>
          %and3A_409 = arith.andi %eq3A_406, %lt3A_408 : vector<16xi1>
          %convert_element_type3A_410 = arith.extui %and3A_409 : vector<16xi1> to vector<16xi32>
          %add3A_411 = arith.addi %add3A_404, %convert_element_type3A_410 : vector<16xi32>
          %eq3A_412 = vector.broadcast %scan3A_140 : i32 to vector<16xi32>
          %eq3A_413 = arith.cmpi eq, %bitcast3A_127, %eq3A_412 : vector<16xi32>
          %lt3A_414 = vector.broadcast %or3A_353 : i32 to vector<16xi32>
          %lt3A_415 = arith.cmpi slt, %get3A_105, %lt3A_414 : vector<16xi32>
          %and3A_416 = arith.andi %eq3A_413, %lt3A_415 : vector<16xi1>
          %convert_element_type3A_417 = arith.extui %and3A_416 : vector<16xi1> to vector<16xi32>
          %add3A_418 = arith.addi %add3A_411, %convert_element_type3A_417 : vector<16xi32>
          %eq3A_419 = vector.broadcast %scan3A_140 : i32 to vector<16xi32>
          %eq3A_420 = arith.cmpi eq, %bitcast3A_128, %eq3A_419 : vector<16xi32>
          %lt3A_421 = vector.broadcast %or3A_353 : i32 to vector<16xi32>
          %lt3A_422 = arith.cmpi slt, %get3A_107, %lt3A_421 : vector<16xi32>
          %and3A_423 = arith.andi %eq3A_420, %lt3A_422 : vector<16xi1>
          %convert_element_type3A_424 = arith.extui %and3A_423 : vector<16xi1> to vector<16xi32>
          %add3A_425 = arith.addi %add3A_418, %convert_element_type3A_424 : vector<16xi32>
          %eq3A_426 = vector.broadcast %scan3A_140 : i32 to vector<16xi32>
          %eq3A_427 = arith.cmpi eq, %bitcast3A_129, %eq3A_426 : vector<16xi32>
          %lt3A_428 = vector.broadcast %or3A_353 : i32 to vector<16xi32>
          %lt3A_429 = arith.cmpi slt, %get3A_109, %lt3A_428 : vector<16xi32>
          %and3A_430 = arith.andi %eq3A_427, %lt3A_429 : vector<16xi1>
          %convert_element_type3A_431 = arith.extui %and3A_430 : vector<16xi1> to vector<16xi32>
          %add3A_432 = arith.addi %add3A_425, %convert_element_type3A_431 : vector<16xi32>
          %eq3A_433 = vector.broadcast %scan3A_140 : i32 to vector<16xi32>
          %eq3A_434 = arith.cmpi eq, %bitcast3A_130, %eq3A_433 : vector<16xi32>
          %lt3A_435 = vector.broadcast %or3A_353 : i32 to vector<16xi32>
          %lt3A_436 = arith.cmpi slt, %get3A_111, %lt3A_435 : vector<16xi32>
          %and3A_437 = arith.andi %eq3A_434, %lt3A_436 : vector<16xi1>
          %convert_element_type3A_438 = arith.extui %and3A_437 : vector<16xi1> to vector<16xi32>
          %add3A_439 = arith.addi %add3A_432, %convert_element_type3A_438 : vector<16xi32>
          %eq3A_440 = vector.broadcast %scan3A_140 : i32 to vector<16xi32>
          %eq3A_441 = arith.cmpi eq, %bitcast3A_131, %eq3A_440 : vector<16xi32>
          %lt3A_442 = vector.broadcast %or3A_353 : i32 to vector<16xi32>
          %lt3A_443 = arith.cmpi slt, %get3A_113, %lt3A_442 : vector<16xi32>
          %and3A_444 = arith.andi %eq3A_441, %lt3A_443 : vector<16xi1>
          %convert_element_type3A_445 = arith.extui %and3A_444 : vector<16xi1> to vector<16xi32>
          %add3A_446 = arith.addi %add3A_439, %convert_element_type3A_445 : vector<16xi32>
          %eq3A_447 = vector.broadcast %scan3A_140 : i32 to vector<16xi32>
          %eq3A_448 = arith.cmpi eq, %bitcast3A_132, %eq3A_447 : vector<16xi32>
          %lt3A_449 = vector.broadcast %or3A_353 : i32 to vector<16xi32>
          %lt3A_450 = arith.cmpi slt, %get3A_115, %lt3A_449 : vector<16xi32>
          %and3A_451 = arith.andi %eq3A_448, %lt3A_450 : vector<16xi1>
          %convert_element_type3A_452 = arith.extui %and3A_451 : vector<16xi1> to vector<16xi32>
          %add3A_453 = arith.addi %add3A_446, %convert_element_type3A_452 : vector<16xi32>
          %eq3A_454 = vector.broadcast %scan3A_140 : i32 to vector<16xi32>
          %eq3A_455 = arith.cmpi eq, %bitcast3A_133, %eq3A_454 : vector<16xi32>
          %lt3A_456 = vector.broadcast %or3A_353 : i32 to vector<16xi32>
          %lt3A_457 = arith.cmpi slt, %get3A_117, %lt3A_456 : vector<16xi32>
          %and3A_458 = arith.andi %eq3A_455, %lt3A_457 : vector<16xi1>
          %convert_element_type3A_459 = arith.extui %and3A_458 : vector<16xi1> to vector<16xi32>
          %add3A_460 = arith.addi %add3A_453, %convert_element_type3A_459 : vector<16xi32>
          %eq3A_461 = vector.broadcast %scan3A_140 : i32 to vector<16xi32>
          %eq3A_462 = arith.cmpi eq, %bitcast3A_134, %eq3A_461 : vector<16xi32>
          %lt3A_463 = vector.broadcast %or3A_353 : i32 to vector<16xi32>
          %lt3A_464 = arith.cmpi slt, %get3A_119, %lt3A_463 : vector<16xi32>
          %and3A_465 = arith.andi %eq3A_462, %lt3A_464 : vector<16xi1>
          %convert_element_type3A_466 = arith.extui %and3A_465 : vector<16xi1> to vector<16xi32>
          %add3A_467 = arith.addi %add3A_460, %convert_element_type3A_466 : vector<16xi32>
          %reduce_sum3A_468 = arith.constant true
          %reduce_sum3A_469 = vector.broadcast %reduce_sum3A_468 : i1 to vector<16xi1>
          %reduce_sum3A_470 = tpu.scan <sum>, %add3A_467 masked %reduce_sum3A_469 : vector<16xi32>, vector<16xi1> -> vector<16xi32>
          %reduce_sum3A_471 = vector.extract %reduce_sum3A_470[15] : i32 from vector<16xi32>
          %lt3A_472 = arith.cmpi slt, %reduce_sum3A_471, %sub3A_212 : i32
          %select_n3A = arith.select %lt3A_472, %or3A_353, %scan3A_349 : i32
          scf.yield %select_n3A : i32
        }
        %scan3A_219 = arith.constant 14 : i32
        %broadcast_in_dim3A_220 = arith.constant 0.000000e+00 : f32
        %broadcast_in_dim3A_221 = vector.broadcast %broadcast_in_dim3A_220 : f32 to vector<16xf32>
        %gt3A_222 = vector.broadcast %scan3A_140 : i32 to vector<16xi32>
        %gt3A_223 = arith.cmpi sgt, %bitcast3A, %gt3A_222 : vector<16xi32>
        %eq3A = vector.broadcast %scan3A_140 : i32 to vector<16xi32>
        %eq3A_224 = arith.cmpi eq, %bitcast3A, %eq3A : vector<16xi32>
        %le3A_225 = vector.broadcast %scan3A_218 : i32 to vector<16xi32>
        %le3A_226 = arith.cmpi sle, %get3A_89, %le3A_225 : vector<16xi32>
        %and3A_227 = arith.andi %eq3A_224, %le3A_226 : vector<16xi1>
        %or3A = arith.ori %gt3A_223, %and3A_227 : vector<16xi1>
        tpu.vector_store_idx %arg7[%get3A_89], %get3A_57 masked %or3A : memref<16384xf32, #tpu.memory_space<vmem>>[vector<16xi32>], vector<16xf32>, vector<16xi1>
        %gt3A_228 = vector.broadcast %scan3A_140 : i32 to vector<16xi32>
        %gt3A_229 = arith.cmpi sgt, %bitcast3A_120, %gt3A_228 : vector<16xi32>
        %eq3A_230 = vector.broadcast %scan3A_140 : i32 to vector<16xi32>
        %eq3A_231 = arith.cmpi eq, %bitcast3A_120, %eq3A_230 : vector<16xi32>
        %le3A_232 = vector.broadcast %scan3A_218 : i32 to vector<16xi32>
        %le3A_233 = arith.cmpi sle, %get3A_91, %le3A_232 : vector<16xi32>
        %and3A_234 = arith.andi %eq3A_231, %le3A_233 : vector<16xi1>
        %or3A_235 = arith.ori %gt3A_229, %and3A_234 : vector<16xi1>
        tpu.vector_store_idx %arg7[%get3A_91], %get3A_59 masked %or3A_235 : memref<16384xf32, #tpu.memory_space<vmem>>[vector<16xi32>], vector<16xf32>, vector<16xi1>
        %gt3A_236 = vector.broadcast %scan3A_140 : i32 to vector<16xi32>
        %gt3A_237 = arith.cmpi sgt, %bitcast3A_121, %gt3A_236 : vector<16xi32>
        %eq3A_238 = vector.broadcast %scan3A_140 : i32 to vector<16xi32>
        %eq3A_239 = arith.cmpi eq, %bitcast3A_121, %eq3A_238 : vector<16xi32>
        %le3A_240 = vector.broadcast %scan3A_218 : i32 to vector<16xi32>
        %le3A_241 = arith.cmpi sle, %get3A_93, %le3A_240 : vector<16xi32>
        %and3A_242 = arith.andi %eq3A_239, %le3A_241 : vector<16xi1>
        %or3A_243 = arith.ori %gt3A_237, %and3A_242 : vector<16xi1>
        tpu.vector_store_idx %arg7[%get3A_93], %get3A_61 masked %or3A_243 : memref<16384xf32, #tpu.memory_space<vmem>>[vector<16xi32>], vector<16xf32>, vector<16xi1>
        %gt3A_244 = vector.broadcast %scan3A_140 : i32 to vector<16xi32>
        %gt3A_245 = arith.cmpi sgt, %bitcast3A_122, %gt3A_244 : vector<16xi32>
        %eq3A_246 = vector.broadcast %scan3A_140 : i32 to vector<16xi32>
        %eq3A_247 = arith.cmpi eq, %bitcast3A_122, %eq3A_246 : vector<16xi32>
        %le3A_248 = vector.broadcast %scan3A_218 : i32 to vector<16xi32>
        %le3A_249 = arith.cmpi sle, %get3A_95, %le3A_248 : vector<16xi32>
        %and3A_250 = arith.andi %eq3A_247, %le3A_249 : vector<16xi1>
        %or3A_251 = arith.ori %gt3A_245, %and3A_250 : vector<16xi1>
        tpu.vector_store_idx %arg7[%get3A_95], %get3A_63 masked %or3A_251 : memref<16384xf32, #tpu.memory_space<vmem>>[vector<16xi32>], vector<16xf32>, vector<16xi1>
        %gt3A_252 = vector.broadcast %scan3A_140 : i32 to vector<16xi32>
        %gt3A_253 = arith.cmpi sgt, %bitcast3A_123, %gt3A_252 : vector<16xi32>
        %eq3A_254 = vector.broadcast %scan3A_140 : i32 to vector<16xi32>
        %eq3A_255 = arith.cmpi eq, %bitcast3A_123, %eq3A_254 : vector<16xi32>
        %le3A_256 = vector.broadcast %scan3A_218 : i32 to vector<16xi32>
        %le3A_257 = arith.cmpi sle, %get3A_97, %le3A_256 : vector<16xi32>
        %and3A_258 = arith.andi %eq3A_255, %le3A_257 : vector<16xi1>
        %or3A_259 = arith.ori %gt3A_253, %and3A_258 : vector<16xi1>
        tpu.vector_store_idx %arg7[%get3A_97], %get3A_65 masked %or3A_259 : memref<16384xf32, #tpu.memory_space<vmem>>[vector<16xi32>], vector<16xf32>, vector<16xi1>
        %gt3A_260 = vector.broadcast %scan3A_140 : i32 to vector<16xi32>
        %gt3A_261 = arith.cmpi sgt, %bitcast3A_124, %gt3A_260 : vector<16xi32>
        %eq3A_262 = vector.broadcast %scan3A_140 : i32 to vector<16xi32>
        %eq3A_263 = arith.cmpi eq, %bitcast3A_124, %eq3A_262 : vector<16xi32>
        %le3A_264 = vector.broadcast %scan3A_218 : i32 to vector<16xi32>
        %le3A_265 = arith.cmpi sle, %get3A_99, %le3A_264 : vector<16xi32>
        %and3A_266 = arith.andi %eq3A_263, %le3A_265 : vector<16xi1>
        %or3A_267 = arith.ori %gt3A_261, %and3A_266 : vector<16xi1>
        tpu.vector_store_idx %arg7[%get3A_99], %get3A_67 masked %or3A_267 : memref<16384xf32, #tpu.memory_space<vmem>>[vector<16xi32>], vector<16xf32>, vector<16xi1>
        %gt3A_268 = vector.broadcast %scan3A_140 : i32 to vector<16xi32>
        %gt3A_269 = arith.cmpi sgt, %bitcast3A_125, %gt3A_268 : vector<16xi32>
        %eq3A_270 = vector.broadcast %scan3A_140 : i32 to vector<16xi32>
        %eq3A_271 = arith.cmpi eq, %bitcast3A_125, %eq3A_270 : vector<16xi32>
        %le3A_272 = vector.broadcast %scan3A_218 : i32 to vector<16xi32>
        %le3A_273 = arith.cmpi sle, %get3A_101, %le3A_272 : vector<16xi32>
        %and3A_274 = arith.andi %eq3A_271, %le3A_273 : vector<16xi1>
        %or3A_275 = arith.ori %gt3A_269, %and3A_274 : vector<16xi1>
        tpu.vector_store_idx %arg7[%get3A_101], %get3A_69 masked %or3A_275 : memref<16384xf32, #tpu.memory_space<vmem>>[vector<16xi32>], vector<16xf32>, vector<16xi1>
        %gt3A_276 = vector.broadcast %scan3A_140 : i32 to vector<16xi32>
        %gt3A_277 = arith.cmpi sgt, %bitcast3A_126, %gt3A_276 : vector<16xi32>
        %eq3A_278 = vector.broadcast %scan3A_140 : i32 to vector<16xi32>
        %eq3A_279 = arith.cmpi eq, %bitcast3A_126, %eq3A_278 : vector<16xi32>
        %le3A_280 = vector.broadcast %scan3A_218 : i32 to vector<16xi32>
        %le3A_281 = arith.cmpi sle, %get3A_103, %le3A_280 : vector<16xi32>
        %and3A_282 = arith.andi %eq3A_279, %le3A_281 : vector<16xi1>
        %or3A_283 = arith.ori %gt3A_277, %and3A_282 : vector<16xi1>
        tpu.vector_store_idx %arg7[%get3A_103], %get3A_71 masked %or3A_283 : memref<16384xf32, #tpu.memory_space<vmem>>[vector<16xi32>], vector<16xf32>, vector<16xi1>
        %gt3A_284 = vector.broadcast %scan3A_140 : i32 to vector<16xi32>
        %gt3A_285 = arith.cmpi sgt, %bitcast3A_127, %gt3A_284 : vector<16xi32>
        %eq3A_286 = vector.broadcast %scan3A_140 : i32 to vector<16xi32>
        %eq3A_287 = arith.cmpi eq, %bitcast3A_127, %eq3A_286 : vector<16xi32>
        %le3A_288 = vector.broadcast %scan3A_218 : i32 to vector<16xi32>
        %le3A_289 = arith.cmpi sle, %get3A_105, %le3A_288 : vector<16xi32>
        %and3A_290 = arith.andi %eq3A_287, %le3A_289 : vector<16xi1>
        %or3A_291 = arith.ori %gt3A_285, %and3A_290 : vector<16xi1>
        tpu.vector_store_idx %arg7[%get3A_105], %get3A_73 masked %or3A_291 : memref<16384xf32, #tpu.memory_space<vmem>>[vector<16xi32>], vector<16xf32>, vector<16xi1>
        %gt3A_292 = vector.broadcast %scan3A_140 : i32 to vector<16xi32>
        %gt3A_293 = arith.cmpi sgt, %bitcast3A_128, %gt3A_292 : vector<16xi32>
        %eq3A_294 = vector.broadcast %scan3A_140 : i32 to vector<16xi32>
        %eq3A_295 = arith.cmpi eq, %bitcast3A_128, %eq3A_294 : vector<16xi32>
        %le3A_296 = vector.broadcast %scan3A_218 : i32 to vector<16xi32>
        %le3A_297 = arith.cmpi sle, %get3A_107, %le3A_296 : vector<16xi32>
        %and3A_298 = arith.andi %eq3A_295, %le3A_297 : vector<16xi1>
        %or3A_299 = arith.ori %gt3A_293, %and3A_298 : vector<16xi1>
        tpu.vector_store_idx %arg7[%get3A_107], %get3A_75 masked %or3A_299 : memref<16384xf32, #tpu.memory_space<vmem>>[vector<16xi32>], vector<16xf32>, vector<16xi1>
        %gt3A_300 = vector.broadcast %scan3A_140 : i32 to vector<16xi32>
        %gt3A_301 = arith.cmpi sgt, %bitcast3A_129, %gt3A_300 : vector<16xi32>
        %eq3A_302 = vector.broadcast %scan3A_140 : i32 to vector<16xi32>
        %eq3A_303 = arith.cmpi eq, %bitcast3A_129, %eq3A_302 : vector<16xi32>
        %le3A_304 = vector.broadcast %scan3A_218 : i32 to vector<16xi32>
        %le3A_305 = arith.cmpi sle, %get3A_109, %le3A_304 : vector<16xi32>
        %and3A_306 = arith.andi %eq3A_303, %le3A_305 : vector<16xi1>
        %or3A_307 = arith.ori %gt3A_301, %and3A_306 : vector<16xi1>
        tpu.vector_store_idx %arg7[%get3A_109], %get3A_77 masked %or3A_307 : memref<16384xf32, #tpu.memory_space<vmem>>[vector<16xi32>], vector<16xf32>, vector<16xi1>
        %gt3A_308 = vector.broadcast %scan3A_140 : i32 to vector<16xi32>
        %gt3A_309 = arith.cmpi sgt, %bitcast3A_130, %gt3A_308 : vector<16xi32>
        %eq3A_310 = vector.broadcast %scan3A_140 : i32 to vector<16xi32>
        %eq3A_311 = arith.cmpi eq, %bitcast3A_130, %eq3A_310 : vector<16xi32>
        %le3A_312 = vector.broadcast %scan3A_218 : i32 to vector<16xi32>
        %le3A_313 = arith.cmpi sle, %get3A_111, %le3A_312 : vector<16xi32>
        %and3A_314 = arith.andi %eq3A_311, %le3A_313 : vector<16xi1>
        %or3A_315 = arith.ori %gt3A_309, %and3A_314 : vector<16xi1>
        tpu.vector_store_idx %arg7[%get3A_111], %get3A_79 masked %or3A_315 : memref<16384xf32, #tpu.memory_space<vmem>>[vector<16xi32>], vector<16xf32>, vector<16xi1>
        %gt3A_316 = vector.broadcast %scan3A_140 : i32 to vector<16xi32>
        %gt3A_317 = arith.cmpi sgt, %bitcast3A_131, %gt3A_316 : vector<16xi32>
        %eq3A_318 = vector.broadcast %scan3A_140 : i32 to vector<16xi32>
        %eq3A_319 = arith.cmpi eq, %bitcast3A_131, %eq3A_318 : vector<16xi32>
        %le3A_320 = vector.broadcast %scan3A_218 : i32 to vector<16xi32>
        %le3A_321 = arith.cmpi sle, %get3A_113, %le3A_320 : vector<16xi32>
        %and3A_322 = arith.andi %eq3A_319, %le3A_321 : vector<16xi1>
        %or3A_323 = arith.ori %gt3A_317, %and3A_322 : vector<16xi1>
        tpu.vector_store_idx %arg7[%get3A_113], %get3A_81 masked %or3A_323 : memref<16384xf32, #tpu.memory_space<vmem>>[vector<16xi32>], vector<16xf32>, vector<16xi1>
        %gt3A_324 = vector.broadcast %scan3A_140 : i32 to vector<16xi32>
        %gt3A_325 = arith.cmpi sgt, %bitcast3A_132, %gt3A_324 : vector<16xi32>
        %eq3A_326 = vector.broadcast %scan3A_140 : i32 to vector<16xi32>
        %eq3A_327 = arith.cmpi eq, %bitcast3A_132, %eq3A_326 : vector<16xi32>
        %le3A_328 = vector.broadcast %scan3A_218 : i32 to vector<16xi32>
        %le3A_329 = arith.cmpi sle, %get3A_115, %le3A_328 : vector<16xi32>
        %and3A_330 = arith.andi %eq3A_327, %le3A_329 : vector<16xi1>
        %or3A_331 = arith.ori %gt3A_325, %and3A_330 : vector<16xi1>
        tpu.vector_store_idx %arg7[%get3A_115], %get3A_83 masked %or3A_331 : memref<16384xf32, #tpu.memory_space<vmem>>[vector<16xi32>], vector<16xf32>, vector<16xi1>
        %gt3A_332 = vector.broadcast %scan3A_140 : i32 to vector<16xi32>
        %gt3A_333 = arith.cmpi sgt, %bitcast3A_133, %gt3A_332 : vector<16xi32>
        %eq3A_334 = vector.broadcast %scan3A_140 : i32 to vector<16xi32>
        %eq3A_335 = arith.cmpi eq, %bitcast3A_133, %eq3A_334 : vector<16xi32>
        %le3A_336 = vector.broadcast %scan3A_218 : i32 to vector<16xi32>
        %le3A_337 = arith.cmpi sle, %get3A_117, %le3A_336 : vector<16xi32>
        %and3A_338 = arith.andi %eq3A_335, %le3A_337 : vector<16xi1>
        %or3A_339 = arith.ori %gt3A_333, %and3A_338 : vector<16xi1>
        tpu.vector_store_idx %arg7[%get3A_117], %get3A_85 masked %or3A_339 : memref<16384xf32, #tpu.memory_space<vmem>>[vector<16xi32>], vector<16xf32>, vector<16xi1>
        %gt3A_340 = vector.broadcast %scan3A_140 : i32 to vector<16xi32>
        %gt3A_341 = arith.cmpi sgt, %bitcast3A_134, %gt3A_340 : vector<16xi32>
        %eq3A_342 = vector.broadcast %scan3A_140 : i32 to vector<16xi32>
        %eq3A_343 = arith.cmpi eq, %bitcast3A_134, %eq3A_342 : vector<16xi32>
        %le3A_344 = vector.broadcast %scan3A_218 : i32 to vector<16xi32>
        %le3A_345 = arith.cmpi sle, %get3A_119, %le3A_344 : vector<16xi32>
        %and3A_346 = arith.andi %eq3A_343, %le3A_345 : vector<16xi1>
        %or3A_347 = arith.ori %gt3A_341, %and3A_346 : vector<16xi1>
        tpu.vector_store_idx %arg7[%get3A_119], %get3A_87 masked %or3A_347 : memref<16384xf32, #tpu.memory_space<vmem>>[vector<16xi32>], vector<16xf32>, vector<16xi1>
        "tpu.region"() ({
          %run_scoped3A = tpu.sem_alloc : memref<!tpu.dma_semaphore, #tpu.memory_space<semaphore_mem>>
          %dma_start3A = arith.constant 0 : i32
          %dma_start3A_348 = tpu.memref_slice %arg4[%add3A_20, %dma_start3A] : memref<128x16384xf32, #tpu.memory_space<hbm>> -> memref<1x16384xf32, #tpu.memory_space<hbm>>
          %dma_start3A_349 = tpu.memref_squeeze %dma_start3A_348 : memref<1x16384xf32, #tpu.memory_space<hbm>> -> memref<16384xf32, #tpu.memory_space<hbm>>
          %dma_start3A_350 = arith.constant 0 : i32
          %dma_start3A_351 = tpu.memref_slice %arg4[%add3A_20, %dma_start3A_350] : memref<128x16384xf32, #tpu.memory_space<hbm>> -> memref<1x16384xf32, #tpu.memory_space<hbm>>
          %dma_start3A_352 = tpu.memref_squeeze %dma_start3A_351 : memref<1x16384xf32, #tpu.memory_space<hbm>> -> memref<16384xf32, #tpu.memory_space<hbm>>
          tpu.enqueue_dma source(%arg7 : memref<16384xf32, #tpu.memory_space<vmem>>) target(%dma_start3A_352 : memref<16384xf32, #tpu.memory_space<hbm>>) target_semaphore(%run_scoped3A : memref<!tpu.dma_semaphore, #tpu.memory_space<semaphore_mem>>)
          %dma_wait3A = arith.constant 0 : i32
          %dma_wait3A_353 = tpu.memref_slice %arg4[%add3A_20, %dma_wait3A] : memref<128x16384xf32, #tpu.memory_space<hbm>> -> memref<1x16384xf32, #tpu.memory_space<hbm>>
          %dma_wait3A_354 = tpu.memref_squeeze %dma_wait3A_353 : memref<1x16384xf32, #tpu.memory_space<hbm>> -> memref<16384xf32, #tpu.memory_space<hbm>>
          %dma_wait3A_355 = arith.constant 0 : i32
          %dma_wait3A_356 = tpu.memref_slice %arg4[%add3A_20, %dma_wait3A_355] : memref<128x16384xf32, #tpu.memory_space<hbm>> -> memref<1x16384xf32, #tpu.memory_space<hbm>>
          %dma_wait3A_357 = tpu.memref_squeeze %dma_wait3A_356 : memref<1x16384xf32, #tpu.memory_space<hbm>> -> memref<16384xf32, #tpu.memory_space<hbm>>
          tpu.wait_dma2 semaphore(%run_scoped3A : memref<!tpu.dma_semaphore, #tpu.memory_space<semaphore_mem>>) src(%arg7 : memref<16384xf32, #tpu.memory_space<vmem>>) dst(%dma_wait3A_357 : memref<16384xf32, #tpu.memory_space<hbm>>)
          tpu.yield
        }) : () -> ()
        tpu.vector_store_idx %arg7[%get3A_89], %broadcast_in_dim3A_221 masked %or3A : memref<16384xf32, #tpu.memory_space<vmem>>[vector<16xi32>], vector<16xf32>, vector<16xi1>
        tpu.vector_store_idx %arg7[%get3A_91], %broadcast_in_dim3A_221 masked %or3A_235 : memref<16384xf32, #tpu.memory_space<vmem>>[vector<16xi32>], vector<16xf32>, vector<16xi1>
        tpu.vector_store_idx %arg7[%get3A_93], %broadcast_in_dim3A_221 masked %or3A_243 : memref<16384xf32, #tpu.memory_space<vmem>>[vector<16xi32>], vector<16xf32>, vector<16xi1>
        tpu.vector_store_idx %arg7[%get3A_95], %broadcast_in_dim3A_221 masked %or3A_251 : memref<16384xf32, #tpu.memory_space<vmem>>[vector<16xi32>], vector<16xf32>, vector<16xi1>
        tpu.vector_store_idx %arg7[%get3A_97], %broadcast_in_dim3A_221 masked %or3A_259 : memref<16384xf32, #tpu.memory_space<vmem>>[vector<16xi32>], vector<16xf32>, vector<16xi1>
        tpu.vector_store_idx %arg7[%get3A_99], %broadcast_in_dim3A_221 masked %or3A_267 : memref<16384xf32, #tpu.memory_space<vmem>>[vector<16xi32>], vector<16xf32>, vector<16xi1>
        tpu.vector_store_idx %arg7[%get3A_101], %broadcast_in_dim3A_221 masked %or3A_275 : memref<16384xf32, #tpu.memory_space<vmem>>[vector<16xi32>], vector<16xf32>, vector<16xi1>
        tpu.vector_store_idx %arg7[%get3A_103], %broadcast_in_dim3A_221 masked %or3A_283 : memref<16384xf32, #tpu.memory_space<vmem>>[vector<16xi32>], vector<16xf32>, vector<16xi1>
        tpu.vector_store_idx %arg7[%get3A_105], %broadcast_in_dim3A_221 masked %or3A_291 : memref<16384xf32, #tpu.memory_space<vmem>>[vector<16xi32>], vector<16xf32>, vector<16xi1>
        tpu.vector_store_idx %arg7[%get3A_107], %broadcast_in_dim3A_221 masked %or3A_299 : memref<16384xf32, #tpu.memory_space<vmem>>[vector<16xi32>], vector<16xf32>, vector<16xi1>
        tpu.vector_store_idx %arg7[%get3A_109], %broadcast_in_dim3A_221 masked %or3A_307 : memref<16384xf32, #tpu.memory_space<vmem>>[vector<16xi32>], vector<16xf32>, vector<16xi1>
        tpu.vector_store_idx %arg7[%get3A_111], %broadcast_in_dim3A_221 masked %or3A_315 : memref<16384xf32, #tpu.memory_space<vmem>>[vector<16xi32>], vector<16xf32>, vector<16xi1>
        tpu.vector_store_idx %arg7[%get3A_113], %broadcast_in_dim3A_221 masked %or3A_323 : memref<16384xf32, #tpu.memory_space<vmem>>[vector<16xi32>], vector<16xf32>, vector<16xi1>
        tpu.vector_store_idx %arg7[%get3A_115], %broadcast_in_dim3A_221 masked %or3A_331 : memref<16384xf32, #tpu.memory_space<vmem>>[vector<16xi32>], vector<16xf32>, vector<16xi1>
        tpu.vector_store_idx %arg7[%get3A_117], %broadcast_in_dim3A_221 masked %or3A_339 : memref<16384xf32, #tpu.memory_space<vmem>>[vector<16xi32>], vector<16xf32>, vector<16xi1>
        tpu.vector_store_idx %arg7[%get3A_119], %broadcast_in_dim3A_221 masked %or3A_347 : memref<16384xf32, #tpu.memory_space<vmem>>[vector<16xi32>], vector<16xf32>, vector<16xi1>
      } else {
      }
      %not3A = arith.constant true
      %not3A_52 = arith.xori %and3A, %not3A : i1
      %convert_element_type3A_53 = arith.extui %not3A_52 : i1 to i32
      %cond3A_54 = arith.constant 0 : i32
      %cond3A_55 = arith.cmpi ne, %convert_element_type3A_53, %cond3A_54 : i32
      scf.if %cond3A_55 {
        %scan3A_57 = arith.constant 0 : i32
        %scan3A_58 = arith.constant 0 : i32
        %scan3A_59 = arith.constant 31 : i32
        %scan3A_60 = arith.addi %scan3A_58, %scan3A_59 : i32
        %scan3A_61 = arith.constant 1 : i32
        %scan3A_62 = scf.for %scan3A_96 = %scan3A_58 to %scan3A_60 step %scan3A_61 iter_args(%scan3A_97 = %scan3A_57) -> (i32)  : i32 {
          %sub3A_98 = arith.constant 30 : i32
          %sub3A_99 = arith.subi %sub3A_98, %scan3A_96 : i32
          %shift_left3A = arith.constant 1 : i32
          %shift_left3A_100 = arith.shli %shift_left3A, %sub3A_99 : i32
          %or3A = arith.ori %scan3A_97, %shift_left3A_100 : i32
          %scan3A_101 = arith.constant 0 : i32
          %scan3A_102 = arith.constant 0 : i32
          %scan3A_103 = arith.constant 1024 : i32
          %scan3A_104 = arith.addi %scan3A_102, %scan3A_103 : i32
          %scan3A_105 = arith.constant 1 : i32
          %scan3A_106 = scf.for %scan3A_110 = %scan3A_102 to %scan3A_104 step %scan3A_105 iter_args(%scan3A_111 = %scan3A_101) -> (i32)  : i32 {
            %mul3A_112 = arith.constant 16 : i32
            %mul3A_113 = arith.muli %scan3A_110, %mul3A_112 : i32
            %get3A = arith.index_cast %mul3A_113 : i32 to index
            %get3A_114 = tpu.vector_load %arg6[%get3A] {strides = array<i32>} : memref<16384xf32, #tpu.memory_space<vmem>>, vector<16xf32>,
            %bitcast3A = vector.bitcast %get3A_114 : vector<16xf32> to vector<16xi32>
            %ge3A_115 = vector.broadcast %or3A : i32 to vector<16xi32>
            %ge3A_116 = arith.cmpi sge, %bitcast3A, %ge3A_115 : vector<16xi32>
            %convert_element_type3A_117 = arith.extui %ge3A_116 : vector<16xi1> to vector<16xi32>
            %reduce_sum3A_118 = arith.constant true
            %reduce_sum3A_119 = vector.broadcast %reduce_sum3A_118 : i1 to vector<16xi1>
            %reduce_sum3A_120 = tpu.scan <sum>, %convert_element_type3A_117 masked %reduce_sum3A_119 : vector<16xi32>, vector<16xi1> -> vector<16xi32>
            %reduce_sum3A_121 = vector.extract %reduce_sum3A_120[15] : i32 from vector<16xi32>
            %add3A_122 = arith.addi %scan3A_111, %reduce_sum3A_121 : i32
            scf.yield %add3A_122 : i32
          }
          %scan3A_107 = arith.constant 1024 : i32
          %ge3A_108 = arith.constant 32 : i32
          %ge3A_109 = arith.cmpi sge, %scan3A_106, %ge3A_108 : i32
          %select_n3A = arith.select %ge3A_109, %or3A, %scan3A_97 : i32
          scf.yield %select_n3A : i32
        }
        %scan3A_63 = arith.constant 31 : i32
        %add3A_64 = arith.constant 1 : i32
        %add3A_65 = arith.addi %scan3A_62, %add3A_64 : i32
        %scan3A_66 = arith.constant 0 : i32
        %scan3A_67 = arith.constant 0 : i32
        %scan3A_68 = arith.constant 1024 : i32
        %scan3A_69 = arith.addi %scan3A_67, %scan3A_68 : i32
        %scan3A_70 = arith.constant 1 : i32
        %scan3A_71 = scf.for %scan3A_96 = %scan3A_67 to %scan3A_69 step %scan3A_70 iter_args(%scan3A_97 = %scan3A_66) -> (i32)  : i32 {
          %mul3A_98 = arith.constant 16 : i32
          %mul3A_99 = arith.muli %scan3A_96, %mul3A_98 : i32
          %get3A = arith.index_cast %mul3A_99 : i32 to index
          %get3A_100 = tpu.vector_load %arg6[%get3A] {strides = array<i32>} : memref<16384xf32, #tpu.memory_space<vmem>>, vector<16xf32>,
          %bitcast3A = vector.bitcast %get3A_100 : vector<16xf32> to vector<16xi32>
          %ge3A_101 = vector.broadcast %add3A_65 : i32 to vector<16xi32>
          %ge3A_102 = arith.cmpi sge, %bitcast3A, %ge3A_101 : vector<16xi32>
          %convert_element_type3A_103 = arith.extui %ge3A_102 : vector<16xi1> to vector<16xi32>
          %reduce_sum3A_104 = arith.constant true
          %reduce_sum3A_105 = vector.broadcast %reduce_sum3A_104 : i1 to vector<16xi1>
          %reduce_sum3A_106 = tpu.scan <sum>, %convert_element_type3A_103 masked %reduce_sum3A_105 : vector<16xi32>, vector<16xi1> -> vector<16xi32>
          %reduce_sum3A_107 = vector.extract %reduce_sum3A_106[15] : i32 from vector<16xi32>
          %add3A_108 = arith.addi %scan3A_97, %reduce_sum3A_107 : i32
          scf.yield %add3A_108 : i32
        }
        %scan3A_72 = arith.constant 1024 : i32
        %sub3A_73 = arith.constant 32 : i32
        %sub3A_74 = arith.subi %sub3A_73, %scan3A_71 : i32
        %scan3A_75 = arith.constant 0 : i32
        %scan3A_76 = arith.constant 0 : i32
        %scan3A_77 = arith.constant 14 : i32
        %scan3A_78 = arith.addi %scan3A_76, %scan3A_77 : i32
        %scan3A_79 = arith.constant 1 : i32
        %scan3A_80 = scf.for %scan3A_96 = %scan3A_76 to %scan3A_78 step %scan3A_79 iter_args(%scan3A_97 = %scan3A_75) -> (i32)  : i32 {
          %sub3A_98 = arith.constant 13 : i32
          %sub3A_99 = arith.subi %sub3A_98, %scan3A_96 : i32
          %shift_left3A = arith.constant 1 : i32
          %shift_left3A_100 = arith.shli %shift_left3A, %sub3A_99 : i32
          %or3A = arith.ori %scan3A_97, %shift_left3A_100 : i32
          %scan3A_101 = arith.constant 0 : i32
          %scan3A_102 = arith.constant 0 : i32
          %scan3A_103 = arith.constant 1024 : i32
          %scan3A_104 = arith.addi %scan3A_102, %scan3A_103 : i32
          %scan3A_105 = arith.constant 1 : i32
          %scan3A_106 = scf.for %scan3A_109 = %scan3A_102 to %scan3A_104 step %scan3A_105 iter_args(%scan3A_110 = %scan3A_101) -> (i32)  : i32 {
            %mul3A_111 = arith.constant 16 : i32
            %mul3A_112 = arith.muli %scan3A_109, %mul3A_111 : i32
            %get3A = arith.index_cast %mul3A_112 : i32 to index
            %get3A_113 = tpu.vector_load %arg6[%get3A] {strides = array<i32>} : memref<16384xf32, #tpu.memory_space<vmem>>, vector<16xf32>,
            %bitcast3A = vector.bitcast %get3A_113 : vector<16xf32> to vector<16xi32>
            %iota3A = tpu.iota {dimensions = array<i32: 0>} : vector<16xi32>
            %mul3A_114 = arith.constant 16 : i32
            %mul3A_115 = arith.muli %scan3A_109, %mul3A_114 : i32
            %add3A_116 = vector.broadcast %mul3A_115 : i32 to vector<16xi32>
            %add3A_117 = arith.addi %iota3A, %add3A_116 : vector<16xi32>
            %eq3A = vector.broadcast %scan3A_62 : i32 to vector<16xi32>
            %eq3A_118 = arith.cmpi eq, %bitcast3A, %eq3A : vector<16xi32>
            %lt3A_119 = vector.broadcast %or3A : i32 to vector<16xi32>
            %lt3A_120 = arith.cmpi slt, %add3A_117, %lt3A_119 : vector<16xi32>
            %and3A_121 = arith.andi %eq3A_118, %lt3A_120 : vector<16xi1>
            %convert_element_type3A_122 = arith.extui %and3A_121 : vector<16xi1> to vector<16xi32>
            %reduce_sum3A_123 = arith.constant true
            %reduce_sum3A_124 = vector.broadcast %reduce_sum3A_123 : i1 to vector<16xi1>
            %reduce_sum3A_125 = tpu.scan <sum>, %convert_element_type3A_122 masked %reduce_sum3A_124 : vector<16xi32>, vector<16xi1> -> vector<16xi32>
            %reduce_sum3A_126 = vector.extract %reduce_sum3A_125[15] : i32 from vector<16xi32>
            %add3A_127 = arith.addi %scan3A_110, %reduce_sum3A_126 : i32
            scf.yield %add3A_127 : i32
          }
          %scan3A_107 = arith.constant 1024 : i32
          %lt3A_108 = arith.cmpi slt, %scan3A_106, %sub3A_74 : i32
          %select_n3A = arith.select %lt3A_108, %or3A, %scan3A_97 : i32
          scf.yield %select_n3A : i32
        }
        %scan3A_81 = arith.constant 14 : i32
        %scan3A_82 = arith.constant 0 : i32
        %scan3A_83 = arith.constant 0 : i32
        %scan3A_84 = arith.constant 1024 : i32
        %scan3A_85 = arith.addi %scan3A_83, %scan3A_84 : i32
        %scan3A_86 = arith.constant 1 : i32
        %scan3A_87 = scf.for %scan3A_96 = %scan3A_83 to %scan3A_85 step %scan3A_86 iter_args(%scan3A_97 = %scan3A_82) -> (i32)  : i32 {
          %mul3A_98 = arith.constant 16 : i32
          %mul3A_99 = arith.muli %scan3A_96, %mul3A_98 : i32
          %get3A = arith.index_cast %mul3A_99 : i32 to index
          %get3A_100 = tpu.vector_load %arg6[%get3A] {strides = array<i32>} : memref<16384xf32, #tpu.memory_space<vmem>>, vector<16xf32>,
          %bitcast3A = vector.bitcast %get3A_100 : vector<16xf32> to vector<16xi32>
          %iota3A = tpu.iota {dimensions = array<i32: 0>} : vector<16xi32>
          %mul3A_101 = arith.constant 16 : i32
          %mul3A_102 = arith.muli %scan3A_96, %mul3A_101 : i32
          %add3A_103 = vector.broadcast %mul3A_102 : i32 to vector<16xi32>
          %add3A_104 = arith.addi %iota3A, %add3A_103 : vector<16xi32>
          %gt3A = vector.broadcast %scan3A_62 : i32 to vector<16xi32>
          %gt3A_105 = arith.cmpi sgt, %bitcast3A, %gt3A : vector<16xi32>
          %eq3A = vector.broadcast %scan3A_62 : i32 to vector<16xi32>
          %eq3A_106 = arith.cmpi eq, %bitcast3A, %eq3A : vector<16xi32>
          %le3A_107 = vector.broadcast %scan3A_80 : i32 to vector<16xi32>
          %le3A_108 = arith.cmpi sle, %add3A_104, %le3A_107 : vector<16xi32>
          %and3A_109 = arith.andi %eq3A_106, %le3A_108 : vector<16xi1>
          %or3A = arith.ori %gt3A_105, %and3A_109 : vector<16xi1>
          %jit3A = arith.constant 0.000000e+00 : f32
          %broadcast_in_dim3A_110 = vector.broadcast %jit3A : f32 to vector<16xf32>
          %select_n3A = arith.select %or3A, %get3A_100, %broadcast_in_dim3A_110 : vector<16xi1>, vector<16xf32>
          %mul3A_111 = arith.constant 16 : i32
          %mul3A_112 = arith.muli %scan3A_96, %mul3A_111 : i32
          %swap3A = arith.index_cast %mul3A_112 : i32 to index
          %swap3A_113 = tpu.vector_load %arg7[%swap3A] {strides = array<i32>} : memref<16384xf32, #tpu.memory_space<vmem>>, vector<16xf32>,
          tpu.vector_store %arg7[%swap3A], %select_n3A {strides = array<i32>} : memref<16384xf32, #tpu.memory_space<vmem>>, vector<16xf32>,
          %scan3A_114 = arith.constant 0 : i32
          scf.yield %scan3A_114 : i32
        }
        %scan3A_88 = arith.constant 1024 : i32
        "tpu.region"() ({
          %run_scoped3A = tpu.sem_alloc : memref<!tpu.dma_semaphore, #tpu.memory_space<semaphore_mem>>
          %dma_start3A = arith.constant 0 : i32
          %dma_start3A_96 = tpu.memref_slice %arg4[%add3A_20, %dma_start3A] : memref<128x16384xf32, #tpu.memory_space<hbm>> -> memref<1x16384xf32, #tpu.memory_space<hbm>>
          %dma_start3A_97 = tpu.memref_squeeze %dma_start3A_96 : memref<1x16384xf32, #tpu.memory_space<hbm>> -> memref<16384xf32, #tpu.memory_space<hbm>>
          %dma_start3A_98 = arith.constant 0 : i32
          %dma_start3A_99 = tpu.memref_slice %arg4[%add3A_20, %dma_start3A_98] : memref<128x16384xf32, #tpu.memory_space<hbm>> -> memref<1x16384xf32, #tpu.memory_space<hbm>>
          %dma_start3A_100 = tpu.memref_squeeze %dma_start3A_99 : memref<1x16384xf32, #tpu.memory_space<hbm>> -> memref<16384xf32, #tpu.memory_space<hbm>>
          tpu.enqueue_dma source(%arg7 : memref<16384xf32, #tpu.memory_space<vmem>>) target(%dma_start3A_100 : memref<16384xf32, #tpu.memory_space<hbm>>) target_semaphore(%run_scoped3A : memref<!tpu.dma_semaphore, #tpu.memory_space<semaphore_mem>>)
          %dma_wait3A = arith.constant 0 : i32
          %dma_wait3A_101 = tpu.memref_slice %arg4[%add3A_20, %dma_wait3A] : memref<128x16384xf32, #tpu.memory_space<hbm>> -> memref<1x16384xf32, #tpu.memory_space<hbm>>
          %dma_wait3A_102 = tpu.memref_squeeze %dma_wait3A_101 : memref<1x16384xf32, #tpu.memory_space<hbm>> -> memref<16384xf32, #tpu.memory_space<hbm>>
          %dma_wait3A_103 = arith.constant 0 : i32
          %dma_wait3A_104 = tpu.memref_slice %arg4[%add3A_20, %dma_wait3A_103] : memref<128x16384xf32, #tpu.memory_space<hbm>> -> memref<1x16384xf32, #tpu.memory_space<hbm>>
          %dma_wait3A_105 = tpu.memref_squeeze %dma_wait3A_104 : memref<1x16384xf32, #tpu.memory_space<hbm>> -> memref<16384xf32, #tpu.memory_space<hbm>>
          tpu.wait_dma2 semaphore(%run_scoped3A : memref<!tpu.dma_semaphore, #tpu.memory_space<semaphore_mem>>) src(%arg7 : memref<16384xf32, #tpu.memory_space<vmem>>) dst(%dma_wait3A_105 : memref<16384xf32, #tpu.memory_space<hbm>>)
          tpu.yield
        }) : () -> ()
        %scan3A_89 = arith.constant 0 : i32
        %scan3A_90 = arith.constant 0 : i32
        %scan3A_91 = arith.constant 1024 : i32
        %scan3A_92 = arith.addi %scan3A_90, %scan3A_91 : i32
        %scan3A_93 = arith.constant 1 : i32
        %scan3A_94 = scf.for %scan3A_96 = %scan3A_90 to %scan3A_92 step %scan3A_93 iter_args(%scan3A_97 = %scan3A_89) -> (i32)  : i32 {
          %broadcast_in_dim3A_98 = arith.constant 0.000000e+00 : f32
          %broadcast_in_dim3A_99 = vector.broadcast %broadcast_in_dim3A_98 : f32 to vector<16xf32>
          %mul3A_100 = arith.constant 16 : i32
          %mul3A_101 = arith.muli %scan3A_96, %mul3A_100 : i32
          %swap3A = arith.index_cast %mul3A_101 : i32 to index
          %swap3A_102 = tpu.vector_load %arg7[%swap3A] {strides = array<i32>} : memref<16384xf32, #tpu.memory_space<vmem>>, vector<16xf32>,
          tpu.vector_store %arg7[%swap3A], %broadcast_in_dim3A_99 {strides = array<i32>} : memref<16384xf32, #tpu.memory_space<vmem>>, vector<16xf32>,
          %scan3A_103 = arith.constant 0 : i32
          scf.yield %scan3A_103 : i32
        }
        %scan3A_95 = arith.constant 1024 : i32
      } else {
      }
      %scan3A_56 = arith.constant 0 : i32
      scf.yield %scan3A_56 : i32
    }
    %scan3A_13 = arith.constant 4 : i32
    %lt3A = arith.constant 16 : i32
    %lt3A_14 = arith.cmpi slt, %add3A, %lt3A : i32
    %convert_element_type3A = arith.extui %lt3A_14 : i1 to i32
    %cond3A = arith.constant 0 : i32
    %cond3A_15 = arith.cmpi ne, %convert_element_type3A, %cond3A : i32
    scf.if %cond3A_15 {
      "tpu.region"() ({
        %run_scoped3A = tpu.sem_alloc : memref<!tpu.dma_semaphore, #tpu.memory_space<semaphore_mem>>
        %dma_start3A = arith.constant 0 : i32
        %dma_start3A_51 = tpu.memref_slice %arg3[%add3A, %dma_start3A] : memref<16x16384xf32, #tpu.memory_space<hbm>> -> memref<1x16384xf32, #tpu.memory_space<hbm>>
        %dma_start3A_52 = tpu.memref_squeeze %dma_start3A_51 : memref<1x16384xf32, #tpu.memory_space<hbm>> -> memref<16384xf32, #tpu.memory_space<hbm>>
        %dma_start3A_53 = arith.constant 0 : i32
        %dma_start3A_54 = tpu.memref_slice %arg3[%add3A, %dma_start3A_53] : memref<16x16384xf32, #tpu.memory_space<hbm>> -> memref<1x16384xf32, #tpu.memory_space<hbm>>
        %dma_start3A_55 = tpu.memref_squeeze %dma_start3A_54 : memref<1x16384xf32, #tpu.memory_space<hbm>> -> memref<16384xf32, #tpu.memory_space<hbm>>
        tpu.enqueue_dma source(%dma_start3A_55 : memref<16384xf32, #tpu.memory_space<hbm>>) target(%arg6 : memref<16384xf32, #tpu.memory_space<vmem>>) target_semaphore(%run_scoped3A : memref<!tpu.dma_semaphore, #tpu.memory_space<semaphore_mem>>)
        %dma_wait3A = arith.constant 0 : i32
        %dma_wait3A_56 = tpu.memref_slice %arg3[%add3A, %dma_wait3A] : memref<16x16384xf32, #tpu.memory_space<hbm>> -> memref<1x16384xf32, #tpu.memory_space<hbm>>
        %dma_wait3A_57 = tpu.memref_squeeze %dma_wait3A_56 : memref<1x16384xf32, #tpu.memory_space<hbm>> -> memref<16384xf32, #tpu.memory_space<hbm>>
        %dma_wait3A_58 = arith.constant 0 : i32
        %dma_wait3A_59 = tpu.memref_slice %arg3[%add3A, %dma_wait3A_58] : memref<16x16384xf32, #tpu.memory_space<hbm>> -> memref<1x16384xf32, #tpu.memory_space<hbm>>
        %dma_wait3A_60 = tpu.memref_squeeze %dma_wait3A_59 : memref<1x16384xf32, #tpu.memory_space<hbm>> -> memref<16384xf32, #tpu.memory_space<hbm>>
        tpu.wait_dma2 semaphore(%run_scoped3A : memref<!tpu.dma_semaphore, #tpu.memory_space<semaphore_mem>>) src(%dma_wait3A_60 : memref<16384xf32, #tpu.memory_space<hbm>>) dst(%arg6 : memref<16384xf32, #tpu.memory_space<vmem>>)
        tpu.yield
      }) : () -> ()
      %broadcast_in_dim3A = arith.constant 0.000000e+00 : f32
      %broadcast_in_dim3A_16 = vector.broadcast %broadcast_in_dim3A : f32 to vector<16xf32>
      %broadcast_in_dim3A_17 = arith.constant -1.000000e+00 : f32
      %broadcast_in_dim3A_18 = vector.broadcast %broadcast_in_dim3A_17 : f32 to vector<16xf32>
      %scan3A_19 = arith.constant 0 : i32
      %scan3A_20 = arith.constant 1024 : i32
      %scan3A_21 = arith.addi %scan3A_19, %scan3A_20 : i32
      %scan3A_22 = arith.constant 1 : i32
      %scan3A_23:2 = scf.for %scan3A_51 = %scan3A_19 to %scan3A_21 step %scan3A_22 iter_args(%scan3A_52 = %broadcast_in_dim3A_16, %scan3A_53 = %broadcast_in_dim3A_18) -> (vector<16xf32>, vector<16xf32>)  : i32 {
        %mul3A_54 = arith.constant 16 : i32
        %mul3A_55 = arith.muli %scan3A_51, %mul3A_54 : i32
        %get3A = arith.index_cast %mul3A_55 : i32 to index
        %get3A_56 = tpu.vector_load %arg6[%get3A] {strides = array<i32>} : memref<16384xf32, #tpu.memory_space<vmem>>, vector<16xf32>,
        %add3A_57 = arith.addf %scan3A_52, %get3A_56 : vector<16xf32>
        %max3A = arith.maximumf %scan3A_53, %get3A_56 : vector<16xf32>
        scf.yield %add3A_57, %max3A : vector<16xf32>, vector<16xf32>
      }
      %scan3A_24 = arith.constant 1024 : i32
      %reduce_sum3A = arith.constant true
      %reduce_sum3A_25 = vector.broadcast %reduce_sum3A : i1 to vector<16xi1>
      %reduce_sum3A_26 = tpu.scan <sum>, %scan3A_23#0 masked %reduce_sum3A_25 : vector<16xf32>, vector<16xi1> -> vector<16xf32>
      %reduce_sum3A_27 = vector.extract %reduce_sum3A_26[15] : f32 from vector<16xf32>
      %mul3A_28 = arith.constant 6.10351563E-5 : f32
      %mul3A_29 = arith.mulf %reduce_sum3A_27, %mul3A_28 : f32
      %reduce_max3A = arith.constant true
      %reduce_max3A_30 = vector.broadcast %reduce_max3A : i1 to vector<16xi1>
      %reduce_max3A_31 = tpu.scan <max>, %scan3A_23#1 masked %reduce_max3A_30 : vector<16xf32>, vector<16xi1> -> vector<16xf32>
      %reduce_max3A_32 = vector.extract %reduce_max3A_31[15] : f32 from vector<16xf32>
      %broadcast_in_dim3A_33 = arith.constant -1.000000e+00 : f32
      %broadcast_in_dim3A_34 = vector.broadcast %broadcast_in_dim3A_33 : f32 to vector<16xf32>
      %sub3A = arith.subf %reduce_max3A_32, %mul3A_29 : f32
      %mul3A_35 = arith.constant 2.600000e-01 : f32
      %mul3A_36 = arith.mulf %mul3A_35, %sub3A : f32
      %sub3A_37 = arith.subf %reduce_max3A_32, %mul3A_36 : f32
      %sub3A_38 = arith.subf %reduce_max3A_32, %mul3A_29 : f32
      %sub3A_39 = arith.subf %mul3A_29, %sub3A_38 : f32
      %while3A = arith.constant -1 : i32
      %while3A_40 = arith.constant 0 : i32
      %while3A_41:5 = scf.while (%while3A_51 = %sub3A_39, %while3A_52 = %reduce_max3A_32, %while3A_53 = %sub3A_37, %while3A_54 = %while3A, %while3A_55 = %while3A_40) : (f32, f32, f32, i32, i32) -> (f32, f32, f32, i32, i32) {
        %lt3A_56 = arith.constant 32 : i32
        %lt3A_57 = arith.cmpi slt, %while3A_54, %lt3A_56 : i32
        %gt3A = arith.constant 224 : i32
        %gt3A_58 = arith.cmpi sgt, %while3A_54, %gt3A : i32
        %or3A = arith.ori %lt3A_57, %gt3A_58 : i1
        %lt3A_59 = arith.constant 10 : i32
        %lt3A_60 = arith.cmpi slt, %while3A_55, %lt3A_59 : i32
        %and3A_61 = arith.andi %or3A, %lt3A_60 : i1
        scf.condition(%and3A_61) %while3A_51, %while3A_52, %while3A_53, %while3A_54, %while3A_55 : f32, f32, f32, i32, i32
      } do {
      ^bb0(%while3A_51: f32, %while3A_52: f32, %while3A_53: f32, %while3A_54: i32, %while3A_55: i32):
        %swap3A = arith.constant 0 : index
        %swap3A_56 = tpu.vector_load %arg8[%swap3A] {strides = array<i32>} : memref<256xf32, #tpu.memory_space<vmem>>, vector<16xf32>,
        tpu.vector_store %arg8[%swap3A], %broadcast_in_dim3A_34 {strides = array<i32>} : memref<256xf32, #tpu.memory_space<vmem>>, vector<16xf32>,
        %swap3A_57 = arith.constant 16 : index
        %swap3A_58 = tpu.vector_load %arg8[%swap3A_57] {strides = array<i32>} : memref<256xf32, #tpu.memory_space<vmem>>, vector<16xf32>,
        tpu.vector_store %arg8[%swap3A_57], %broadcast_in_dim3A_34 {strides = array<i32>} : memref<256xf32, #tpu.memory_space<vmem>>, vector<16xf32>,
        %swap3A_59 = arith.constant 32 : index
        %swap3A_60 = tpu.vector_load %arg8[%swap3A_59] {strides = array<i32>} : memref<256xf32, #tpu.memory_space<vmem>>, vector<16xf32>,
        tpu.vector_store %arg8[%swap3A_59], %broadcast_in_dim3A_34 {strides = array<i32>} : memref<256xf32, #tpu.memory_space<vmem>>, vector<16xf32>,
        %swap3A_61 = arith.constant 48 : index
        %swap3A_62 = tpu.vector_load %arg8[%swap3A_61] {strides = array<i32>} : memref<256xf32, #tpu.memory_space<vmem>>, vector<16xf32>,
        tpu.vector_store %arg8[%swap3A_61], %broadcast_in_dim3A_34 {strides = array<i32>} : memref<256xf32, #tpu.memory_space<vmem>>, vector<16xf32>,
        %swap3A_63 = arith.constant 64 : index
        %swap3A_64 = tpu.vector_load %arg8[%swap3A_63] {strides = array<i32>} : memref<256xf32, #tpu.memory_space<vmem>>, vector<16xf32>,
        tpu.vector_store %arg8[%swap3A_63], %broadcast_in_dim3A_34 {strides = array<i32>} : memref<256xf32, #tpu.memory_space<vmem>>, vector<16xf32>,
        %swap3A_65 = arith.constant 80 : index
        %swap3A_66 = tpu.vector_load %arg8[%swap3A_65] {strides = array<i32>} : memref<256xf32, #tpu.memory_space<vmem>>, vector<16xf32>,
        tpu.vector_store %arg8[%swap3A_65], %broadcast_in_dim3A_34 {strides = array<i32>} : memref<256xf32, #tpu.memory_space<vmem>>, vector<16xf32>,
        %swap3A_67 = arith.constant 96 : index
        %swap3A_68 = tpu.vector_load %arg8[%swap3A_67] {strides = array<i32>} : memref<256xf32, #tpu.memory_space<vmem>>, vector<16xf32>,
        tpu.vector_store %arg8[%swap3A_67], %broadcast_in_dim3A_34 {strides = array<i32>} : memref<256xf32, #tpu.memory_space<vmem>>, vector<16xf32>,
        %swap3A_69 = arith.constant 112 : index
        %swap3A_70 = tpu.vector_load %arg8[%swap3A_69] {strides = array<i32>} : memref<256xf32, #tpu.memory_space<vmem>>, vector<16xf32>,
        tpu.vector_store %arg8[%swap3A_69], %broadcast_in_dim3A_34 {strides = array<i32>} : memref<256xf32, #tpu.memory_space<vmem>>, vector<16xf32>,
        %swap3A_71 = arith.constant 128 : index
        %swap3A_72 = tpu.vector_load %arg8[%swap3A_71] {strides = array<i32>} : memref<256xf32, #tpu.memory_space<vmem>>, vector<16xf32>,
        tpu.vector_store %arg8[%swap3A_71], %broadcast_in_dim3A_34 {strides = array<i32>} : memref<256xf32, #tpu.memory_space<vmem>>, vector<16xf32>,
        %swap3A_73 = arith.constant 144 : index
        %swap3A_74 = tpu.vector_load %arg8[%swap3A_73] {strides = array<i32>} : memref<256xf32, #tpu.memory_space<vmem>>, vector<16xf32>,
        tpu.vector_store %arg8[%swap3A_73], %broadcast_in_dim3A_34 {strides = array<i32>} : memref<256xf32, #tpu.memory_space<vmem>>, vector<16xf32>,
        %swap3A_75 = arith.constant 160 : index
        %swap3A_76 = tpu.vector_load %arg8[%swap3A_75] {strides = array<i32>} : memref<256xf32, #tpu.memory_space<vmem>>, vector<16xf32>,
        tpu.vector_store %arg8[%swap3A_75], %broadcast_in_dim3A_34 {strides = array<i32>} : memref<256xf32, #tpu.memory_space<vmem>>, vector<16xf32>,
        %swap3A_77 = arith.constant 176 : index
        %swap3A_78 = tpu.vector_load %arg8[%swap3A_77] {strides = array<i32>} : memref<256xf32, #tpu.memory_space<vmem>>, vector<16xf32>,
        tpu.vector_store %arg8[%swap3A_77], %broadcast_in_dim3A_34 {strides = array<i32>} : memref<256xf32, #tpu.memory_space<vmem>>, vector<16xf32>,
        %swap3A_79 = arith.constant 192 : index
        %swap3A_80 = tpu.vector_load %arg8[%swap3A_79] {strides = array<i32>} : memref<256xf32, #tpu.memory_space<vmem>>, vector<16xf32>,
        tpu.vector_store %arg8[%swap3A_79], %broadcast_in_dim3A_34 {strides = array<i32>} : memref<256xf32, #tpu.memory_space<vmem>>, vector<16xf32>,
        %swap3A_81 = arith.constant 208 : index
        %swap3A_82 = tpu.vector_load %arg8[%swap3A_81] {strides = array<i32>} : memref<256xf32, #tpu.memory_space<vmem>>, vector<16xf32>,
        tpu.vector_store %arg8[%swap3A_81], %broadcast_in_dim3A_34 {strides = array<i32>} : memref<256xf32, #tpu.memory_space<vmem>>, vector<16xf32>,
        %swap3A_83 = arith.constant 224 : index
        %swap3A_84 = tpu.vector_load %arg8[%swap3A_83] {strides = array<i32>} : memref<256xf32, #tpu.memory_space<vmem>>, vector<16xf32>,
        tpu.vector_store %arg8[%swap3A_83], %broadcast_in_dim3A_34 {strides = array<i32>} : memref<256xf32, #tpu.memory_space<vmem>>, vector<16xf32>,
        %swap3A_85 = arith.constant 240 : index
        %swap3A_86 = tpu.vector_load %arg8[%swap3A_85] {strides = array<i32>} : memref<256xf32, #tpu.memory_space<vmem>>, vector<16xf32>,
        tpu.vector_store %arg8[%swap3A_85], %broadcast_in_dim3A_34 {strides = array<i32>} : memref<256xf32, #tpu.memory_space<vmem>>, vector<16xf32>,
        %scan3A_87 = arith.constant 0 : i32
        %scan3A_88 = arith.constant 0 : i32
        %scan3A_89 = arith.constant 1024 : i32
        %scan3A_90 = arith.addi %scan3A_88, %scan3A_89 : i32
        %scan3A_91 = arith.constant 1 : i32
        %scan3A_92 = scf.for %scan3A_103 = %scan3A_88 to %scan3A_90 step %scan3A_91 iter_args(%scan3A_104 = %scan3A_87) -> (i32)  : i32 {
          %mul3A_105 = arith.constant 16 : i32
          %mul3A_106 = arith.muli %scan3A_103, %mul3A_105 : i32
          %get3A = arith.index_cast %mul3A_106 : i32 to index
          %get3A_107 = tpu.vector_load %arg6[%get3A] {strides = array<i32>} : memref<16384xf32, #tpu.memory_space<vmem>>, vector<16xf32>,
          %gt3A_108 = vector.broadcast %while3A_53 : f32 to vector<16xf32>
          %gt3A_109 = arith.cmpf ogt, %get3A_107, %gt3A_108 : vector<16xf32>
          %convert_element_type3A_110 = arith.extui %gt3A_109 : vector<16xi1> to vector<16xi32>
          %reduce_sum3A_111 = arith.constant true
          %reduce_sum3A_112 = vector.broadcast %reduce_sum3A_111 : i1 to vector<16xi1>
          %reduce_sum3A_113 = tpu.scan <sum>, %convert_element_type3A_110 masked %reduce_sum3A_112 : vector<16xi32>, vector<16xi1> -> vector<16xi32>
          %reduce_sum3A_114 = vector.extract %reduce_sum3A_113[15] : i32 from vector<16xi32>
          %gt3A_115 = arith.constant 0 : i32
          %gt3A_116 = arith.cmpi sgt, %reduce_sum3A_114, %gt3A_115 : i32
          %le3A_117 = arith.constant 224 : i32
          %le3A_118 = arith.cmpi sle, %scan3A_104, %le3A_117 : i32
          %and3A_119 = arith.andi %gt3A_116, %le3A_118 : i1
          %convert_element_type3A_120 = arith.extui %and3A_119 : i1 to i32
          %cond3A_121 = arith.constant 0 : i32
          %cond3A_122 = arith.cmpi ne, %convert_element_type3A_120, %cond3A_121 : i32
          scf.if %cond3A_122 {
            %iota3A = tpu.iota {dimensions = array<i32: 0>} : vector<16xi32>
            %mul3A_124 = arith.constant 16 : i32
            %mul3A_125 = arith.muli %scan3A_103, %mul3A_124 : i32
            %add3A_126 = vector.broadcast %mul3A_125 : i32 to vector<16xi32>
            %add3A_127 = arith.addi %iota3A, %add3A_126 : vector<16xi32>
            %swap3A_128 = arith.index_cast %scan3A_104 : i32 to index
            %swap3A_129 = tpu.vector_load %arg8[%swap3A_128] masked %gt3A_109 {strides = array<i32>} : memref<256xf32, #tpu.memory_space<vmem>>, vector<16xf32>, vector<16xi1>
            tpu.vector_store %arg8[%swap3A_128], %get3A_107 masked %gt3A_109 {strides = array<i32>} : memref<256xf32, #tpu.memory_space<vmem>>, vector<16xf32>, vector<16xi1>
            %swap3A_130 = arith.index_cast %scan3A_104 : i32 to index
            %swap3A_131 = tpu.vector_load %arg9[%swap3A_130] masked %gt3A_109 {strides = array<i32>} : memref<256xi32, #tpu.memory_space<vmem>>, vector<16xi32>, vector<16xi1>
            tpu.vector_store %arg9[%swap3A_130], %add3A_127 masked %gt3A_109 {strides = array<i32>} : memref<256xi32, #tpu.memory_space<vmem>>, vector<16xi32>, vector<16xi1>
          } else {
          }
          %add3A_123 = arith.addi %scan3A_104, %reduce_sum3A_114 : i32
          scf.yield %add3A_123 : i32
        }
        %scan3A_93 = arith.constant 1024 : i32
        %gt3A = arith.constant 224 : i32
        %gt3A_94 = arith.cmpi sgt, %scan3A_92, %gt3A : i32
        %select_n3A = arith.select %gt3A_94, %while3A_53, %while3A_51 : f32
        %lt3A_95 = arith.constant 32 : i32
        %lt3A_96 = arith.cmpi slt, %scan3A_92, %lt3A_95 : i32
        %select_n3A_97 = arith.select %lt3A_96, %while3A_53, %while3A_52 : f32
        %add3A_98 = arith.addf %select_n3A, %select_n3A_97 : f32
        %mul3A_99 = arith.constant 5.000000e-01 : f32
        %mul3A_100 = arith.mulf %mul3A_99, %add3A_98 : f32
        %add3A_101 = arith.constant 1 : i32
        %add3A_102 = arith.addi %while3A_55, %add3A_101 : i32
        scf.yield %select_n3A, %select_n3A_97, %mul3A_100, %scan3A_92, %add3A_102 : f32, f32, f32, i32, i32
      }
      %ge3A = arith.constant 32 : i32
      %ge3A_42 = arith.cmpi sge, %while3A_41#3, %ge3A : i32
      %le3A = arith.constant 224 : i32
      %le3A_43 = arith.cmpi sle, %while3A_41#3, %le3A : i32
      %and3A = arith.andi %ge3A_42, %le3A_43 : i1
      %convert_element_type3A_44 = arith.extui %and3A : i1 to i32
      %cond3A_45 = arith.constant 0 : i32
      %cond3A_46 = arith.cmpi ne, %convert_element_type3A_44, %cond3A_45 : i32
      scf.if %cond3A_46 {
        %get3A = arith.constant 0 : index
        %get3A_51 = tpu.vector_load %arg8[%get3A] {strides = array<i32>} : memref<256xf32, #tpu.memory_space<vmem>>, vector<16xf32>,
        %get3A_52 = arith.constant 16 : index
        %get3A_53 = tpu.vector_load %arg8[%get3A_52] {strides = array<i32>} : memref<256xf32, #tpu.memory_space<vmem>>, vector<16xf32>,
        %get3A_54 = arith.constant 32 : index
        %get3A_55 = tpu.vector_load %arg8[%get3A_54] {strides = array<i32>} : memref<256xf32, #tpu.memory_space<vmem>>, vector<16xf32>,
        %get3A_56 = arith.constant 48 : index
        %get3A_57 = tpu.vector_load %arg8[%get3A_56] {strides = array<i32>} : memref<256xf32, #tpu.memory_space<vmem>>, vector<16xf32>,
        %get3A_58 = arith.constant 64 : index
        %get3A_59 = tpu.vector_load %arg8[%get3A_58] {strides = array<i32>} : memref<256xf32, #tpu.memory_space<vmem>>, vector<16xf32>,
        %get3A_60 = arith.constant 80 : index
        %get3A_61 = tpu.vector_load %arg8[%get3A_60] {strides = array<i32>} : memref<256xf32, #tpu.memory_space<vmem>>, vector<16xf32>,
        %get3A_62 = arith.constant 96 : index
        %get3A_63 = tpu.vector_load %arg8[%get3A_62] {strides = array<i32>} : memref<256xf32, #tpu.memory_space<vmem>>, vector<16xf32>,
        %get3A_64 = arith.constant 112 : index
        %get3A_65 = tpu.vector_load %arg8[%get3A_64] {strides = array<i32>} : memref<256xf32, #tpu.memory_space<vmem>>, vector<16xf32>,
        %get3A_66 = arith.constant 128 : index
        %get3A_67 = tpu.vector_load %arg8[%get3A_66] {strides = array<i32>} : memref<256xf32, #tpu.memory_space<vmem>>, vector<16xf32>,
        %get3A_68 = arith.constant 144 : index
        %get3A_69 = tpu.vector_load %arg8[%get3A_68] {strides = array<i32>} : memref<256xf32, #tpu.memory_space<vmem>>, vector<16xf32>,
        %get3A_70 = arith.constant 160 : index
        %get3A_71 = tpu.vector_load %arg8[%get3A_70] {strides = array<i32>} : memref<256xf32, #tpu.memory_space<vmem>>, vector<16xf32>,
        %get3A_72 = arith.constant 176 : index
        %get3A_73 = tpu.vector_load %arg8[%get3A_72] {strides = array<i32>} : memref<256xf32, #tpu.memory_space<vmem>>, vector<16xf32>,
        %get3A_74 = arith.constant 192 : index
        %get3A_75 = tpu.vector_load %arg8[%get3A_74] {strides = array<i32>} : memref<256xf32, #tpu.memory_space<vmem>>, vector<16xf32>,
        %get3A_76 = arith.constant 208 : index
        %get3A_77 = tpu.vector_load %arg8[%get3A_76] {strides = array<i32>} : memref<256xf32, #tpu.memory_space<vmem>>, vector<16xf32>,
        %get3A_78 = arith.constant 224 : index
        %get3A_79 = tpu.vector_load %arg8[%get3A_78] {strides = array<i32>} : memref<256xf32, #tpu.memory_space<vmem>>, vector<16xf32>,
        %get3A_80 = arith.constant 240 : index
        %get3A_81 = tpu.vector_load %arg8[%get3A_80] {strides = array<i32>} : memref<256xf32, #tpu.memory_space<vmem>>, vector<16xf32>,
        %get3A_82 = arith.constant 0 : index
        %get3A_83 = tpu.vector_load %arg9[%get3A_82] {strides = array<i32>} : memref<256xi32, #tpu.memory_space<vmem>>, vector<16xi32>,
        %get3A_84 = arith.constant 16 : index
        %get3A_85 = tpu.vector_load %arg9[%get3A_84] {strides = array<i32>} : memref<256xi32, #tpu.memory_space<vmem>>, vector<16xi32>,
        %get3A_86 = arith.constant 32 : index
        %get3A_87 = tpu.vector_load %arg9[%get3A_86] {strides = array<i32>} : memref<256xi32, #tpu.memory_space<vmem>>, vector<16xi32>,
        %get3A_88 = arith.constant 48 : index
        %get3A_89 = tpu.vector_load %arg9[%get3A_88] {strides = array<i32>} : memref<256xi32, #tpu.memory_space<vmem>>, vector<16xi32>,
        %get3A_90 = arith.constant 64 : index
        %get3A_91 = tpu.vector_load %arg9[%get3A_90] {strides = array<i32>} : memref<256xi32, #tpu.memory_space<vmem>>, vector<16xi32>,
        %get3A_92 = arith.constant 80 : index
        %get3A_93 = tpu.vector_load %arg9[%get3A_92] {strides = array<i32>} : memref<256xi32, #tpu.memory_space<vmem>>, vector<16xi32>,
        %get3A_94 = arith.constant 96 : index
        %get3A_95 = tpu.vector_load %arg9[%get3A_94] {strides = array<i32>} : memref<256xi32, #tpu.memory_space<vmem>>, vector<16xi32>,
        %get3A_96 = arith.constant 112 : index
        %get3A_97 = tpu.vector_load %arg9[%get3A_96] {strides = array<i32>} : memref<256xi32, #tpu.memory_space<vmem>>, vector<16xi32>,
        %get3A_98 = arith.constant 128 : index
        %get3A_99 = tpu.vector_load %arg9[%get3A_98] {strides = array<i32>} : memref<256xi32, #tpu.memory_space<vmem>>, vector<16xi32>,
        %get3A_100 = arith.constant 144 : index
        %get3A_101 = tpu.vector_load %arg9[%get3A_100] {strides = array<i32>} : memref<256xi32, #tpu.memory_space<vmem>>, vector<16xi32>,
        %get3A_102 = arith.constant 160 : index
        %get3A_103 = tpu.vector_load %arg9[%get3A_102] {strides = array<i32>} : memref<256xi32, #tpu.memory_space<vmem>>, vector<16xi32>,
        %get3A_104 = arith.constant 176 : index
        %get3A_105 = tpu.vector_load %arg9[%get3A_104] {strides = array<i32>} : memref<256xi32, #tpu.memory_space<vmem>>, vector<16xi32>,
        %get3A_106 = arith.constant 192 : index
        %get3A_107 = tpu.vector_load %arg9[%get3A_106] {strides = array<i32>} : memref<256xi32, #tpu.memory_space<vmem>>, vector<16xi32>,
        %get3A_108 = arith.constant 208 : index
        %get3A_109 = tpu.vector_load %arg9[%get3A_108] {strides = array<i32>} : memref<256xi32, #tpu.memory_space<vmem>>, vector<16xi32>,
        %get3A_110 = arith.constant 224 : index
        %get3A_111 = tpu.vector_load %arg9[%get3A_110] {strides = array<i32>} : memref<256xi32, #tpu.memory_space<vmem>>, vector<16xi32>,
        %get3A_112 = arith.constant 240 : index
        %get3A_113 = tpu.vector_load %arg9[%get3A_112] {strides = array<i32>} : memref<256xi32, #tpu.memory_space<vmem>>, vector<16xi32>,
        %bitcast3A = vector.bitcast %get3A_51 : vector<16xf32> to vector<16xi32>
        %bitcast3A_114 = vector.bitcast %get3A_53 : vector<16xf32> to vector<16xi32>
        %bitcast3A_115 = vector.bitcast %get3A_55 : vector<16xf32> to vector<16xi32>
        %bitcast3A_116 = vector.bitcast %get3A_57 : vector<16xf32> to vector<16xi32>
        %bitcast3A_117 = vector.bitcast %get3A_59 : vector<16xf32> to vector<16xi32>
        %bitcast3A_118 = vector.bitcast %get3A_61 : vector<16xf32> to vector<16xi32>
        %bitcast3A_119 = vector.bitcast %get3A_63 : vector<16xf32> to vector<16xi32>
        %bitcast3A_120 = vector.bitcast %get3A_65 : vector<16xf32> to vector<16xi32>
        %bitcast3A_121 = vector.bitcast %get3A_67 : vector<16xf32> to vector<16xi32>
        %bitcast3A_122 = vector.bitcast %get3A_69 : vector<16xf32> to vector<16xi32>
        %bitcast3A_123 = vector.bitcast %get3A_71 : vector<16xf32> to vector<16xi32>
        %bitcast3A_124 = vector.bitcast %get3A_73 : vector<16xf32> to vector<16xi32>
        %bitcast3A_125 = vector.bitcast %get3A_75 : vector<16xf32> to vector<16xi32>
        %bitcast3A_126 = vector.bitcast %get3A_77 : vector<16xf32> to vector<16xi32>
        %bitcast3A_127 = vector.bitcast %get3A_79 : vector<16xf32> to vector<16xi32>
        %bitcast3A_128 = vector.bitcast %get3A_81 : vector<16xf32> to vector<16xi32>
        %scan3A_129 = arith.constant 0 : i32
        %scan3A_130 = arith.constant 0 : i32
        %scan3A_131 = arith.constant 31 : i32
        %scan3A_132 = arith.addi %scan3A_130, %scan3A_131 : i32
        %scan3A_133 = arith.constant 1 : i32
        %scan3A_134 = scf.for %scan3A_342 = %scan3A_130 to %scan3A_132 step %scan3A_133 iter_args(%scan3A_343 = %scan3A_129) -> (i32)  : i32 {
          %sub3A_344 = arith.constant 30 : i32
          %sub3A_345 = arith.subi %sub3A_344, %scan3A_342 : i32
          %shift_left3A = arith.constant 1 : i32
          %shift_left3A_346 = arith.shli %shift_left3A, %sub3A_345 : i32
          %or3A_347 = arith.ori %scan3A_343, %shift_left3A_346 : i32
          %broadcast_in_dim3A_348 = arith.constant 0 : i32
          %broadcast_in_dim3A_349 = vector.broadcast %broadcast_in_dim3A_348 : i32 to vector<16xi32>
          %ge3A_350 = vector.broadcast %or3A_347 : i32 to vector<16xi32>
          %ge3A_351 = arith.cmpi sge, %bitcast3A, %ge3A_350 : vector<16xi32>
          %convert_element_type3A_352 = arith.extui %ge3A_351 : vector<16xi1> to vector<16xi32>
          %add3A_353 = arith.addi %broadcast_in_dim3A_349, %convert_element_type3A_352 : vector<16xi32>
          %ge3A_354 = vector.broadcast %or3A_347 : i32 to vector<16xi32>
          %ge3A_355 = arith.cmpi sge, %bitcast3A_114, %ge3A_354 : vector<16xi32>
          %convert_element_type3A_356 = arith.extui %ge3A_355 : vector<16xi1> to vector<16xi32>
          %add3A_357 = arith.addi %add3A_353, %convert_element_type3A_356 : vector<16xi32>
          %ge3A_358 = vector.broadcast %or3A_347 : i32 to vector<16xi32>
          %ge3A_359 = arith.cmpi sge, %bitcast3A_115, %ge3A_358 : vector<16xi32>
          %convert_element_type3A_360 = arith.extui %ge3A_359 : vector<16xi1> to vector<16xi32>
          %add3A_361 = arith.addi %add3A_357, %convert_element_type3A_360 : vector<16xi32>
          %ge3A_362 = vector.broadcast %or3A_347 : i32 to vector<16xi32>
          %ge3A_363 = arith.cmpi sge, %bitcast3A_116, %ge3A_362 : vector<16xi32>
          %convert_element_type3A_364 = arith.extui %ge3A_363 : vector<16xi1> to vector<16xi32>
          %add3A_365 = arith.addi %add3A_361, %convert_element_type3A_364 : vector<16xi32>
          %ge3A_366 = vector.broadcast %or3A_347 : i32 to vector<16xi32>
          %ge3A_367 = arith.cmpi sge, %bitcast3A_117, %ge3A_366 : vector<16xi32>
          %convert_element_type3A_368 = arith.extui %ge3A_367 : vector<16xi1> to vector<16xi32>
          %add3A_369 = arith.addi %add3A_365, %convert_element_type3A_368 : vector<16xi32>
          %ge3A_370 = vector.broadcast %or3A_347 : i32 to vector<16xi32>
          %ge3A_371 = arith.cmpi sge, %bitcast3A_118, %ge3A_370 : vector<16xi32>
          %convert_element_type3A_372 = arith.extui %ge3A_371 : vector<16xi1> to vector<16xi32>
          %add3A_373 = arith.addi %add3A_369, %convert_element_type3A_372 : vector<16xi32>
          %ge3A_374 = vector.broadcast %or3A_347 : i32 to vector<16xi32>
          %ge3A_375 = arith.cmpi sge, %bitcast3A_119, %ge3A_374 : vector<16xi32>
          %convert_element_type3A_376 = arith.extui %ge3A_375 : vector<16xi1> to vector<16xi32>
          %add3A_377 = arith.addi %add3A_373, %convert_element_type3A_376 : vector<16xi32>
          %ge3A_378 = vector.broadcast %or3A_347 : i32 to vector<16xi32>
          %ge3A_379 = arith.cmpi sge, %bitcast3A_120, %ge3A_378 : vector<16xi32>
          %convert_element_type3A_380 = arith.extui %ge3A_379 : vector<16xi1> to vector<16xi32>
          %add3A_381 = arith.addi %add3A_377, %convert_element_type3A_380 : vector<16xi32>
          %ge3A_382 = vector.broadcast %or3A_347 : i32 to vector<16xi32>
          %ge3A_383 = arith.cmpi sge, %bitcast3A_121, %ge3A_382 : vector<16xi32>
          %convert_element_type3A_384 = arith.extui %ge3A_383 : vector<16xi1> to vector<16xi32>
          %add3A_385 = arith.addi %add3A_381, %convert_element_type3A_384 : vector<16xi32>
          %ge3A_386 = vector.broadcast %or3A_347 : i32 to vector<16xi32>
          %ge3A_387 = arith.cmpi sge, %bitcast3A_122, %ge3A_386 : vector<16xi32>
          %convert_element_type3A_388 = arith.extui %ge3A_387 : vector<16xi1> to vector<16xi32>
          %add3A_389 = arith.addi %add3A_385, %convert_element_type3A_388 : vector<16xi32>
          %ge3A_390 = vector.broadcast %or3A_347 : i32 to vector<16xi32>
          %ge3A_391 = arith.cmpi sge, %bitcast3A_123, %ge3A_390 : vector<16xi32>
          %convert_element_type3A_392 = arith.extui %ge3A_391 : vector<16xi1> to vector<16xi32>
          %add3A_393 = arith.addi %add3A_389, %convert_element_type3A_392 : vector<16xi32>
          %ge3A_394 = vector.broadcast %or3A_347 : i32 to vector<16xi32>
          %ge3A_395 = arith.cmpi sge, %bitcast3A_124, %ge3A_394 : vector<16xi32>
          %convert_element_type3A_396 = arith.extui %ge3A_395 : vector<16xi1> to vector<16xi32>
          %add3A_397 = arith.addi %add3A_393, %convert_element_type3A_396 : vector<16xi32>
          %ge3A_398 = vector.broadcast %or3A_347 : i32 to vector<16xi32>
          %ge3A_399 = arith.cmpi sge, %bitcast3A_125, %ge3A_398 : vector<16xi32>
          %convert_element_type3A_400 = arith.extui %ge3A_399 : vector<16xi1> to vector<16xi32>
          %add3A_401 = arith.addi %add3A_397, %convert_element_type3A_400 : vector<16xi32>
          %ge3A_402 = vector.broadcast %or3A_347 : i32 to vector<16xi32>
          %ge3A_403 = arith.cmpi sge, %bitcast3A_126, %ge3A_402 : vector<16xi32>
          %convert_element_type3A_404 = arith.extui %ge3A_403 : vector<16xi1> to vector<16xi32>
          %add3A_405 = arith.addi %add3A_401, %convert_element_type3A_404 : vector<16xi32>
          %ge3A_406 = vector.broadcast %or3A_347 : i32 to vector<16xi32>
          %ge3A_407 = arith.cmpi sge, %bitcast3A_127, %ge3A_406 : vector<16xi32>
          %convert_element_type3A_408 = arith.extui %ge3A_407 : vector<16xi1> to vector<16xi32>
          %add3A_409 = arith.addi %add3A_405, %convert_element_type3A_408 : vector<16xi32>
          %ge3A_410 = vector.broadcast %or3A_347 : i32 to vector<16xi32>
          %ge3A_411 = arith.cmpi sge, %bitcast3A_128, %ge3A_410 : vector<16xi32>
          %convert_element_type3A_412 = arith.extui %ge3A_411 : vector<16xi1> to vector<16xi32>
          %add3A_413 = arith.addi %add3A_409, %convert_element_type3A_412 : vector<16xi32>
          %reduce_sum3A_414 = arith.constant true
          %reduce_sum3A_415 = vector.broadcast %reduce_sum3A_414 : i1 to vector<16xi1>
          %reduce_sum3A_416 = tpu.scan <sum>, %add3A_413 masked %reduce_sum3A_415 : vector<16xi32>, vector<16xi1> -> vector<16xi32>
          %reduce_sum3A_417 = vector.extract %reduce_sum3A_416[15] : i32 from vector<16xi32>
          %ge3A_418 = arith.constant 32 : i32
          %ge3A_419 = arith.cmpi sge, %reduce_sum3A_417, %ge3A_418 : i32
          %select_n3A = arith.select %ge3A_419, %or3A_347, %scan3A_343 : i32
          scf.yield %select_n3A : i32
        }
        %scan3A_135 = arith.constant 31 : i32
        %broadcast_in_dim3A_136 = arith.constant 0 : i32
        %broadcast_in_dim3A_137 = vector.broadcast %broadcast_in_dim3A_136 : i32 to vector<16xi32>
        %gt3A = vector.broadcast %scan3A_134 : i32 to vector<16xi32>
        %gt3A_138 = arith.cmpi sgt, %bitcast3A, %gt3A : vector<16xi32>
        %convert_element_type3A_139 = arith.extui %gt3A_138 : vector<16xi1> to vector<16xi32>
        %add3A_140 = arith.addi %broadcast_in_dim3A_137, %convert_element_type3A_139 : vector<16xi32>
        %gt3A_141 = vector.broadcast %scan3A_134 : i32 to vector<16xi32>
        %gt3A_142 = arith.cmpi sgt, %bitcast3A_114, %gt3A_141 : vector<16xi32>
        %convert_element_type3A_143 = arith.extui %gt3A_142 : vector<16xi1> to vector<16xi32>
        %add3A_144 = arith.addi %add3A_140, %convert_element_type3A_143 : vector<16xi32>
        %gt3A_145 = vector.broadcast %scan3A_134 : i32 to vector<16xi32>
        %gt3A_146 = arith.cmpi sgt, %bitcast3A_115, %gt3A_145 : vector<16xi32>
        %convert_element_type3A_147 = arith.extui %gt3A_146 : vector<16xi1> to vector<16xi32>
        %add3A_148 = arith.addi %add3A_144, %convert_element_type3A_147 : vector<16xi32>
        %gt3A_149 = vector.broadcast %scan3A_134 : i32 to vector<16xi32>
        %gt3A_150 = arith.cmpi sgt, %bitcast3A_116, %gt3A_149 : vector<16xi32>
        %convert_element_type3A_151 = arith.extui %gt3A_150 : vector<16xi1> to vector<16xi32>
        %add3A_152 = arith.addi %add3A_148, %convert_element_type3A_151 : vector<16xi32>
        %gt3A_153 = vector.broadcast %scan3A_134 : i32 to vector<16xi32>
        %gt3A_154 = arith.cmpi sgt, %bitcast3A_117, %gt3A_153 : vector<16xi32>
        %convert_element_type3A_155 = arith.extui %gt3A_154 : vector<16xi1> to vector<16xi32>
        %add3A_156 = arith.addi %add3A_152, %convert_element_type3A_155 : vector<16xi32>
        %gt3A_157 = vector.broadcast %scan3A_134 : i32 to vector<16xi32>
        %gt3A_158 = arith.cmpi sgt, %bitcast3A_118, %gt3A_157 : vector<16xi32>
        %convert_element_type3A_159 = arith.extui %gt3A_158 : vector<16xi1> to vector<16xi32>
        %add3A_160 = arith.addi %add3A_156, %convert_element_type3A_159 : vector<16xi32>
        %gt3A_161 = vector.broadcast %scan3A_134 : i32 to vector<16xi32>
        %gt3A_162 = arith.cmpi sgt, %bitcast3A_119, %gt3A_161 : vector<16xi32>
        %convert_element_type3A_163 = arith.extui %gt3A_162 : vector<16xi1> to vector<16xi32>
        %add3A_164 = arith.addi %add3A_160, %convert_element_type3A_163 : vector<16xi32>
        %gt3A_165 = vector.broadcast %scan3A_134 : i32 to vector<16xi32>
        %gt3A_166 = arith.cmpi sgt, %bitcast3A_120, %gt3A_165 : vector<16xi32>
        %convert_element_type3A_167 = arith.extui %gt3A_166 : vector<16xi1> to vector<16xi32>
        %add3A_168 = arith.addi %add3A_164, %convert_element_type3A_167 : vector<16xi32>
        %gt3A_169 = vector.broadcast %scan3A_134 : i32 to vector<16xi32>
        %gt3A_170 = arith.cmpi sgt, %bitcast3A_121, %gt3A_169 : vector<16xi32>
        %convert_element_type3A_171 = arith.extui %gt3A_170 : vector<16xi1> to vector<16xi32>
        %add3A_172 = arith.addi %add3A_168, %convert_element_type3A_171 : vector<16xi32>
        %gt3A_173 = vector.broadcast %scan3A_134 : i32 to vector<16xi32>
        %gt3A_174 = arith.cmpi sgt, %bitcast3A_122, %gt3A_173 : vector<16xi32>
        %convert_element_type3A_175 = arith.extui %gt3A_174 : vector<16xi1> to vector<16xi32>
        %add3A_176 = arith.addi %add3A_172, %convert_element_type3A_175 : vector<16xi32>
        %gt3A_177 = vector.broadcast %scan3A_134 : i32 to vector<16xi32>
        %gt3A_178 = arith.cmpi sgt, %bitcast3A_123, %gt3A_177 : vector<16xi32>
        %convert_element_type3A_179 = arith.extui %gt3A_178 : vector<16xi1> to vector<16xi32>
        %add3A_180 = arith.addi %add3A_176, %convert_element_type3A_179 : vector<16xi32>
        %gt3A_181 = vector.broadcast %scan3A_134 : i32 to vector<16xi32>
        %gt3A_182 = arith.cmpi sgt, %bitcast3A_124, %gt3A_181 : vector<16xi32>
        %convert_element_type3A_183 = arith.extui %gt3A_182 : vector<16xi1> to vector<16xi32>
        %add3A_184 = arith.addi %add3A_180, %convert_element_type3A_183 : vector<16xi32>
        %gt3A_185 = vector.broadcast %scan3A_134 : i32 to vector<16xi32>
        %gt3A_186 = arith.cmpi sgt, %bitcast3A_125, %gt3A_185 : vector<16xi32>
        %convert_element_type3A_187 = arith.extui %gt3A_186 : vector<16xi1> to vector<16xi32>
        %add3A_188 = arith.addi %add3A_184, %convert_element_type3A_187 : vector<16xi32>
        %gt3A_189 = vector.broadcast %scan3A_134 : i32 to vector<16xi32>
        %gt3A_190 = arith.cmpi sgt, %bitcast3A_126, %gt3A_189 : vector<16xi32>
        %convert_element_type3A_191 = arith.extui %gt3A_190 : vector<16xi1> to vector<16xi32>
        %add3A_192 = arith.addi %add3A_188, %convert_element_type3A_191 : vector<16xi32>
        %gt3A_193 = vector.broadcast %scan3A_134 : i32 to vector<16xi32>
        %gt3A_194 = arith.cmpi sgt, %bitcast3A_127, %gt3A_193 : vector<16xi32>
        %convert_element_type3A_195 = arith.extui %gt3A_194 : vector<16xi1> to vector<16xi32>
        %add3A_196 = arith.addi %add3A_192, %convert_element_type3A_195 : vector<16xi32>
        %gt3A_197 = vector.broadcast %scan3A_134 : i32 to vector<16xi32>
        %gt3A_198 = arith.cmpi sgt, %bitcast3A_128, %gt3A_197 : vector<16xi32>
        %convert_element_type3A_199 = arith.extui %gt3A_198 : vector<16xi1> to vector<16xi32>
        %add3A_200 = arith.addi %add3A_196, %convert_element_type3A_199 : vector<16xi32>
        %reduce_sum3A_201 = arith.constant true
        %reduce_sum3A_202 = vector.broadcast %reduce_sum3A_201 : i1 to vector<16xi1>
        %reduce_sum3A_203 = tpu.scan <sum>, %add3A_200 masked %reduce_sum3A_202 : vector<16xi32>, vector<16xi1> -> vector<16xi32>
        %reduce_sum3A_204 = vector.extract %reduce_sum3A_203[15] : i32 from vector<16xi32>
        %sub3A_205 = arith.constant 32 : i32
        %sub3A_206 = arith.subi %sub3A_205, %reduce_sum3A_204 : i32
        %scan3A_207 = arith.constant 0 : i32
        %scan3A_208 = arith.constant 0 : i32
        %scan3A_209 = arith.constant 14 : i32
        %scan3A_210 = arith.addi %scan3A_208, %scan3A_209 : i32
        %scan3A_211 = arith.constant 1 : i32
        %scan3A_212 = scf.for %scan3A_342 = %scan3A_208 to %scan3A_210 step %scan3A_211 iter_args(%scan3A_343 = %scan3A_207) -> (i32)  : i32 {
          %sub3A_344 = arith.constant 13 : i32
          %sub3A_345 = arith.subi %sub3A_344, %scan3A_342 : i32
          %shift_left3A = arith.constant 1 : i32
          %shift_left3A_346 = arith.shli %shift_left3A, %sub3A_345 : i32
          %or3A_347 = arith.ori %scan3A_343, %shift_left3A_346 : i32
          %broadcast_in_dim3A_348 = arith.constant 0 : i32
          %broadcast_in_dim3A_349 = vector.broadcast %broadcast_in_dim3A_348 : i32 to vector<16xi32>
          %eq3A_350 = vector.broadcast %scan3A_134 : i32 to vector<16xi32>
          %eq3A_351 = arith.cmpi eq, %bitcast3A, %eq3A_350 : vector<16xi32>
          %lt3A_352 = vector.broadcast %or3A_347 : i32 to vector<16xi32>
          %lt3A_353 = arith.cmpi slt, %get3A_83, %lt3A_352 : vector<16xi32>
          %and3A_354 = arith.andi %eq3A_351, %lt3A_353 : vector<16xi1>
          %convert_element_type3A_355 = arith.extui %and3A_354 : vector<16xi1> to vector<16xi32>
          %add3A_356 = arith.addi %broadcast_in_dim3A_349, %convert_element_type3A_355 : vector<16xi32>
          %eq3A_357 = vector.broadcast %scan3A_134 : i32 to vector<16xi32>
          %eq3A_358 = arith.cmpi eq, %bitcast3A_114, %eq3A_357 : vector<16xi32>
          %lt3A_359 = vector.broadcast %or3A_347 : i32 to vector<16xi32>
          %lt3A_360 = arith.cmpi slt, %get3A_85, %lt3A_359 : vector<16xi32>
          %and3A_361 = arith.andi %eq3A_358, %lt3A_360 : vector<16xi1>
          %convert_element_type3A_362 = arith.extui %and3A_361 : vector<16xi1> to vector<16xi32>
          %add3A_363 = arith.addi %add3A_356, %convert_element_type3A_362 : vector<16xi32>
          %eq3A_364 = vector.broadcast %scan3A_134 : i32 to vector<16xi32>
          %eq3A_365 = arith.cmpi eq, %bitcast3A_115, %eq3A_364 : vector<16xi32>
          %lt3A_366 = vector.broadcast %or3A_347 : i32 to vector<16xi32>
          %lt3A_367 = arith.cmpi slt, %get3A_87, %lt3A_366 : vector<16xi32>
          %and3A_368 = arith.andi %eq3A_365, %lt3A_367 : vector<16xi1>
          %convert_element_type3A_369 = arith.extui %and3A_368 : vector<16xi1> to vector<16xi32>
          %add3A_370 = arith.addi %add3A_363, %convert_element_type3A_369 : vector<16xi32>
          %eq3A_371 = vector.broadcast %scan3A_134 : i32 to vector<16xi32>
          %eq3A_372 = arith.cmpi eq, %bitcast3A_116, %eq3A_371 : vector<16xi32>
          %lt3A_373 = vector.broadcast %or3A_347 : i32 to vector<16xi32>
          %lt3A_374 = arith.cmpi slt, %get3A_89, %lt3A_373 : vector<16xi32>
          %and3A_375 = arith.andi %eq3A_372, %lt3A_374 : vector<16xi1>
          %convert_element_type3A_376 = arith.extui %and3A_375 : vector<16xi1> to vector<16xi32>
          %add3A_377 = arith.addi %add3A_370, %convert_element_type3A_376 : vector<16xi32>
          %eq3A_378 = vector.broadcast %scan3A_134 : i32 to vector<16xi32>
          %eq3A_379 = arith.cmpi eq, %bitcast3A_117, %eq3A_378 : vector<16xi32>
          %lt3A_380 = vector.broadcast %or3A_347 : i32 to vector<16xi32>
          %lt3A_381 = arith.cmpi slt, %get3A_91, %lt3A_380 : vector<16xi32>
          %and3A_382 = arith.andi %eq3A_379, %lt3A_381 : vector<16xi1>
          %convert_element_type3A_383 = arith.extui %and3A_382 : vector<16xi1> to vector<16xi32>
          %add3A_384 = arith.addi %add3A_377, %convert_element_type3A_383 : vector<16xi32>
          %eq3A_385 = vector.broadcast %scan3A_134 : i32 to vector<16xi32>
          %eq3A_386 = arith.cmpi eq, %bitcast3A_118, %eq3A_385 : vector<16xi32>
          %lt3A_387 = vector.broadcast %or3A_347 : i32 to vector<16xi32>
          %lt3A_388 = arith.cmpi slt, %get3A_93, %lt3A_387 : vector<16xi32>
          %and3A_389 = arith.andi %eq3A_386, %lt3A_388 : vector<16xi1>
          %convert_element_type3A_390 = arith.extui %and3A_389 : vector<16xi1> to vector<16xi32>
          %add3A_391 = arith.addi %add3A_384, %convert_element_type3A_390 : vector<16xi32>
          %eq3A_392 = vector.broadcast %scan3A_134 : i32 to vector<16xi32>
          %eq3A_393 = arith.cmpi eq, %bitcast3A_119, %eq3A_392 : vector<16xi32>
          %lt3A_394 = vector.broadcast %or3A_347 : i32 to vector<16xi32>
          %lt3A_395 = arith.cmpi slt, %get3A_95, %lt3A_394 : vector<16xi32>
          %and3A_396 = arith.andi %eq3A_393, %lt3A_395 : vector<16xi1>
          %convert_element_type3A_397 = arith.extui %and3A_396 : vector<16xi1> to vector<16xi32>
          %add3A_398 = arith.addi %add3A_391, %convert_element_type3A_397 : vector<16xi32>
          %eq3A_399 = vector.broadcast %scan3A_134 : i32 to vector<16xi32>
          %eq3A_400 = arith.cmpi eq, %bitcast3A_120, %eq3A_399 : vector<16xi32>
          %lt3A_401 = vector.broadcast %or3A_347 : i32 to vector<16xi32>
          %lt3A_402 = arith.cmpi slt, %get3A_97, %lt3A_401 : vector<16xi32>
          %and3A_403 = arith.andi %eq3A_400, %lt3A_402 : vector<16xi1>
          %convert_element_type3A_404 = arith.extui %and3A_403 : vector<16xi1> to vector<16xi32>
          %add3A_405 = arith.addi %add3A_398, %convert_element_type3A_404 : vector<16xi32>
          %eq3A_406 = vector.broadcast %scan3A_134 : i32 to vector<16xi32>
          %eq3A_407 = arith.cmpi eq, %bitcast3A_121, %eq3A_406 : vector<16xi32>
          %lt3A_408 = vector.broadcast %or3A_347 : i32 to vector<16xi32>
          %lt3A_409 = arith.cmpi slt, %get3A_99, %lt3A_408 : vector<16xi32>
          %and3A_410 = arith.andi %eq3A_407, %lt3A_409 : vector<16xi1>
          %convert_element_type3A_411 = arith.extui %and3A_410 : vector<16xi1> to vector<16xi32>
          %add3A_412 = arith.addi %add3A_405, %convert_element_type3A_411 : vector<16xi32>
          %eq3A_413 = vector.broadcast %scan3A_134 : i32 to vector<16xi32>
          %eq3A_414 = arith.cmpi eq, %bitcast3A_122, %eq3A_413 : vector<16xi32>
          %lt3A_415 = vector.broadcast %or3A_347 : i32 to vector<16xi32>
          %lt3A_416 = arith.cmpi slt, %get3A_101, %lt3A_415 : vector<16xi32>
          %and3A_417 = arith.andi %eq3A_414, %lt3A_416 : vector<16xi1>
          %convert_element_type3A_418 = arith.extui %and3A_417 : vector<16xi1> to vector<16xi32>
          %add3A_419 = arith.addi %add3A_412, %convert_element_type3A_418 : vector<16xi32>
          %eq3A_420 = vector.broadcast %scan3A_134 : i32 to vector<16xi32>
          %eq3A_421 = arith.cmpi eq, %bitcast3A_123, %eq3A_420 : vector<16xi32>
          %lt3A_422 = vector.broadcast %or3A_347 : i32 to vector<16xi32>
          %lt3A_423 = arith.cmpi slt, %get3A_103, %lt3A_422 : vector<16xi32>
          %and3A_424 = arith.andi %eq3A_421, %lt3A_423 : vector<16xi1>
          %convert_element_type3A_425 = arith.extui %and3A_424 : vector<16xi1> to vector<16xi32>
          %add3A_426 = arith.addi %add3A_419, %convert_element_type3A_425 : vector<16xi32>
          %eq3A_427 = vector.broadcast %scan3A_134 : i32 to vector<16xi32>
          %eq3A_428 = arith.cmpi eq, %bitcast3A_124, %eq3A_427 : vector<16xi32>
          %lt3A_429 = vector.broadcast %or3A_347 : i32 to vector<16xi32>
          %lt3A_430 = arith.cmpi slt, %get3A_105, %lt3A_429 : vector<16xi32>
          %and3A_431 = arith.andi %eq3A_428, %lt3A_430 : vector<16xi1>
          %convert_element_type3A_432 = arith.extui %and3A_431 : vector<16xi1> to vector<16xi32>
          %add3A_433 = arith.addi %add3A_426, %convert_element_type3A_432 : vector<16xi32>
          %eq3A_434 = vector.broadcast %scan3A_134 : i32 to vector<16xi32>
          %eq3A_435 = arith.cmpi eq, %bitcast3A_125, %eq3A_434 : vector<16xi32>
          %lt3A_436 = vector.broadcast %or3A_347 : i32 to vector<16xi32>
          %lt3A_437 = arith.cmpi slt, %get3A_107, %lt3A_436 : vector<16xi32>
          %and3A_438 = arith.andi %eq3A_435, %lt3A_437 : vector<16xi1>
          %convert_element_type3A_439 = arith.extui %and3A_438 : vector<16xi1> to vector<16xi32>
          %add3A_440 = arith.addi %add3A_433, %convert_element_type3A_439 : vector<16xi32>
          %eq3A_441 = vector.broadcast %scan3A_134 : i32 to vector<16xi32>
          %eq3A_442 = arith.cmpi eq, %bitcast3A_126, %eq3A_441 : vector<16xi32>
          %lt3A_443 = vector.broadcast %or3A_347 : i32 to vector<16xi32>
          %lt3A_444 = arith.cmpi slt, %get3A_109, %lt3A_443 : vector<16xi32>
          %and3A_445 = arith.andi %eq3A_442, %lt3A_444 : vector<16xi1>
          %convert_element_type3A_446 = arith.extui %and3A_445 : vector<16xi1> to vector<16xi32>
          %add3A_447 = arith.addi %add3A_440, %convert_element_type3A_446 : vector<16xi32>
          %eq3A_448 = vector.broadcast %scan3A_134 : i32 to vector<16xi32>
          %eq3A_449 = arith.cmpi eq, %bitcast3A_127, %eq3A_448 : vector<16xi32>
          %lt3A_450 = vector.broadcast %or3A_347 : i32 to vector<16xi32>
          %lt3A_451 = arith.cmpi slt, %get3A_111, %lt3A_450 : vector<16xi32>
          %and3A_452 = arith.andi %eq3A_449, %lt3A_451 : vector<16xi1>
          %convert_element_type3A_453 = arith.extui %and3A_452 : vector<16xi1> to vector<16xi32>
          %add3A_454 = arith.addi %add3A_447, %convert_element_type3A_453 : vector<16xi32>
          %eq3A_455 = vector.broadcast %scan3A_134 : i32 to vector<16xi32>
          %eq3A_456 = arith.cmpi eq, %bitcast3A_128, %eq3A_455 : vector<16xi32>
          %lt3A_457 = vector.broadcast %or3A_347 : i32 to vector<16xi32>
          %lt3A_458 = arith.cmpi slt, %get3A_113, %lt3A_457 : vector<16xi32>
          %and3A_459 = arith.andi %eq3A_456, %lt3A_458 : vector<16xi1>
          %convert_element_type3A_460 = arith.extui %and3A_459 : vector<16xi1> to vector<16xi32>
          %add3A_461 = arith.addi %add3A_454, %convert_element_type3A_460 : vector<16xi32>
          %reduce_sum3A_462 = arith.constant true
          %reduce_sum3A_463 = vector.broadcast %reduce_sum3A_462 : i1 to vector<16xi1>
          %reduce_sum3A_464 = tpu.scan <sum>, %add3A_461 masked %reduce_sum3A_463 : vector<16xi32>, vector<16xi1> -> vector<16xi32>
          %reduce_sum3A_465 = vector.extract %reduce_sum3A_464[15] : i32 from vector<16xi32>
          %lt3A_466 = arith.cmpi slt, %reduce_sum3A_465, %sub3A_206 : i32
          %select_n3A = arith.select %lt3A_466, %or3A_347, %scan3A_343 : i32
          scf.yield %select_n3A : i32
        }
        %scan3A_213 = arith.constant 14 : i32
        %broadcast_in_dim3A_214 = arith.constant 0.000000e+00 : f32
        %broadcast_in_dim3A_215 = vector.broadcast %broadcast_in_dim3A_214 : f32 to vector<16xf32>
        %gt3A_216 = vector.broadcast %scan3A_134 : i32 to vector<16xi32>
        %gt3A_217 = arith.cmpi sgt, %bitcast3A, %gt3A_216 : vector<16xi32>
        %eq3A = vector.broadcast %scan3A_134 : i32 to vector<16xi32>
        %eq3A_218 = arith.cmpi eq, %bitcast3A, %eq3A : vector<16xi32>
        %le3A_219 = vector.broadcast %scan3A_212 : i32 to vector<16xi32>
        %le3A_220 = arith.cmpi sle, %get3A_83, %le3A_219 : vector<16xi32>
        %and3A_221 = arith.andi %eq3A_218, %le3A_220 : vector<16xi1>
        %or3A = arith.ori %gt3A_217, %and3A_221 : vector<16xi1>
        tpu.vector_store_idx %arg7[%get3A_83], %get3A_51 masked %or3A : memref<16384xf32, #tpu.memory_space<vmem>>[vector<16xi32>], vector<16xf32>, vector<16xi1>
        %gt3A_222 = vector.broadcast %scan3A_134 : i32 to vector<16xi32>
        %gt3A_223 = arith.cmpi sgt, %bitcast3A_114, %gt3A_222 : vector<16xi32>
        %eq3A_224 = vector.broadcast %scan3A_134 : i32 to vector<16xi32>
        %eq3A_225 = arith.cmpi eq, %bitcast3A_114, %eq3A_224 : vector<16xi32>
        %le3A_226 = vector.broadcast %scan3A_212 : i32 to vector<16xi32>
        %le3A_227 = arith.cmpi sle, %get3A_85, %le3A_226 : vector<16xi32>
        %and3A_228 = arith.andi %eq3A_225, %le3A_227 : vector<16xi1>
        %or3A_229 = arith.ori %gt3A_223, %and3A_228 : vector<16xi1>
        tpu.vector_store_idx %arg7[%get3A_85], %get3A_53 masked %or3A_229 : memref<16384xf32, #tpu.memory_space<vmem>>[vector<16xi32>], vector<16xf32>, vector<16xi1>
        %gt3A_230 = vector.broadcast %scan3A_134 : i32 to vector<16xi32>
        %gt3A_231 = arith.cmpi sgt, %bitcast3A_115, %gt3A_230 : vector<16xi32>
        %eq3A_232 = vector.broadcast %scan3A_134 : i32 to vector<16xi32>
        %eq3A_233 = arith.cmpi eq, %bitcast3A_115, %eq3A_232 : vector<16xi32>
        %le3A_234 = vector.broadcast %scan3A_212 : i32 to vector<16xi32>
        %le3A_235 = arith.cmpi sle, %get3A_87, %le3A_234 : vector<16xi32>
        %and3A_236 = arith.andi %eq3A_233, %le3A_235 : vector<16xi1>
        %or3A_237 = arith.ori %gt3A_231, %and3A_236 : vector<16xi1>
        tpu.vector_store_idx %arg7[%get3A_87], %get3A_55 masked %or3A_237 : memref<16384xf32, #tpu.memory_space<vmem>>[vector<16xi32>], vector<16xf32>, vector<16xi1>
        %gt3A_238 = vector.broadcast %scan3A_134 : i32 to vector<16xi32>
        %gt3A_239 = arith.cmpi sgt, %bitcast3A_116, %gt3A_238 : vector<16xi32>
        %eq3A_240 = vector.broadcast %scan3A_134 : i32 to vector<16xi32>
        %eq3A_241 = arith.cmpi eq, %bitcast3A_116, %eq3A_240 : vector<16xi32>
        %le3A_242 = vector.broadcast %scan3A_212 : i32 to vector<16xi32>
        %le3A_243 = arith.cmpi sle, %get3A_89, %le3A_242 : vector<16xi32>
        %and3A_244 = arith.andi %eq3A_241, %le3A_243 : vector<16xi1>
        %or3A_245 = arith.ori %gt3A_239, %and3A_244 : vector<16xi1>
        tpu.vector_store_idx %arg7[%get3A_89], %get3A_57 masked %or3A_245 : memref<16384xf32, #tpu.memory_space<vmem>>[vector<16xi32>], vector<16xf32>, vector<16xi1>
        %gt3A_246 = vector.broadcast %scan3A_134 : i32 to vector<16xi32>
        %gt3A_247 = arith.cmpi sgt, %bitcast3A_117, %gt3A_246 : vector<16xi32>
        %eq3A_248 = vector.broadcast %scan3A_134 : i32 to vector<16xi32>
        %eq3A_249 = arith.cmpi eq, %bitcast3A_117, %eq3A_248 : vector<16xi32>
        %le3A_250 = vector.broadcast %scan3A_212 : i32 to vector<16xi32>
        %le3A_251 = arith.cmpi sle, %get3A_91, %le3A_250 : vector<16xi32>
        %and3A_252 = arith.andi %eq3A_249, %le3A_251 : vector<16xi1>
        %or3A_253 = arith.ori %gt3A_247, %and3A_252 : vector<16xi1>
        tpu.vector_store_idx %arg7[%get3A_91], %get3A_59 masked %or3A_253 : memref<16384xf32, #tpu.memory_space<vmem>>[vector<16xi32>], vector<16xf32>, vector<16xi1>
        %gt3A_254 = vector.broadcast %scan3A_134 : i32 to vector<16xi32>
        %gt3A_255 = arith.cmpi sgt, %bitcast3A_118, %gt3A_254 : vector<16xi32>
        %eq3A_256 = vector.broadcast %scan3A_134 : i32 to vector<16xi32>
        %eq3A_257 = arith.cmpi eq, %bitcast3A_118, %eq3A_256 : vector<16xi32>
        %le3A_258 = vector.broadcast %scan3A_212 : i32 to vector<16xi32>
        %le3A_259 = arith.cmpi sle, %get3A_93, %le3A_258 : vector<16xi32>
        %and3A_260 = arith.andi %eq3A_257, %le3A_259 : vector<16xi1>
        %or3A_261 = arith.ori %gt3A_255, %and3A_260 : vector<16xi1>
        tpu.vector_store_idx %arg7[%get3A_93], %get3A_61 masked %or3A_261 : memref<16384xf32, #tpu.memory_space<vmem>>[vector<16xi32>], vector<16xf32>, vector<16xi1>
        %gt3A_262 = vector.broadcast %scan3A_134 : i32 to vector<16xi32>
        %gt3A_263 = arith.cmpi sgt, %bitcast3A_119, %gt3A_262 : vector<16xi32>
        %eq3A_264 = vector.broadcast %scan3A_134 : i32 to vector<16xi32>
        %eq3A_265 = arith.cmpi eq, %bitcast3A_119, %eq3A_264 : vector<16xi32>
        %le3A_266 = vector.broadcast %scan3A_212 : i32 to vector<16xi32>
        %le3A_267 = arith.cmpi sle, %get3A_95, %le3A_266 : vector<16xi32>
        %and3A_268 = arith.andi %eq3A_265, %le3A_267 : vector<16xi1>
        %or3A_269 = arith.ori %gt3A_263, %and3A_268 : vector<16xi1>
        tpu.vector_store_idx %arg7[%get3A_95], %get3A_63 masked %or3A_269 : memref<16384xf32, #tpu.memory_space<vmem>>[vector<16xi32>], vector<16xf32>, vector<16xi1>
        %gt3A_270 = vector.broadcast %scan3A_134 : i32 to vector<16xi32>
        %gt3A_271 = arith.cmpi sgt, %bitcast3A_120, %gt3A_270 : vector<16xi32>
        %eq3A_272 = vector.broadcast %scan3A_134 : i32 to vector<16xi32>
        %eq3A_273 = arith.cmpi eq, %bitcast3A_120, %eq3A_272 : vector<16xi32>
        %le3A_274 = vector.broadcast %scan3A_212 : i32 to vector<16xi32>
        %le3A_275 = arith.cmpi sle, %get3A_97, %le3A_274 : vector<16xi32>
        %and3A_276 = arith.andi %eq3A_273, %le3A_275 : vector<16xi1>
        %or3A_277 = arith.ori %gt3A_271, %and3A_276 : vector<16xi1>
        tpu.vector_store_idx %arg7[%get3A_97], %get3A_65 masked %or3A_277 : memref<16384xf32, #tpu.memory_space<vmem>>[vector<16xi32>], vector<16xf32>, vector<16xi1>
        %gt3A_278 = vector.broadcast %scan3A_134 : i32 to vector<16xi32>
        %gt3A_279 = arith.cmpi sgt, %bitcast3A_121, %gt3A_278 : vector<16xi32>
        %eq3A_280 = vector.broadcast %scan3A_134 : i32 to vector<16xi32>
        %eq3A_281 = arith.cmpi eq, %bitcast3A_121, %eq3A_280 : vector<16xi32>
        %le3A_282 = vector.broadcast %scan3A_212 : i32 to vector<16xi32>
        %le3A_283 = arith.cmpi sle, %get3A_99, %le3A_282 : vector<16xi32>
        %and3A_284 = arith.andi %eq3A_281, %le3A_283 : vector<16xi1>
        %or3A_285 = arith.ori %gt3A_279, %and3A_284 : vector<16xi1>
        tpu.vector_store_idx %arg7[%get3A_99], %get3A_67 masked %or3A_285 : memref<16384xf32, #tpu.memory_space<vmem>>[vector<16xi32>], vector<16xf32>, vector<16xi1>
        %gt3A_286 = vector.broadcast %scan3A_134 : i32 to vector<16xi32>
        %gt3A_287 = arith.cmpi sgt, %bitcast3A_122, %gt3A_286 : vector<16xi32>
        %eq3A_288 = vector.broadcast %scan3A_134 : i32 to vector<16xi32>
        %eq3A_289 = arith.cmpi eq, %bitcast3A_122, %eq3A_288 : vector<16xi32>
        %le3A_290 = vector.broadcast %scan3A_212 : i32 to vector<16xi32>
        %le3A_291 = arith.cmpi sle, %get3A_101, %le3A_290 : vector<16xi32>
        %and3A_292 = arith.andi %eq3A_289, %le3A_291 : vector<16xi1>
        %or3A_293 = arith.ori %gt3A_287, %and3A_292 : vector<16xi1>
        tpu.vector_store_idx %arg7[%get3A_101], %get3A_69 masked %or3A_293 : memref<16384xf32, #tpu.memory_space<vmem>>[vector<16xi32>], vector<16xf32>, vector<16xi1>
        %gt3A_294 = vector.broadcast %scan3A_134 : i32 to vector<16xi32>
        %gt3A_295 = arith.cmpi sgt, %bitcast3A_123, %gt3A_294 : vector<16xi32>
        %eq3A_296 = vector.broadcast %scan3A_134 : i32 to vector<16xi32>
        %eq3A_297 = arith.cmpi eq, %bitcast3A_123, %eq3A_296 : vector<16xi32>
        %le3A_298 = vector.broadcast %scan3A_212 : i32 to vector<16xi32>
        %le3A_299 = arith.cmpi sle, %get3A_103, %le3A_298 : vector<16xi32>
        %and3A_300 = arith.andi %eq3A_297, %le3A_299 : vector<16xi1>
        %or3A_301 = arith.ori %gt3A_295, %and3A_300 : vector<16xi1>
        tpu.vector_store_idx %arg7[%get3A_103], %get3A_71 masked %or3A_301 : memref<16384xf32, #tpu.memory_space<vmem>>[vector<16xi32>], vector<16xf32>, vector<16xi1>
        %gt3A_302 = vector.broadcast %scan3A_134 : i32 to vector<16xi32>
        %gt3A_303 = arith.cmpi sgt, %bitcast3A_124, %gt3A_302 : vector<16xi32>
        %eq3A_304 = vector.broadcast %scan3A_134 : i32 to vector<16xi32>
        %eq3A_305 = arith.cmpi eq, %bitcast3A_124, %eq3A_304 : vector<16xi32>
        %le3A_306 = vector.broadcast %scan3A_212 : i32 to vector<16xi32>
        %le3A_307 = arith.cmpi sle, %get3A_105, %le3A_306 : vector<16xi32>
        %and3A_308 = arith.andi %eq3A_305, %le3A_307 : vector<16xi1>
        %or3A_309 = arith.ori %gt3A_303, %and3A_308 : vector<16xi1>
        tpu.vector_store_idx %arg7[%get3A_105], %get3A_73 masked %or3A_309 : memref<16384xf32, #tpu.memory_space<vmem>>[vector<16xi32>], vector<16xf32>, vector<16xi1>
        %gt3A_310 = vector.broadcast %scan3A_134 : i32 to vector<16xi32>
        %gt3A_311 = arith.cmpi sgt, %bitcast3A_125, %gt3A_310 : vector<16xi32>
        %eq3A_312 = vector.broadcast %scan3A_134 : i32 to vector<16xi32>
        %eq3A_313 = arith.cmpi eq, %bitcast3A_125, %eq3A_312 : vector<16xi32>
        %le3A_314 = vector.broadcast %scan3A_212 : i32 to vector<16xi32>
        %le3A_315 = arith.cmpi sle, %get3A_107, %le3A_314 : vector<16xi32>
        %and3A_316 = arith.andi %eq3A_313, %le3A_315 : vector<16xi1>
        %or3A_317 = arith.ori %gt3A_311, %and3A_316 : vector<16xi1>
        tpu.vector_store_idx %arg7[%get3A_107], %get3A_75 masked %or3A_317 : memref<16384xf32, #tpu.memory_space<vmem>>[vector<16xi32>], vector<16xf32>, vector<16xi1>
        %gt3A_318 = vector.broadcast %scan3A_134 : i32 to vector<16xi32>
        %gt3A_319 = arith.cmpi sgt, %bitcast3A_126, %gt3A_318 : vector<16xi32>
        %eq3A_320 = vector.broadcast %scan3A_134 : i32 to vector<16xi32>
        %eq3A_321 = arith.cmpi eq, %bitcast3A_126, %eq3A_320 : vector<16xi32>
        %le3A_322 = vector.broadcast %scan3A_212 : i32 to vector<16xi32>
        %le3A_323 = arith.cmpi sle, %get3A_109, %le3A_322 : vector<16xi32>
        %and3A_324 = arith.andi %eq3A_321, %le3A_323 : vector<16xi1>
        %or3A_325 = arith.ori %gt3A_319, %and3A_324 : vector<16xi1>
        tpu.vector_store_idx %arg7[%get3A_109], %get3A_77 masked %or3A_325 : memref<16384xf32, #tpu.memory_space<vmem>>[vector<16xi32>], vector<16xf32>, vector<16xi1>
        %gt3A_326 = vector.broadcast %scan3A_134 : i32 to vector<16xi32>
        %gt3A_327 = arith.cmpi sgt, %bitcast3A_127, %gt3A_326 : vector<16xi32>
        %eq3A_328 = vector.broadcast %scan3A_134 : i32 to vector<16xi32>
        %eq3A_329 = arith.cmpi eq, %bitcast3A_127, %eq3A_328 : vector<16xi32>
        %le3A_330 = vector.broadcast %scan3A_212 : i32 to vector<16xi32>
        %le3A_331 = arith.cmpi sle, %get3A_111, %le3A_330 : vector<16xi32>
        %and3A_332 = arith.andi %eq3A_329, %le3A_331 : vector<16xi1>
        %or3A_333 = arith.ori %gt3A_327, %and3A_332 : vector<16xi1>
        tpu.vector_store_idx %arg7[%get3A_111], %get3A_79 masked %or3A_333 : memref<16384xf32, #tpu.memory_space<vmem>>[vector<16xi32>], vector<16xf32>, vector<16xi1>
        %gt3A_334 = vector.broadcast %scan3A_134 : i32 to vector<16xi32>
        %gt3A_335 = arith.cmpi sgt, %bitcast3A_128, %gt3A_334 : vector<16xi32>
        %eq3A_336 = vector.broadcast %scan3A_134 : i32 to vector<16xi32>
        %eq3A_337 = arith.cmpi eq, %bitcast3A_128, %eq3A_336 : vector<16xi32>
        %le3A_338 = vector.broadcast %scan3A_212 : i32 to vector<16xi32>
        %le3A_339 = arith.cmpi sle, %get3A_113, %le3A_338 : vector<16xi32>
        %and3A_340 = arith.andi %eq3A_337, %le3A_339 : vector<16xi1>
        %or3A_341 = arith.ori %gt3A_335, %and3A_340 : vector<16xi1>
        tpu.vector_store_idx %arg7[%get3A_113], %get3A_81 masked %or3A_341 : memref<16384xf32, #tpu.memory_space<vmem>>[vector<16xi32>], vector<16xf32>, vector<16xi1>
        "tpu.region"() ({
          %run_scoped3A = tpu.sem_alloc : memref<!tpu.dma_semaphore, #tpu.memory_space<semaphore_mem>>
          %dma_start3A = arith.constant 0 : i32
          %dma_start3A_342 = tpu.memref_slice %arg5[%add3A, %dma_start3A] : memref<16x16384xf32, #tpu.memory_space<hbm>> -> memref<1x16384xf32, #tpu.memory_space<hbm>>
          %dma_start3A_343 = tpu.memref_squeeze %dma_start3A_342 : memref<1x16384xf32, #tpu.memory_space<hbm>> -> memref<16384xf32, #tpu.memory_space<hbm>>
          %dma_start3A_344 = arith.constant 0 : i32
          %dma_start3A_345 = tpu.memref_slice %arg5[%add3A, %dma_start3A_344] : memref<16x16384xf32, #tpu.memory_space<hbm>> -> memref<1x16384xf32, #tpu.memory_space<hbm>>
          %dma_start3A_346 = tpu.memref_squeeze %dma_start3A_345 : memref<1x16384xf32, #tpu.memory_space<hbm>> -> memref<16384xf32, #tpu.memory_space<hbm>>
          tpu.enqueue_dma source(%arg7 : memref<16384xf32, #tpu.memory_space<vmem>>) target(%dma_start3A_346 : memref<16384xf32, #tpu.memory_space<hbm>>) target_semaphore(%run_scoped3A : memref<!tpu.dma_semaphore, #tpu.memory_space<semaphore_mem>>)
          %dma_wait3A = arith.constant 0 : i32
          %dma_wait3A_347 = tpu.memref_slice %arg5[%add3A, %dma_wait3A] : memref<16x16384xf32, #tpu.memory_space<hbm>> -> memref<1x16384xf32, #tpu.memory_space<hbm>>
          %dma_wait3A_348 = tpu.memref_squeeze %dma_wait3A_347 : memref<1x16384xf32, #tpu.memory_space<hbm>> -> memref<16384xf32, #tpu.memory_space<hbm>>
          %dma_wait3A_349 = arith.constant 0 : i32
          %dma_wait3A_350 = tpu.memref_slice %arg5[%add3A, %dma_wait3A_349] : memref<16x16384xf32, #tpu.memory_space<hbm>> -> memref<1x16384xf32, #tpu.memory_space<hbm>>
          %dma_wait3A_351 = tpu.memref_squeeze %dma_wait3A_350 : memref<1x16384xf32, #tpu.memory_space<hbm>> -> memref<16384xf32, #tpu.memory_space<hbm>>
          tpu.wait_dma2 semaphore(%run_scoped3A : memref<!tpu.dma_semaphore, #tpu.memory_space<semaphore_mem>>) src(%arg7 : memref<16384xf32, #tpu.memory_space<vmem>>) dst(%dma_wait3A_351 : memref<16384xf32, #tpu.memory_space<hbm>>)
          tpu.yield
        }) : () -> ()
        tpu.vector_store_idx %arg7[%get3A_83], %broadcast_in_dim3A_215 masked %or3A : memref<16384xf32, #tpu.memory_space<vmem>>[vector<16xi32>], vector<16xf32>, vector<16xi1>
        tpu.vector_store_idx %arg7[%get3A_85], %broadcast_in_dim3A_215 masked %or3A_229 : memref<16384xf32, #tpu.memory_space<vmem>>[vector<16xi32>], vector<16xf32>, vector<16xi1>
        tpu.vector_store_idx %arg7[%get3A_87], %broadcast_in_dim3A_215 masked %or3A_237 : memref<16384xf32, #tpu.memory_space<vmem>>[vector<16xi32>], vector<16xf32>, vector<16xi1>
        tpu.vector_store_idx %arg7[%get3A_89], %broadcast_in_dim3A_215 masked %or3A_245 : memref<16384xf32, #tpu.memory_space<vmem>>[vector<16xi32>], vector<16xf32>, vector<16xi1>
        tpu.vector_store_idx %arg7[%get3A_91], %broadcast_in_dim3A_215 masked %or3A_253 : memref<16384xf32, #tpu.memory_space<vmem>>[vector<16xi32>], vector<16xf32>, vector<16xi1>
        tpu.vector_store_idx %arg7[%get3A_93], %broadcast_in_dim3A_215 masked %or3A_261 : memref<16384xf32, #tpu.memory_space<vmem>>[vector<16xi32>], vector<16xf32>, vector<16xi1>
        tpu.vector_store_idx %arg7[%get3A_95], %broadcast_in_dim3A_215 masked %or3A_269 : memref<16384xf32, #tpu.memory_space<vmem>>[vector<16xi32>], vector<16xf32>, vector<16xi1>
        tpu.vector_store_idx %arg7[%get3A_97], %broadcast_in_dim3A_215 masked %or3A_277 : memref<16384xf32, #tpu.memory_space<vmem>>[vector<16xi32>], vector<16xf32>, vector<16xi1>
        tpu.vector_store_idx %arg7[%get3A_99], %broadcast_in_dim3A_215 masked %or3A_285 : memref<16384xf32, #tpu.memory_space<vmem>>[vector<16xi32>], vector<16xf32>, vector<16xi1>
        tpu.vector_store_idx %arg7[%get3A_101], %broadcast_in_dim3A_215 masked %or3A_293 : memref<16384xf32, #tpu.memory_space<vmem>>[vector<16xi32>], vector<16xf32>, vector<16xi1>
        tpu.vector_store_idx %arg7[%get3A_103], %broadcast_in_dim3A_215 masked %or3A_301 : memref<16384xf32, #tpu.memory_space<vmem>>[vector<16xi32>], vector<16xf32>, vector<16xi1>
        tpu.vector_store_idx %arg7[%get3A_105], %broadcast_in_dim3A_215 masked %or3A_309 : memref<16384xf32, #tpu.memory_space<vmem>>[vector<16xi32>], vector<16xf32>, vector<16xi1>
        tpu.vector_store_idx %arg7[%get3A_107], %broadcast_in_dim3A_215 masked %or3A_317 : memref<16384xf32, #tpu.memory_space<vmem>>[vector<16xi32>], vector<16xf32>, vector<16xi1>
        tpu.vector_store_idx %arg7[%get3A_109], %broadcast_in_dim3A_215 masked %or3A_325 : memref<16384xf32, #tpu.memory_space<vmem>>[vector<16xi32>], vector<16xf32>, vector<16xi1>
        tpu.vector_store_idx %arg7[%get3A_111], %broadcast_in_dim3A_215 masked %or3A_333 : memref<16384xf32, #tpu.memory_space<vmem>>[vector<16xi32>], vector<16xf32>, vector<16xi1>
        tpu.vector_store_idx %arg7[%get3A_113], %broadcast_in_dim3A_215 masked %or3A_341 : memref<16384xf32, #tpu.memory_space<vmem>>[vector<16xi32>], vector<16xf32>, vector<16xi1>
      } else {
      }
      %not3A = arith.constant true
      %not3A_47 = arith.xori %and3A, %not3A : i1
      %convert_element_type3A_48 = arith.extui %not3A_47 : i1 to i32
      %cond3A_49 = arith.constant 0 : i32
      %cond3A_50 = arith.cmpi ne, %convert_element_type3A_48, %cond3A_49 : i32
      scf.if %cond3A_50 {
        %scan3A_51 = arith.constant 0 : i32
        %scan3A_52 = arith.constant 0 : i32
        %scan3A_53 = arith.constant 31 : i32
        %scan3A_54 = arith.addi %scan3A_52, %scan3A_53 : i32
        %scan3A_55 = arith.constant 1 : i32
        %scan3A_56 = scf.for %scan3A_90 = %scan3A_52 to %scan3A_54 step %scan3A_55 iter_args(%scan3A_91 = %scan3A_51) -> (i32)  : i32 {
          %sub3A_92 = arith.constant 30 : i32
          %sub3A_93 = arith.subi %sub3A_92, %scan3A_90 : i32
          %shift_left3A = arith.constant 1 : i32
          %shift_left3A_94 = arith.shli %shift_left3A, %sub3A_93 : i32
          %or3A = arith.ori %scan3A_91, %shift_left3A_94 : i32
          %scan3A_95 = arith.constant 0 : i32
          %scan3A_96 = arith.constant 0 : i32
          %scan3A_97 = arith.constant 1024 : i32
          %scan3A_98 = arith.addi %scan3A_96, %scan3A_97 : i32
          %scan3A_99 = arith.constant 1 : i32
          %scan3A_100 = scf.for %scan3A_104 = %scan3A_96 to %scan3A_98 step %scan3A_99 iter_args(%scan3A_105 = %scan3A_95) -> (i32)  : i32 {
            %mul3A_106 = arith.constant 16 : i32
            %mul3A_107 = arith.muli %scan3A_104, %mul3A_106 : i32
            %get3A = arith.index_cast %mul3A_107 : i32 to index
            %get3A_108 = tpu.vector_load %arg6[%get3A] {strides = array<i32>} : memref<16384xf32, #tpu.memory_space<vmem>>, vector<16xf32>,
            %bitcast3A = vector.bitcast %get3A_108 : vector<16xf32> to vector<16xi32>
            %ge3A_109 = vector.broadcast %or3A : i32 to vector<16xi32>
            %ge3A_110 = arith.cmpi sge, %bitcast3A, %ge3A_109 : vector<16xi32>
            %convert_element_type3A_111 = arith.extui %ge3A_110 : vector<16xi1> to vector<16xi32>
            %reduce_sum3A_112 = arith.constant true
            %reduce_sum3A_113 = vector.broadcast %reduce_sum3A_112 : i1 to vector<16xi1>
            %reduce_sum3A_114 = tpu.scan <sum>, %convert_element_type3A_111 masked %reduce_sum3A_113 : vector<16xi32>, vector<16xi1> -> vector<16xi32>
            %reduce_sum3A_115 = vector.extract %reduce_sum3A_114[15] : i32 from vector<16xi32>
            %add3A_116 = arith.addi %scan3A_105, %reduce_sum3A_115 : i32
            scf.yield %add3A_116 : i32
          }
          %scan3A_101 = arith.constant 1024 : i32
          %ge3A_102 = arith.constant 32 : i32
          %ge3A_103 = arith.cmpi sge, %scan3A_100, %ge3A_102 : i32
          %select_n3A = arith.select %ge3A_103, %or3A, %scan3A_91 : i32
          scf.yield %select_n3A : i32
        }
        %scan3A_57 = arith.constant 31 : i32
        %add3A_58 = arith.constant 1 : i32
        %add3A_59 = arith.addi %scan3A_56, %add3A_58 : i32
        %scan3A_60 = arith.constant 0 : i32
        %scan3A_61 = arith.constant 0 : i32
        %scan3A_62 = arith.constant 1024 : i32
        %scan3A_63 = arith.addi %scan3A_61, %scan3A_62 : i32
        %scan3A_64 = arith.constant 1 : i32
        %scan3A_65 = scf.for %scan3A_90 = %scan3A_61 to %scan3A_63 step %scan3A_64 iter_args(%scan3A_91 = %scan3A_60) -> (i32)  : i32 {
          %mul3A_92 = arith.constant 16 : i32
          %mul3A_93 = arith.muli %scan3A_90, %mul3A_92 : i32
          %get3A = arith.index_cast %mul3A_93 : i32 to index
          %get3A_94 = tpu.vector_load %arg6[%get3A] {strides = array<i32>} : memref<16384xf32, #tpu.memory_space<vmem>>, vector<16xf32>,
          %bitcast3A = vector.bitcast %get3A_94 : vector<16xf32> to vector<16xi32>
          %ge3A_95 = vector.broadcast %add3A_59 : i32 to vector<16xi32>
          %ge3A_96 = arith.cmpi sge, %bitcast3A, %ge3A_95 : vector<16xi32>
          %convert_element_type3A_97 = arith.extui %ge3A_96 : vector<16xi1> to vector<16xi32>
          %reduce_sum3A_98 = arith.constant true
          %reduce_sum3A_99 = vector.broadcast %reduce_sum3A_98 : i1 to vector<16xi1>
          %reduce_sum3A_100 = tpu.scan <sum>, %convert_element_type3A_97 masked %reduce_sum3A_99 : vector<16xi32>, vector<16xi1> -> vector<16xi32>
          %reduce_sum3A_101 = vector.extract %reduce_sum3A_100[15] : i32 from vector<16xi32>
          %add3A_102 = arith.addi %scan3A_91, %reduce_sum3A_101 : i32
          scf.yield %add3A_102 : i32
        }
        %scan3A_66 = arith.constant 1024 : i32
        %sub3A_67 = arith.constant 32 : i32
        %sub3A_68 = arith.subi %sub3A_67, %scan3A_65 : i32
        %scan3A_69 = arith.constant 0 : i32
        %scan3A_70 = arith.constant 0 : i32
        %scan3A_71 = arith.constant 14 : i32
        %scan3A_72 = arith.addi %scan3A_70, %scan3A_71 : i32
        %scan3A_73 = arith.constant 1 : i32
        %scan3A_74 = scf.for %scan3A_90 = %scan3A_70 to %scan3A_72 step %scan3A_73 iter_args(%scan3A_91 = %scan3A_69) -> (i32)  : i32 {
          %sub3A_92 = arith.constant 13 : i32
          %sub3A_93 = arith.subi %sub3A_92, %scan3A_90 : i32
          %shift_left3A = arith.constant 1 : i32
          %shift_left3A_94 = arith.shli %shift_left3A, %sub3A_93 : i32
          %or3A = arith.ori %scan3A_91, %shift_left3A_94 : i32
          %scan3A_95 = arith.constant 0 : i32
          %scan3A_96 = arith.constant 0 : i32
          %scan3A_97 = arith.constant 1024 : i32
          %scan3A_98 = arith.addi %scan3A_96, %scan3A_97 : i32
          %scan3A_99 = arith.constant 1 : i32
          %scan3A_100 = scf.for %scan3A_103 = %scan3A_96 to %scan3A_98 step %scan3A_99 iter_args(%scan3A_104 = %scan3A_95) -> (i32)  : i32 {
            %mul3A_105 = arith.constant 16 : i32
            %mul3A_106 = arith.muli %scan3A_103, %mul3A_105 : i32
            %get3A = arith.index_cast %mul3A_106 : i32 to index
            %get3A_107 = tpu.vector_load %arg6[%get3A] {strides = array<i32>} : memref<16384xf32, #tpu.memory_space<vmem>>, vector<16xf32>,
            %bitcast3A = vector.bitcast %get3A_107 : vector<16xf32> to vector<16xi32>
            %iota3A = tpu.iota {dimensions = array<i32: 0>} : vector<16xi32>
            %mul3A_108 = arith.constant 16 : i32
            %mul3A_109 = arith.muli %scan3A_103, %mul3A_108 : i32
            %add3A_110 = vector.broadcast %mul3A_109 : i32 to vector<16xi32>
            %add3A_111 = arith.addi %iota3A, %add3A_110 : vector<16xi32>
            %eq3A = vector.broadcast %scan3A_56 : i32 to vector<16xi32>
            %eq3A_112 = arith.cmpi eq, %bitcast3A, %eq3A : vector<16xi32>
            %lt3A_113 = vector.broadcast %or3A : i32 to vector<16xi32>
            %lt3A_114 = arith.cmpi slt, %add3A_111, %lt3A_113 : vector<16xi32>
            %and3A_115 = arith.andi %eq3A_112, %lt3A_114 : vector<16xi1>
            %convert_element_type3A_116 = arith.extui %and3A_115 : vector<16xi1> to vector<16xi32>
            %reduce_sum3A_117 = arith.constant true
            %reduce_sum3A_118 = vector.broadcast %reduce_sum3A_117 : i1 to vector<16xi1>
            %reduce_sum3A_119 = tpu.scan <sum>, %convert_element_type3A_116 masked %reduce_sum3A_118 : vector<16xi32>, vector<16xi1> -> vector<16xi32>
            %reduce_sum3A_120 = vector.extract %reduce_sum3A_119[15] : i32 from vector<16xi32>
            %add3A_121 = arith.addi %scan3A_104, %reduce_sum3A_120 : i32
            scf.yield %add3A_121 : i32
          }
          %scan3A_101 = arith.constant 1024 : i32
          %lt3A_102 = arith.cmpi slt, %scan3A_100, %sub3A_68 : i32
          %select_n3A = arith.select %lt3A_102, %or3A, %scan3A_91 : i32
          scf.yield %select_n3A : i32
        }
        %scan3A_75 = arith.constant 14 : i32
        %scan3A_76 = arith.constant 0 : i32
        %scan3A_77 = arith.constant 0 : i32
        %scan3A_78 = arith.constant 1024 : i32
        %scan3A_79 = arith.addi %scan3A_77, %scan3A_78 : i32
        %scan3A_80 = arith.constant 1 : i32
        %scan3A_81 = scf.for %scan3A_90 = %scan3A_77 to %scan3A_79 step %scan3A_80 iter_args(%scan3A_91 = %scan3A_76) -> (i32)  : i32 {
          %mul3A_92 = arith.constant 16 : i32
          %mul3A_93 = arith.muli %scan3A_90, %mul3A_92 : i32
          %get3A = arith.index_cast %mul3A_93 : i32 to index
          %get3A_94 = tpu.vector_load %arg6[%get3A] {strides = array<i32>} : memref<16384xf32, #tpu.memory_space<vmem>>, vector<16xf32>,
          %bitcast3A = vector.bitcast %get3A_94 : vector<16xf32> to vector<16xi32>
          %iota3A = tpu.iota {dimensions = array<i32: 0>} : vector<16xi32>
          %mul3A_95 = arith.constant 16 : i32
          %mul3A_96 = arith.muli %scan3A_90, %mul3A_95 : i32
          %add3A_97 = vector.broadcast %mul3A_96 : i32 to vector<16xi32>
          %add3A_98 = arith.addi %iota3A, %add3A_97 : vector<16xi32>
          %gt3A = vector.broadcast %scan3A_56 : i32 to vector<16xi32>
          %gt3A_99 = arith.cmpi sgt, %bitcast3A, %gt3A : vector<16xi32>
          %eq3A = vector.broadcast %scan3A_56 : i32 to vector<16xi32>
          %eq3A_100 = arith.cmpi eq, %bitcast3A, %eq3A : vector<16xi32>
          %le3A_101 = vector.broadcast %scan3A_74 : i32 to vector<16xi32>
          %le3A_102 = arith.cmpi sle, %add3A_98, %le3A_101 : vector<16xi32>
          %and3A_103 = arith.andi %eq3A_100, %le3A_102 : vector<16xi1>
          %or3A = arith.ori %gt3A_99, %and3A_103 : vector<16xi1>
          %jit3A = arith.constant 0.000000e+00 : f32
          %broadcast_in_dim3A_104 = vector.broadcast %jit3A : f32 to vector<16xf32>
          %select_n3A = arith.select %or3A, %get3A_94, %broadcast_in_dim3A_104 : vector<16xi1>, vector<16xf32>
          %mul3A_105 = arith.constant 16 : i32
          %mul3A_106 = arith.muli %scan3A_90, %mul3A_105 : i32
          %swap3A = arith.index_cast %mul3A_106 : i32 to index
          %swap3A_107 = tpu.vector_load %arg7[%swap3A] {strides = array<i32>} : memref<16384xf32, #tpu.memory_space<vmem>>, vector<16xf32>,
          tpu.vector_store %arg7[%swap3A], %select_n3A {strides = array<i32>} : memref<16384xf32, #tpu.memory_space<vmem>>, vector<16xf32>,
          %scan3A_108 = arith.constant 0 : i32
          scf.yield %scan3A_108 : i32
        }
        %scan3A_82 = arith.constant 1024 : i32
        "tpu.region"() ({
          %run_scoped3A = tpu.sem_alloc : memref<!tpu.dma_semaphore, #tpu.memory_space<semaphore_mem>>
          %dma_start3A = arith.constant 0 : i32
          %dma_start3A_90 = tpu.memref_slice %arg5[%add3A, %dma_start3A] : memref<16x16384xf32, #tpu.memory_space<hbm>> -> memref<1x16384xf32, #tpu.memory_space<hbm>>
          %dma_start3A_91 = tpu.memref_squeeze %dma_start3A_90 : memref<1x16384xf32, #tpu.memory_space<hbm>> -> memref<16384xf32, #tpu.memory_space<hbm>>
          %dma_start3A_92 = arith.constant 0 : i32
          %dma_start3A_93 = tpu.memref_slice %arg5[%add3A, %dma_start3A_92] : memref<16x16384xf32, #tpu.memory_space<hbm>> -> memref<1x16384xf32, #tpu.memory_space<hbm>>
          %dma_start3A_94 = tpu.memref_squeeze %dma_start3A_93 : memref<1x16384xf32, #tpu.memory_space<hbm>> -> memref<16384xf32, #tpu.memory_space<hbm>>
          tpu.enqueue_dma source(%arg7 : memref<16384xf32, #tpu.memory_space<vmem>>) target(%dma_start3A_94 : memref<16384xf32, #tpu.memory_space<hbm>>) target_semaphore(%run_scoped3A : memref<!tpu.dma_semaphore, #tpu.memory_space<semaphore_mem>>)
          %dma_wait3A = arith.constant 0 : i32
          %dma_wait3A_95 = tpu.memref_slice %arg5[%add3A, %dma_wait3A] : memref<16x16384xf32, #tpu.memory_space<hbm>> -> memref<1x16384xf32, #tpu.memory_space<hbm>>
          %dma_wait3A_96 = tpu.memref_squeeze %dma_wait3A_95 : memref<1x16384xf32, #tpu.memory_space<hbm>> -> memref<16384xf32, #tpu.memory_space<hbm>>
          %dma_wait3A_97 = arith.constant 0 : i32
          %dma_wait3A_98 = tpu.memref_slice %arg5[%add3A, %dma_wait3A_97] : memref<16x16384xf32, #tpu.memory_space<hbm>> -> memref<1x16384xf32, #tpu.memory_space<hbm>>
          %dma_wait3A_99 = tpu.memref_squeeze %dma_wait3A_98 : memref<1x16384xf32, #tpu.memory_space<hbm>> -> memref<16384xf32, #tpu.memory_space<hbm>>
          tpu.wait_dma2 semaphore(%run_scoped3A : memref<!tpu.dma_semaphore, #tpu.memory_space<semaphore_mem>>) src(%arg7 : memref<16384xf32, #tpu.memory_space<vmem>>) dst(%dma_wait3A_99 : memref<16384xf32, #tpu.memory_space<hbm>>)
          tpu.yield
        }) : () -> ()
        %scan3A_83 = arith.constant 0 : i32
        %scan3A_84 = arith.constant 0 : i32
        %scan3A_85 = arith.constant 1024 : i32
        %scan3A_86 = arith.addi %scan3A_84, %scan3A_85 : i32
        %scan3A_87 = arith.constant 1 : i32
        %scan3A_88 = scf.for %scan3A_90 = %scan3A_84 to %scan3A_86 step %scan3A_87 iter_args(%scan3A_91 = %scan3A_83) -> (i32)  : i32 {
          %broadcast_in_dim3A_92 = arith.constant 0.000000e+00 : f32
          %broadcast_in_dim3A_93 = vector.broadcast %broadcast_in_dim3A_92 : f32 to vector<16xf32>
          %mul3A_94 = arith.constant 16 : i32
          %mul3A_95 = arith.muli %scan3A_90, %mul3A_94 : i32
          %swap3A = arith.index_cast %mul3A_95 : i32 to index
          %swap3A_96 = tpu.vector_load %arg7[%swap3A] {strides = array<i32>} : memref<16384xf32, #tpu.memory_space<vmem>>, vector<16xf32>,
          tpu.vector_store %arg7[%swap3A], %broadcast_in_dim3A_93 {strides = array<i32>} : memref<16384xf32, #tpu.memory_space<vmem>>, vector<16xf32>,
          %scan3A_97 = arith.constant 0 : i32
          scf.yield %scan3A_97 : i32
        }
        %scan3A_89 = arith.constant 1024 : i32
      } else {
      }
    } else {
    }
    return
  }
}

module attributes {stable_mosaic.version = 14 : i64} {
  func.func @_prep_kernel(%arg0: memref<3xi32, #tpu.memory_space<smem>>, %arg1: memref<16x256x1024xf32, #tpu.memory_space<vmem>>, %arg2: memref<16x256xf32, #tpu.memory_space<vmem>>, %arg3: memref<16x1024xf32, #tpu.memory_space<vmem>>, %arg4: memref<16x8xf32, #tpu.memory_space<vmem>>, %arg5: memref<16x8xf32, #tpu.memory_space<vmem>>, %arg6: memref<16x1024xf32, #tpu.memory_space<vmem>>, %arg7: memref<16x1024xf32, #tpu.memory_space<vmem>>, %arg8: memref<16x8x1024xf32, #tpu.memory_space<vmem>>, %arg9: memref<16x8x1024xf32, #tpu.memory_space<vmem>>) attributes {dimension_semantics = [], scalar_prefetch = 0 : i64, scratch_operands = 0 : i64, tpu.core_type = #tpu.core_type<tc>} {
    %get3A = arith.constant 0 : index
    %get3A_0 = arith.constant 0 : index
    %get3A_1 = vector.load %arg2[%get3A, %get3A_0] : memref<16x256xf32, #tpu.memory_space<vmem>>, vector<16x256xf32>
    %get3A_2 = arith.constant 0 : index
    %get3A_3 = arith.constant 0 : index
    %get3A_4 = arith.constant 0 : index
    %get3A_5 = vector.load %arg1[%get3A_2, %get3A_3, %get3A_4] : memref<16x256x1024xf32, #tpu.memory_space<vmem>>, vector<16x256x1024xf32>
    %broadcast_in_dim3A = vector.shape_cast %get3A_1 : vector<16x256xf32> to vector<16x256x1xf32>
    %mul3A = vector.broadcast %broadcast_in_dim3A : vector<16x256x1xf32> to vector<16x256x1024xf32>
    %mul3A_6 = arith.mulf %get3A_5, %mul3A : vector<16x256x1024xf32>
    %reduce_sum3A = arith.constant dense<0.000000e+00> : vector<16x1024xf32>
    %reduce_sum3A_7 = vector.multi_reduction <add>, %mul3A_6, %reduce_sum3A [1] : vector<16x256x1024xf32> to vector<16x1024xf32>
    %reduce_sum3A_8 = arith.constant dense<0.000000e+00> : vector<16xf32>
    %reduce_sum3A_9 = vector.multi_reduction <add>, %get3A_1, %reduce_sum3A_8 [1] : vector<16x256xf32> to vector<16xf32>
    %broadcast_in_dim3A_10 = vector.shape_cast %reduce_sum3A_9 : vector<16xf32> to vector<16x1xf32>
    %add3A = arith.constant 9.99999997E-7 : f32
    %add3A_11 = vector.broadcast %add3A : f32 to vector<16x1xf32>
    %add3A_12 = arith.addf %broadcast_in_dim3A_10, %add3A_11 : vector<16x1xf32>
    %div3A = vector.broadcast %add3A_12 : vector<16x1xf32> to vector<16x1024xf32>
    %div3A_13 = arith.divf %reduce_sum3A_7, %div3A : vector<16x1024xf32>
    %swap3A = arith.constant 0 : index
    %swap3A_14 = arith.constant 0 : index
    %swap3A_15 = vector.load %arg6[%swap3A, %swap3A_14] : memref<16x1024xf32, #tpu.memory_space<vmem>>, vector<16x1024xf32>
    tpu.vector_store %arg6[%swap3A, %swap3A_14], %div3A_13 {strides = array<i32>} : memref<16x1024xf32, #tpu.memory_space<vmem>>, vector<16x1024xf32>,
    %mul3A_16 = arith.mulf %div3A_13, %div3A_13 : vector<16x1024xf32>
    %reduce_sum3A_17 = arith.constant dense<0.000000e+00> : vector<16xf32>
    %reduce_sum3A_18 = vector.multi_reduction <add>, %mul3A_16, %reduce_sum3A_17 [1] : vector<16x1024xf32> to vector<16xf32>
    %broadcast_in_dim3A_19 = vector.shape_cast %reduce_sum3A_18 : vector<16xf32> to vector<16x1xf32>
    %sqrt3A = math.sqrt %broadcast_in_dim3A_19 : vector<16x1xf32>
    %jit3A = arith.constant 9.99999996E-13 : f32
    %max3A = vector.broadcast %jit3A : f32 to vector<16x1xf32>
    %max3A_20 = arith.maximumf %max3A, %sqrt3A : vector<16x1xf32>
    %div3A_21 = vector.broadcast %max3A_20 : vector<16x1xf32> to vector<16x1024xf32>
    %div3A_22 = arith.divf %div3A_13, %div3A_21 : vector<16x1024xf32>
    %swap3A_23 = arith.constant 0 : index
    %swap3A_24 = arith.constant 0 : index
    %swap3A_25 = vector.load %arg7[%swap3A_23, %swap3A_24] : memref<16x1024xf32, #tpu.memory_space<vmem>>, vector<16x1024xf32>
    tpu.vector_store %arg7[%swap3A_23, %swap3A_24], %div3A_22 {strides = array<i32>} : memref<16x1024xf32, #tpu.memory_space<vmem>>, vector<16x1024xf32>,
    %get3A_26 = arith.constant 1 : index
    %get3A_27 = memref.load %arg0[%get3A_26] : memref<3xi32, #tpu.memory_space<smem>>
    %convert_element_type3A = arith.sitofp %get3A_27 : i32 to f32
    %get3A_28 = arith.constant 2 : index
    %get3A_29 = memref.load %arg0[%get3A_28] : memref<3xi32, #tpu.memory_space<smem>>
    %convert_element_type3A_30 = arith.sitofp %get3A_29 : i32 to f32
    %div3A_31 = arith.constant 5.000000e-01 : f32
    %div3A_32 = arith.divf %div3A_31, %convert_element_type3A_30 : f32
    %div3A_33 = arith.constant 5.000000e-01 : f32
    %div3A_34 = arith.divf %div3A_33, %convert_element_type3A : f32
    %get3A_35 = arith.constant 0 : index
    %get3A_36 = arith.constant 0 : index
    %get3A_37 = vector.load %arg4[%get3A_35, %get3A_36] : memref<16x8xf32, #tpu.memory_space<vmem>>, vector<16x8xf32>
    %get3A_38 = arith.constant 0 : index
    %get3A_39 = arith.constant 0 : index
    %get3A_40 = vector.load %arg5[%get3A_38, %get3A_39] : memref<16x8xf32, #tpu.memory_space<vmem>>, vector<16x8xf32>
    %sub3A = vector.broadcast %div3A_32 : f32 to vector<16x8xf32>
    %sub3A_41 = arith.subf %get3A_37, %sub3A : vector<16x8xf32>
    %integer_pow3A = arith.mulf %sub3A_41, %sub3A_41 : vector<16x8xf32>
    %sub3A_42 = vector.broadcast %div3A_34 : f32 to vector<16x8xf32>
    %sub3A_43 = arith.subf %get3A_40, %sub3A_42 : vector<16x8xf32>
    %integer_pow3A_44 = arith.mulf %sub3A_43, %sub3A_43 : vector<16x8xf32>
    %add3A_45 = arith.addf %integer_pow3A, %integer_pow3A_44 : vector<16x8xf32>
    %mul3A_46 = arith.constant -1.000000e+01 : f32
    %mul3A_47 = vector.broadcast %mul3A_46 : f32 to vector<16x8xf32>
    %mul3A_48 = arith.mulf %mul3A_47, %add3A_45 : vector<16x8xf32>
    %exp3A = math.exp %mul3A_48 : vector<16x8xf32>
    %get3A_49 = arith.constant 0 : index
    %get3A_50 = arith.constant 0 : index
    %get3A_51 = vector.load %arg3[%get3A_49, %get3A_50] : memref<16x1024xf32, #tpu.memory_space<vmem>>, vector<16x1024xf32>
    %broadcast_in_dim3A_52 = vector.shape_cast %exp3A : vector<16x8xf32> to vector<16x8x1xf32>
    %broadcast_in_dim3A_53 = vector.shape_cast %get3A_51 : vector<16x1024xf32> to vector<16x1x1024xf32>
    %mul3A_54 = vector.broadcast %broadcast_in_dim3A_52 : vector<16x8x1xf32> to vector<16x8x1024xf32>
    %mul3A_55 = vector.broadcast %broadcast_in_dim3A_53 : vector<16x1x1024xf32> to vector<16x8x1024xf32>
    %mul3A_56 = arith.mulf %mul3A_54, %mul3A_55 : vector<16x8x1024xf32>
    %add3A_57 = arith.constant 9.99999997E-7 : f32
    %add3A_58 = vector.broadcast %add3A_57 : f32 to vector<16x8xf32>
    %add3A_59 = arith.addf %exp3A, %add3A_58 : vector<16x8xf32>
    %broadcast_in_dim3A_60 = vector.shape_cast %add3A_59 : vector<16x8xf32> to vector<16x8x1xf32>
    %div3A_61 = vector.broadcast %broadcast_in_dim3A_60 : vector<16x8x1xf32> to vector<16x8x1024xf32>
    %div3A_62 = arith.divf %mul3A_56, %div3A_61 : vector<16x8x1024xf32>
    %swap3A_63 = arith.constant 0 : index
    %swap3A_64 = arith.constant 0 : index
    %swap3A_65 = arith.constant 0 : index
    %swap3A_66 = vector.load %arg8[%swap3A_63, %swap3A_64, %swap3A_65] : memref<16x8x1024xf32, #tpu.memory_space<vmem>>, vector<16x8x1024xf32>
    tpu.vector_store %arg8[%swap3A_63, %swap3A_64, %swap3A_65], %div3A_62 {strides = array<i32>} : memref<16x8x1024xf32, #tpu.memory_space<vmem>>, vector<16x8x1024xf32>,
    %mul3A_67 = arith.mulf %div3A_62, %div3A_62 : vector<16x8x1024xf32>
    %reduce_sum3A_68 = arith.constant dense<0.000000e+00> : vector<16x8xf32>
    %reduce_sum3A_69 = vector.multi_reduction <add>, %mul3A_67, %reduce_sum3A_68 [2] : vector<16x8x1024xf32> to vector<16x8xf32>
    %broadcast_in_dim3A_70 = vector.shape_cast %reduce_sum3A_69 : vector<16x8xf32> to vector<16x8x1xf32>
    %sqrt3A_71 = math.sqrt %broadcast_in_dim3A_70 : vector<16x8x1xf32>
    %jit3A_72 = arith.constant 9.99999996E-13 : f32
    %max3A_73 = vector.broadcast %jit3A_72 : f32 to vector<16x8x1xf32>
    %max3A_74 = arith.maximumf %max3A_73, %sqrt3A_71 : vector<16x8x1xf32>
    %div3A_75 = vector.broadcast %max3A_74 : vector<16x8x1xf32> to vector<16x8x1024xf32>
    %div3A_76 = arith.divf %div3A_62, %div3A_75 : vector<16x8x1024xf32>
    %swap3A_77 = arith.constant 0 : index
    %swap3A_78 = arith.constant 0 : index
    %swap3A_79 = arith.constant 0 : index
    %swap3A_80 = vector.load %arg9[%swap3A_77, %swap3A_78, %swap3A_79] : memref<16x8x1024xf32, #tpu.memory_space<vmem>>, vector<16x8x1024xf32>
    tpu.vector_store %arg9[%swap3A_77, %swap3A_78, %swap3A_79], %div3A_76 {strides = array<i32>} : memref<16x8x1024xf32, #tpu.memory_space<vmem>>, vector<16x8x1024xf32>,
    return
  }
}

module attributes {stable_mosaic.version = 14 : i64} {
  func.func @_enc_kernel(%arg0: i32, %arg1: memref<128x1024xf32, #tpu.memory_space<vmem>>, %arg2: memref<2048x1024xf32, #tpu.memory_space<vmem>>, %arg3: memref<128x2048xf32, #tpu.memory_space<vmem>>) attributes {dimension_semantics = [#tpu.dimension_semantics<arbitrary>], iteration_bounds = array<i64: 8>, scalar_prefetch = 0 : i64, scratch_operands = 0 : i64, tpu.core_type = #tpu.core_type<tc>, window_params = [{pipeline_mode = #tpu.pipeline_mode<synchronous>, transform_indices = @transform_0, window_bounds = array<i64: 128, 1024>}, {transform_indices = @transform_1, window_bounds = array<i64: 2048, 1024>}, {transform_indices = @transform_2, window_bounds = array<i64: 128, 2048>}]} {
    %get3A = arith.constant 0 : index
    %get3A_0 = arith.constant 0 : index
    %get3A_1 = vector.load %arg2[%get3A, %get3A_0] : memref<2048x1024xf32, #tpu.memory_space<vmem>>, vector<2048x1024xf32>
    %mul3A = arith.mulf %get3A_1, %get3A_1 : vector<2048x1024xf32>
    %reduce_sum3A = arith.constant dense<0.000000e+00> : vector<2048xf32>
    %reduce_sum3A_2 = vector.multi_reduction <add>, %mul3A, %reduce_sum3A [1] : vector<2048x1024xf32> to vector<2048xf32>
    %broadcast_in_dim3A = vector.shape_cast %reduce_sum3A_2 : vector<2048xf32> to vector<2048x1xf32>
    %sqrt3A = math.sqrt %broadcast_in_dim3A : vector<2048x1xf32>
    %jit3A = arith.constant 9.99999996E-13 : f32
    %max3A = vector.broadcast %jit3A : f32 to vector<2048x1xf32>
    %max3A_3 = arith.maximumf %max3A, %sqrt3A : vector<2048x1xf32>
    %div3A = vector.broadcast %max3A_3 : vector<2048x1xf32> to vector<2048x1024xf32>
    %div3A_4 = arith.divf %get3A_1, %div3A : vector<2048x1024xf32>
    %get3A_5 = arith.constant 0 : index
    %get3A_6 = arith.constant 0 : index
    %get3A_7 = vector.load %arg1[%get3A_5, %get3A_6] : memref<128x1024xf32, #tpu.memory_space<vmem>>, vector<128x1024xf32>
    %dot_general3A = arith.constant dense<0.000000e+00> : vector<128x2048xf32>
    %dot_general3A_8 = tpu.matmul %get3A_7, %div3A_4, %dot_general3A {dimension_numbers = #tpu.dot_dimension_numbers<[1], [1], [0], [0], [0, 0, 1, 0], [], []>, transpose_lhs_hint = false} : vector<128x1024xf32>, vector<2048x1024xf32>, vector<128x2048xf32> -> vector<128x2048xf32>
    %jit3A_9 = arith.constant -1.000000e+00 : f32
    %jit3A_10 = arith.constant 1.000000e+00 : f32
    %max3A_11 = vector.broadcast %jit3A_9 : f32 to vector<128x2048xf32>
    %max3A_12 = arith.maximumf %max3A_11, %dot_general3A_8 : vector<128x2048xf32>
    %min3A = vector.broadcast %jit3A_10 : f32 to vector<128x2048xf32>
    %min3A_13 = arith.minimumf %min3A, %max3A_12 : vector<128x2048xf32>
    %mul3A_14 = arith.constant 2.000000e+00 : f32
    %mul3A_15 = vector.broadcast %mul3A_14 : f32 to vector<128x2048xf32>
    %mul3A_16 = arith.mulf %mul3A_15, %min3A_13 : vector<128x2048xf32>
    %sub3A = arith.constant 2.000000e+00 : f32
    %sub3A_17 = vector.broadcast %sub3A : f32 to vector<128x2048xf32>
    %sub3A_18 = arith.subf %sub3A_17, %mul3A_16 : vector<128x2048xf32>
    %sqrt3A_19 = math.sqrt %sub3A_18 : vector<128x2048xf32>
    %sub3A_20 = arith.constant 2.000000e+00 : f32
    %sub3A_21 = vector.broadcast %sub3A_20 : f32 to vector<128x2048xf32>
    %sub3A_22 = arith.subf %sub3A_21, %sqrt3A_19 : vector<128x2048xf32>
    %swap3A = arith.constant 0 : index
    %swap3A_23 = arith.constant 0 : index
    %swap3A_24 = vector.load %arg3[%swap3A, %swap3A_23] : memref<128x2048xf32, #tpu.memory_space<vmem>>, vector<128x2048xf32>
    tpu.vector_store %arg3[%swap3A, %swap3A_23], %sub3A_22 {strides = array<i32>} : memref<128x2048xf32, #tpu.memory_space<vmem>>, vector<128x2048xf32>,
    return
  }
  func.func @transform_0(%arg0: i32) -> (i32, i32) {
    %c0_i32 = arith.constant 0 : i32
    %c0_i32_0 = arith.constant 0 : i32
    %c0_i32_1 = arith.constant 0 : i32
    return %c0_i32, %c0_i32_0 : i32, i32
  }
  func.func @transform_1(%arg0: i32) -> (i32, i32) {
    %c0_i32 = arith.constant 0 : i32
    %c0_i32_0 = arith.constant 0 : i32
    return %arg0, %c0_i32 : i32, i32
  }
  func.func @transform_2(%arg0: i32) -> (i32, i32) {
    %c0_i32 = arith.constant 0 : i32
    %c0_i32_0 = arith.constant 0 : i32
    return %c0_i32, %arg0 : i32, i32
  }
}

module attributes {stable_mosaic.version = 14 : i64} {
  func.func @_enc_kernel(%arg0: i32, %arg1: memref<16x1024xf32, #tpu.memory_space<vmem>>, %arg2: memref<2048x1024xf32, #tpu.memory_space<vmem>>, %arg3: memref<16x2048xf32, #tpu.memory_space<vmem>>) attributes {dimension_semantics = [#tpu.dimension_semantics<arbitrary>], iteration_bounds = array<i64: 8>, scalar_prefetch = 0 : i64, scratch_operands = 0 : i64, tpu.core_type = #tpu.core_type<tc>, window_params = [{pipeline_mode = #tpu.pipeline_mode<synchronous>, transform_indices = @transform_0, window_bounds = array<i64: 16, 1024>}, {transform_indices = @transform_1, window_bounds = array<i64: 2048, 1024>}, {transform_indices = @transform_2, window_bounds = array<i64: 16, 2048>}]} {
    %get3A = arith.constant 0 : index
    %get3A_0 = arith.constant 0 : index
    %get3A_1 = vector.load %arg2[%get3A, %get3A_0] : memref<2048x1024xf32, #tpu.memory_space<vmem>>, vector<2048x1024xf32>
    %mul3A = arith.mulf %get3A_1, %get3A_1 : vector<2048x1024xf32>
    %reduce_sum3A = arith.constant dense<0.000000e+00> : vector<2048xf32>
    %reduce_sum3A_2 = vector.multi_reduction <add>, %mul3A, %reduce_sum3A [1] : vector<2048x1024xf32> to vector<2048xf32>
    %broadcast_in_dim3A = vector.shape_cast %reduce_sum3A_2 : vector<2048xf32> to vector<2048x1xf32>
    %sqrt3A = math.sqrt %broadcast_in_dim3A : vector<2048x1xf32>
    %jit3A = arith.constant 9.99999996E-13 : f32
    %max3A = vector.broadcast %jit3A : f32 to vector<2048x1xf32>
    %max3A_3 = arith.maximumf %max3A, %sqrt3A : vector<2048x1xf32>
    %div3A = vector.broadcast %max3A_3 : vector<2048x1xf32> to vector<2048x1024xf32>
    %div3A_4 = arith.divf %get3A_1, %div3A : vector<2048x1024xf32>
    %get3A_5 = arith.constant 0 : index
    %get3A_6 = arith.constant 0 : index
    %get3A_7 = vector.load %arg1[%get3A_5, %get3A_6] : memref<16x1024xf32, #tpu.memory_space<vmem>>, vector<16x1024xf32>
    %dot_general3A = arith.constant dense<0.000000e+00> : vector<16x2048xf32>
    %dot_general3A_8 = tpu.matmul %get3A_7, %div3A_4, %dot_general3A {dimension_numbers = #tpu.dot_dimension_numbers<[1], [1], [0], [0], [0, 0, 1, 0], [], []>, transpose_lhs_hint = false} : vector<16x1024xf32>, vector<2048x1024xf32>, vector<16x2048xf32> -> vector<16x2048xf32>
    %jit3A_9 = arith.constant -1.000000e+00 : f32
    %jit3A_10 = arith.constant 1.000000e+00 : f32
    %max3A_11 = vector.broadcast %jit3A_9 : f32 to vector<16x2048xf32>
    %max3A_12 = arith.maximumf %max3A_11, %dot_general3A_8 : vector<16x2048xf32>
    %min3A = vector.broadcast %jit3A_10 : f32 to vector<16x2048xf32>
    %min3A_13 = arith.minimumf %min3A, %max3A_12 : vector<16x2048xf32>
    %mul3A_14 = arith.constant 2.000000e+00 : f32
    %mul3A_15 = vector.broadcast %mul3A_14 : f32 to vector<16x2048xf32>
    %mul3A_16 = arith.mulf %mul3A_15, %min3A_13 : vector<16x2048xf32>
    %sub3A = arith.constant 2.000000e+00 : f32
    %sub3A_17 = vector.broadcast %sub3A : f32 to vector<16x2048xf32>
    %sub3A_18 = arith.subf %sub3A_17, %mul3A_16 : vector<16x2048xf32>
    %sqrt3A_19 = math.sqrt %sub3A_18 : vector<16x2048xf32>
    %sub3A_20 = arith.constant 2.000000e+00 : f32
    %sub3A_21 = vector.broadcast %sub3A_20 : f32 to vector<16x2048xf32>
    %sub3A_22 = arith.subf %sub3A_21, %sqrt3A_19 : vector<16x2048xf32>
    %swap3A = arith.constant 0 : index
    %swap3A_23 = arith.constant 0 : index
    %swap3A_24 = vector.load %arg3[%swap3A, %swap3A_23] : memref<16x2048xf32, #tpu.memory_space<vmem>>, vector<16x2048xf32>
    tpu.vector_store %arg3[%swap3A, %swap3A_23], %sub3A_22 {strides = array<i32>} : memref<16x2048xf32, #tpu.memory_space<vmem>>, vector<16x2048xf32>,
    return
  }
  func.func @transform_0(%arg0: i32) -> (i32, i32) {
    %c0_i32 = arith.constant 0 : i32
    %c0_i32_0 = arith.constant 0 : i32
    %c0_i32_1 = arith.constant 0 : i32
    return %c0_i32, %c0_i32_0 : i32, i32
  }
  func.func @transform_1(%arg0: i32) -> (i32, i32) {
    %c0_i32 = arith.constant 0 : i32
    %c0_i32_0 = arith.constant 0 : i32
    return %arg0, %c0_i32 : i32, i32
  }
  func.func @transform_2(%arg0: i32) -> (i32, i32) {
    %c0_i32 = arith.constant 0 : i32
    %c0_i32_0 = arith.constant 0 : i32
    return %c0_i32, %arg0 : i32, i32
  }
}

module attributes {stable_mosaic.version = 14 : i64} {
  func.func @_dec_kernel(%arg0: i32, %arg1: memref<16x2048xf32, #tpu.memory_space<vmem>>, %arg2: memref<1024x2048xf32, #tpu.memory_space<vmem>>, %arg3: memref<1x1024xf32, #tpu.memory_space<vmem>>, %arg4: memref<16x1024xf32, #tpu.memory_space<vmem>>) attributes {dimension_semantics = [#tpu.dimension_semantics<arbitrary>], iteration_bounds = array<i64: 8>, scalar_prefetch = 0 : i64, scratch_operands = 0 : i64, tpu.core_type = #tpu.core_type<tc>, window_params = [{transform_indices = @transform_0, window_bounds = array<i64: 16, 2048>}, {transform_indices = @transform_1, window_bounds = array<i64: 1024, 2048>}, {pipeline_mode = #tpu.pipeline_mode<synchronous>, transform_indices = @transform_2, window_bounds = array<i64: 1, 1024>}, {pipeline_mode = #tpu.pipeline_mode<synchronous>, transform_indices = @transform_3, window_bounds = array<i64: 16, 1024>}]} {
    %eq3A = arith.constant 0 : i32
    %eq3A_0 = arith.cmpi eq, %arg0, %eq3A : i32
    %convert_element_type3A = arith.extui %eq3A_0 : i1 to i32
    %cond3A = arith.constant 0 : i32
    %cond3A_1 = arith.cmpi ne, %convert_element_type3A, %cond3A : i32
    scf.if %cond3A_1 {
      %get3A_13 = arith.constant 0 : index
      %get3A_14 = arith.constant 0 : index
      %get3A_15 = vector.load %arg3[%get3A_13, %get3A_14] : memref<1x1024xf32, #tpu.memory_space<vmem>>, vector<1x1024xf32>
      %broadcast_in_dim3A = vector.shape_cast %get3A_15 : vector<1x1024xf32> to vector<1x1024xf32>
      %broadcast_in_dim3A_16 = vector.broadcast %broadcast_in_dim3A : vector<1x1024xf32> to vector<16x1024xf32>
      %swap3A_17 = arith.constant 0 : index
      %swap3A_18 = arith.constant 0 : index
      %swap3A_19 = vector.load %arg4[%swap3A_17, %swap3A_18] : memref<16x1024xf32, #tpu.memory_space<vmem>>, vector<16x1024xf32>
      tpu.vector_store %arg4[%swap3A_17, %swap3A_18], %broadcast_in_dim3A_16 {strides = array<i32>} : memref<16x1024xf32, #tpu.memory_space<vmem>>, vector<16x1024xf32>,
    } else {
    }
    %get3A = arith.constant 0 : index
    %get3A_2 = arith.constant 0 : index
    %get3A_3 = vector.load %arg4[%get3A, %get3A_2] : memref<16x1024xf32, #tpu.memory_space<vmem>>, vector<16x1024xf32>
    %get3A_4 = arith.constant 0 : index
    %get3A_5 = arith.constant 0 : index
    %get3A_6 = vector.load %arg1[%get3A_4, %get3A_5] : memref<16x2048xf32, #tpu.memory_space<vmem>>, vector<16x2048xf32>
    %get3A_7 = arith.constant 0 : index
    %get3A_8 = arith.constant 0 : index
    %get3A_9 = vector.load %arg2[%get3A_7, %get3A_8] : memref<1024x2048xf32, #tpu.memory_space<vmem>>, vector<1024x2048xf32>
    %dot_general3A = arith.constant dense<0.000000e+00> : vector<16x1024xf32>
    %dot_general3A_10 = tpu.matmul %get3A_6, %get3A_9, %dot_general3A {dimension_numbers = #tpu.dot_dimension_numbers<[1], [1], [0], [0], [0, 0, 1, 0], [], []>, transpose_lhs_hint = false} : vector<16x2048xf32>, vector<1024x2048xf32>, vector<16x1024xf32> -> vector<16x1024xf32>
    %add3A = arith.addf %get3A_3, %dot_general3A_10 : vector<16x1024xf32>
    %swap3A = arith.constant 0 : index
    %swap3A_11 = arith.constant 0 : index
    %swap3A_12 = vector.load %arg4[%swap3A, %swap3A_11] : memref<16x1024xf32, #tpu.memory_space<vmem>>, vector<16x1024xf32>
    tpu.vector_store %arg4[%swap3A, %swap3A_11], %add3A {strides = array<i32>} : memref<16x1024xf32, #tpu.memory_space<vmem>>, vector<16x1024xf32>,
    return
  }
  func.func @transform_0(%arg0: i32) -> (i32, i32) {
    %c0_i32 = arith.constant 0 : i32
    %c0_i32_0 = arith.constant 0 : i32
    return %c0_i32, %arg0 : i32, i32
  }
  func.func @transform_1(%arg0: i32) -> (i32, i32) {
    %c0_i32 = arith.constant 0 : i32
    %c0_i32_0 = arith.constant 0 : i32
    return %c0_i32, %arg0 : i32, i32
  }
  func.func @transform_2(%arg0: i32) -> (i32, i32) {
    %c0_i32 = arith.constant 0 : i32
    %c0_i32_0 = arith.constant 0 : i32
    %c0_i32_1 = arith.constant 0 : i32
    return %c0_i32, %c0_i32_0 : i32, i32
  }
  func.func @transform_3(%arg0: i32) -> (i32, i32) {
    %c0_i32 = arith.constant 0 : i32
    %c0_i32_0 = arith.constant 0 : i32
    %c0_i32_1 = arith.constant 0 : i32
    return %c0_i32, %c0_i32_0 : i32, i32
  }
}

module attributes {stable_mosaic.version = 14 : i64} {
  func.func @_dec_kernel(%arg0: i32, %arg1: memref<128x2048xf32, #tpu.memory_space<vmem>>, %arg2: memref<1024x2048xf32, #tpu.memory_space<vmem>>, %arg3: memref<1x1024xf32, #tpu.memory_space<vmem>>, %arg4: memref<128x1024xf32, #tpu.memory_space<vmem>>) attributes {dimension_semantics = [#tpu.dimension_semantics<arbitrary>], iteration_bounds = array<i64: 8>, scalar_prefetch = 0 : i64, scratch_operands = 0 : i64, tpu.core_type = #tpu.core_type<tc>, window_params = [{transform_indices = @transform_0, window_bounds = array<i64: 128, 2048>}, {transform_indices = @transform_1, window_bounds = array<i64: 1024, 2048>}, {pipeline_mode = #tpu.pipeline_mode<synchronous>, transform_indices = @transform_2, window_bounds = array<i64: 1, 1024>}, {pipeline_mode = #tpu.pipeline_mode<synchronous>, transform_indices = @transform_3, window_bounds = array<i64: 128, 1024>}]} {
    %eq3A = arith.constant 0 : i32
    %eq3A_0 = arith.cmpi eq, %arg0, %eq3A : i32
    %convert_element_type3A = arith.extui %eq3A_0 : i1 to i32
    %cond3A = arith.constant 0 : i32
    %cond3A_1 = arith.cmpi ne, %convert_element_type3A, %cond3A : i32
    scf.if %cond3A_1 {
      %get3A_13 = arith.constant 0 : index
      %get3A_14 = arith.constant 0 : index
      %get3A_15 = vector.load %arg3[%get3A_13, %get3A_14] : memref<1x1024xf32, #tpu.memory_space<vmem>>, vector<1x1024xf32>
      %broadcast_in_dim3A = vector.shape_cast %get3A_15 : vector<1x1024xf32> to vector<1x1024xf32>
      %broadcast_in_dim3A_16 = vector.broadcast %broadcast_in_dim3A : vector<1x1024xf32> to vector<128x1024xf32>
      %swap3A_17 = arith.constant 0 : index
      %swap3A_18 = arith.constant 0 : index
      %swap3A_19 = vector.load %arg4[%swap3A_17, %swap3A_18] : memref<128x1024xf32, #tpu.memory_space<vmem>>, vector<128x1024xf32>
      tpu.vector_store %arg4[%swap3A_17, %swap3A_18], %broadcast_in_dim3A_16 {strides = array<i32>} : memref<128x1024xf32, #tpu.memory_space<vmem>>, vector<128x1024xf32>,
    } else {
    }
    %get3A = arith.constant 0 : index
    %get3A_2 = arith.constant 0 : index
    %get3A_3 = vector.load %arg4[%get3A, %get3A_2] : memref<128x1024xf32, #tpu.memory_space<vmem>>, vector<128x1024xf32>
    %get3A_4 = arith.constant 0 : index
    %get3A_5 = arith.constant 0 : index
    %get3A_6 = vector.load %arg1[%get3A_4, %get3A_5] : memref<128x2048xf32, #tpu.memory_space<vmem>>, vector<128x2048xf32>
    %get3A_7 = arith.constant 0 : index
    %get3A_8 = arith.constant 0 : index
    %get3A_9 = vector.load %arg2[%get3A_7, %get3A_8] : memref<1024x2048xf32, #tpu.memory_space<vmem>>, vector<1024x2048xf32>
    %dot_general3A = arith.constant dense<0.000000e+00> : vector<128x1024xf32>
    %dot_general3A_10 = tpu.matmul %get3A_6, %get3A_9, %dot_general3A {dimension_numbers = #tpu.dot_dimension_numbers<[1], [1], [0], [0], [0, 0, 1, 0], [], []>, transpose_lhs_hint = false} : vector<128x2048xf32>, vector<1024x2048xf32>, vector<128x1024xf32> -> vector<128x1024xf32>
    %add3A = arith.addf %get3A_3, %dot_general3A_10 : vector<128x1024xf32>
    %swap3A = arith.constant 0 : index
    %swap3A_11 = arith.constant 0 : index
    %swap3A_12 = vector.load %arg4[%swap3A, %swap3A_11] : memref<128x1024xf32, #tpu.memory_space<vmem>>, vector<128x1024xf32>
    tpu.vector_store %arg4[%swap3A, %swap3A_11], %add3A {strides = array<i32>} : memref<128x1024xf32, #tpu.memory_space<vmem>>, vector<128x1024xf32>,
    return
  }
  func.func @transform_0(%arg0: i32) -> (i32, i32) {
    %c0_i32 = arith.constant 0 : i32
    %c0_i32_0 = arith.constant 0 : i32
    return %c0_i32, %arg0 : i32, i32
  }
  func.func @transform_1(%arg0: i32) -> (i32, i32) {
    %c0_i32 = arith.constant 0 : i32
    %c0_i32_0 = arith.constant 0 : i32
    return %c0_i32, %arg0 : i32, i32
  }
  func.func @transform_2(%arg0: i32) -> (i32, i32) {
    %c0_i32 = arith.constant 0 : i32
    %c0_i32_0 = arith.constant 0 : i32
    %c0_i32_1 = arith.constant 0 : i32
    return %c0_i32, %c0_i32_0 : i32, i32
  }
  func.func @transform_3(%arg0: i32) -> (i32, i32) {
    %c0_i32 = arith.constant 0 : i32
    %c0_i32_0 = arith.constant 0 : i32
    %c0_i32_1 = arith.constant 0 : i32
    return %c0_i32, %c0_i32_0 : i32, i32
  }
}

</mosaic_0001>

<sc_bundles>
// kernel: kernel.8.cloned.1.call-start
scs
__scs_entry_jumppad:
0x0: {  	(pc) =	sbr.rel $0x88, $3  }
0x1: {  	(tag) =	ssettag $0x0;
	lr =	simm.s32 $0x1  }
0x2: {  	[smem:$0x3F96] =	sst lr;
	_ =	strace $0xD0000000  }
0x3: {  	_ = 	snop  }
0x4: {  	_ = 	snop  }
0x5: {  	_ = 	snop  }
0x6: {  	_ = 	snop  }
0x7: {  	_ = 	snop  }
__scs_overlays_trampoline_lowered:
0x8: {  	[smem:$0x3FA5] =	sst s0  }
0x9: {  	[smem:$0x3FA6] =	sst s1  }
0xa: {  	[smem:$0x3FA7] =	sst s2  }
0xb: {  	[smem:$0x3FA8] =	sst s3  }
0xc: {  	[smem:$0x3FA9] =	sst s4  }
0xd: {  	[smem:$0x3FAA] =	sst s5  }
0xe: {  	[smem:$0x3FAB] =	sst s6  }
0xf: {  	[smem:$0x3FAC] =	sst s7  }
0x10: {  	[smem:$0x3FAD] =	sst s8  }
0x11: {  	[smem:$0x3FAE] =	sst s9;
	s0 =	simm.s32 @!p0 $0x0  }
0x12: {  	s1 =	sld [smem:$0x3F94];
	s0 =	simm.s32 @p0 $0x1  }
0x13: {  	[smem:$0x3FAF] =	sst s0;
	s0 =	simm.s32 @!p1 $0x0  }
0x14: {  	s2 =	sld [smem:$0x3F93];
	s0 =	simm.s32 @p1 $0x1  }
0x15: {  	[smem:$0x3FB0] =	sst s0;
	s0 =	simm.s32 @!p2 $0x0  }
0x16: {  	s3 =	sld [smem:$0x3FDB];
	s0 =	simm.s32 @p2 $0x1  }
0x17: {  	s4 =	simm.s32 $0x1BF5;
	[smem:$0x3FB2] =	sst s0  }
0x18: {  	s0 =	sld [smem:$0x3F95];
	_ =	swait.ge [sflag:s4], $0x0  }
0x19: {  	s7 =	sld [smem:$0x3F96]  }
0x1a: {  	s8 =	sadd.s32 $0xFFFFE003, lr  }
0x1b: {  	s9 =	sadd.s32 $0xFFFFFEF7, lr;
	s5 =	simm.s32 $0xFFFFFFFF;
	p2 =	slt.u32 s8, $0xFFFFF086  }
0x1c: {  	p1 =	slt.u32 s9, $0xF7A;
	s5 =	simm.s32 @!p2 $0x0  }
0x1d: {  	s5 =	simm.s32 @p1 $0x1;
	p0 =	seq.s32 s7, s2  }
0x1e: {  	s7 =	smul.u32 @!p0 $0xF7A, s2;
	p2 =	seq.s32 @!p0 s5, $0x0  }
0x1f: {  	s9 =	smul.u32 $0xF7A, s1;
	s8 =	simm.s32 @!p0 $0x1BF5;
	p2 =	por !p2, p0  }
0x20: {  	[sflag:s8] =	ssyncset.s32 @!p0 $0xFFFFF086;
	s6 =	sadd.s32 @!p0 s3, s7;
	s7 =	simm.s32 @!p0 $0x108  }
0x21: {  	s3 =	sadd.s32 s3, s9;
	s6 =	sadd.s32 @!p0 $0x88, s6;
	s7 =	simm.s32 @p2 $0x1082  }
0x22: {  	[simem:s7], [sflag:s8] =	dma.local @!p0 [hbm:s6], $0xF7A  }
0x23: {  	s9 =	sor.u32 $0xD0000000, s2;
	s6 =	simm.s32 $0x108;
	_ =	swait.ge @!p0 [sflag:s8], $0x0  }
0x24: {  	s3 =	sadd.s32 $0x88, s3;
	s6 =	simm.s32 @!p1 $0x1082;
	[sflag:s4] =	ssyncset.s32 $0xFFFFF086  }
0x25: {  	[simem:s6], [sflag:s4] =	dma.local [hbm:s3], $0xF7A  }
0x26: {  	[smem:$0x3F96] =	sst s1;
	(tag) =	ssettag s2;
	_ =	strace s9  }
0x27: {  	s1 =	sld [smem:$0x3FA6]  }
0x28: {  	s2 =	sld [smem:$0x3FA7]  }
0x29: {  	s4 =	sld [smem:$0x3FA9]  }
0x2a: {  	p0 =	seq.s32 s5, $0x0;
	s5 =	sld [smem:$0x3FAA]  }
0x2b: {  	s6 =	sld [smem:$0x3FAB]  }
0x2c: {  	s7 =	sld [smem:$0x3FAC]  }
0x2d: {  	s3 =	simm.s32 $0x108;
	s8 =	sld [smem:$0x3FAD]  }
0x2e: {  	s3 =	simm.s32 @!p0 $0x1082;
	s9 =	sld [smem:$0x3FAE]  }
0x2f: {  	lr =	sadd.s32 s0, s3;
	s0 =	sld [smem:$0x3FA5]  }
0x30: {  	s3 =	sld [smem:$0x3FA8]  }
0x31: {  	[smem:$0x3FB1] =	sst s10  }
0x32: {  	s10 =	sld [smem:$0x3FAF];
	_ =	sdelay $0x3  }
0x33: {  	p0 =	seq.s32 s10, $0x1;
	s10 =	sld [smem:$0x3FB1];
	_ =	sdelay $0x3  }
0x34: {  	[smem:$0x3FB1] =	sst s10  }
0x35: {  	s10 =	sld [smem:$0x3FB0];
	_ =	sdelay $0x3  }
0x36: {  	p1 =	seq.s32 s10, $0x1;
	s10 =	sld [smem:$0x3FB1];
	_ =	sdelay $0x3  }
0x37: {  	[smem:$0x3FB1] =	sst s10  }
0x38: {  	s10 =	sld [smem:$0x3FB2]  }
0x39: {  	_ = 	snop;
	(pc) =	sbr.ind lr, $3  }
0x3a: {  	_ = 	snop  }
0x3b: {  	_ = 	snop  }
0x3c: {  	p2 =	seq.s32 s10, $0x1;
	s10 =	sld [smem:$0x3FB1]  }
0x3d: {  	_ =	shalt  }
0x3e: {  	_ =	shalt  }
0x3f: {  	_ =	shalt  }
0x40: {  	_ =	shalt  }
0x41: {  	_ =	shalt  }
0x42: {  	_ =	shalt  }
0x43: {  	_ =	shalt  }
0x44: {  	_ =	shalt  }
0x45: {  	_ =	shalt  }
0x46: {  	_ =	shalt  }
0x47: {  	_ =	shalt  }
0x48: {  	_ =	shalt  }
0x49: {  	_ =	shalt  }
0x4a: {  	_ =	shalt  }
0x4b: {  	_ =	shalt  }
0x4c: {  	_ =	shalt  }
0x4d: {  	_ =	shalt  }
0x4e: {  	_ =	shalt  }
0x4f: {  	_ =	shalt  }
0x50: {  	_ =	shalt  }
0x51: {  	_ =	shalt  }
0x52: {  	_ =	shalt  }
0x53: {  	_ =	shalt  }
0x54: {  	_ =	shalt  }
0x55: {  	_ =	shalt  }
0x56: {  	_ =	shalt  }
0x57: {  	_ =	shalt  }
0x58: {  	_ =	shalt  }
0x59: {  	_ =	shalt  }
0x5a: {  	_ =	shalt  }
0x5b: {  	_ =	shalt  }
0x5c: {  	_ =	shalt  }
0x5d: {  	_ =	shalt  }
0x5e: {  	_ =	shalt  }
0x5f: {  	_ =	shalt  }
0x60: {  	_ =	shalt  }
0x61: {  	_ =	shalt  }
0x62: {  	_ =	shalt  }
0x63: {  	_ =	shalt  }
0x64: {  	_ =	shalt  }
0x65: {  	_ =	shalt  }
0x66: {  	_ =	shalt  }
0x67: {  	_ =	shalt  }
0x68: {  	_ =	shalt  }
0x69: {  	_ =	shalt  }
0x6a: {  	_ =	shalt  }
0x6b: {  	_ =	shalt  }
0x6c: {  	_ =	shalt  }
0x6d: {  	_ =	shalt  }
0x6e: {  	_ =	shalt  }
0x6f: {  	_ =	shalt  }
0x70: {  	_ =	shalt  }
0x71: {  	_ =	shalt  }
0x72: {  	_ =	shalt  }
0x73: {  	_ =	shalt  }
0x74: {  	_ =	shalt  }
0x75: {  	_ =	shalt  }
0x76: {  	_ =	shalt  }
0x77: {  	_ =	shalt  }
0x78: {  	_ =	shalt  }
0x79: {  	_ =	shalt  }
0x7a: {  	_ =	shalt  }
0x7b: {  	_ =	shalt  }
0x7c: {  	_ =	shalt  }
0x7d: {  	_ =	shalt  }
0x7e: {  	_ =	shalt  }
0x7f: {  	_ =	shalt  }
0x80: {  	_ =	shalt  }
0x81: {  	_ =	shalt  }
0x82: {  	_ =	shalt  }
0x83: {  	_ =	shalt  }
0x84: {  	_ =	shalt  }
0x85: {  	_ =	shalt  }
0x86: {  	_ =	shalt  }
0x87: {  	_ =	shalt  }
.Lfunc_end0:
.L_simem_size_0:
called_computation_lowered:
.L_overlay_start_0:
0x88: {  	s2 =	sld [smem:$0x3FD9]  }
0x89: {  	s3 =	sld [smem:$0x3FFE];
	_ =	sdelay $0x1  }
0x8a: {  	s1 =	srdreg.scid  }
0x8b: {  	s0 =	sand.u32 $0x1, s1  }
0x8c: {  	s14 =	sshll.u32 s0, $0xA;
	s2 =	sadd.s32 s3, s2  }
0x8d: {  	s2 =	sadd.s32 s2, s14  }
0x8e: {  	[smem:$0x3FBD] =	sst s2  }
0x8f: {  	_ = 	snop  }
0x90: {  	s2 =	sld [smem:$0x3FD0];
	_ =	sdelay $0x2  }
0x91: {  	s15 =	simm.s32 $0xA;
	s4 =	simm.s32 $0x10  }
0x92: {  	[smem:s4], [sflag:s15] =	dma.local [hbm:s2], $0x1  }
0x93: {  	_ =	swait.eq [sflag:s15], $0x1  }
0x94: {  	[sflag:s15] =	ssyncset.done $0x0  }
0x95: {  	s16 =	sld [smem:$0x14];
	[sflag:s15] =	ssyncadd.s32 $0xFFFFFFFF  }
0x96: {  	s17 =	sld [smem:$0x15];
	(tm) =	ssettm $0x1  }
0x97: {  	s18 =	sld [smem:$0x3FFB];
	_ =	sdelay $0x3  }
0x98: {  	_ =	strace s18  }
0x99: {  	s4 =	sld [smem:$0x3FFC];
	_ =	sdelay $0x3  }
0x9a: {  	_ =	strace s4  }
0x9b: {  	s4 =	sld [smem:$0x3FFD];
	_ =	sdelay $0x3  }
0x9c: {  	_ =	strace s4  }
0x9d: {  	_ =	strace $0x8FFFFFFF  }
0x9e: {  	s19 =	sld [smem:$0x3FDB];
	_ =	sdelay $0x1  }
0x9f: {  	s5 =	simm.s32 $_scs_section_size  }
0xa0: {  	s6 =	simm.s32 $_size__tile_overlayer_lowered;
	s7 =	simm.s32 $_tile_overlayer_lowered  }
0xa1: {  	s22 =	simm.s32 $0x1BFF;
	s21 =	sshll.u32 s7, $0x1;
	s4 =	sadd.s32 s5, s19  }
0xa2: {  	s8 =	simm.s32 $0x0;
	s20 =	sshll.u32 s6, $0x1;
	s6 =	sadd.s32 s21, s4  }
0xa3: {  	[timem:s8], [sflag:s22] =	dma.local [hbm:s6], s20  }
0xa4: {  	_ =	swait.ge [sflag:s22], s20  }
0xa5: {  	s5 =	ssub.s32 $0x0, s20;
	[sflag:s22] =	ssyncset.done $0x0  }
0xa6: {  	[sflag:s22] =	ssyncadd.s32 s5;
	_ =	sdelay $0x1  }
0xa7: {  	s23 =	simm.s32 $0x1B8B  }
0xa8: {  	_ =	swait.ge [sflag:s23], $0x1  }
0xa9: {  	[sflag:s23] =	ssyncset.done $0x0  }
0xaa: {  	s25 =	simm.s32 $0x1B8E;
	s24 =	sld [smem:$0x3FFE];
	[sflag:s23] =	ssyncadd.s32 $0xFFFFFFFF  }
0xab: {  	s26 =	simm.s32 $execute0_lowered;
	[smem:$0x3FD2] =	sst s25  }
0xac: {  	s6 =	sshll.u32 s26, $0x1;
	_ =	strace $0x80000046;
	[dreg:$0x1] =	wrdreg $0xFFFFFFFF  }
0xad: {  	s28 =	simm.s32 $_size_execute0_lowered;
	s4 =	sadd.s32 s4, s6;
	[dreg:$0x0] =	wrdreg $0x0  }
0xae: {  	s6 =	sshll.u32 s28, $0x1;
	[dreg:$0x2] =	wrdreg s4  }
0xaf: {  	[dreg:$0x3] =	wrdreg s6  }
0xb0: {  	[dreg:$0x4] =	wrdreg $0xC0  }
0xb1: {  	_ =	task [dreg:s8], $0x5FFFF  }
0xb2: {  	[dreg:$0x1] =	wrdreg $0xFFFFFFFF  }
0xb3: {  	[dreg:$0x0] =	wrdreg $0x60  }
0xb4: {  	[dreg:$0x2] =	wrdreg s24  }
0xb5: {  	[dreg:$0x3] =	wrdreg s16  }
0xb6: {  	[dreg:$0x4] =	wrdreg s17  }
0xb7: {  	[dreg:$0x5] =	wrdreg $0x9  }
0xb8: {  	_ =	task.clear_ibuf [dreg:s8], $0x6FFFF;
	_ =	strace $0x90000046  }
0xb9: {  	s29 =	simm.s32 $0x9;
	_ =	strace $0x80000048  }
0xba: {  	_ =	swait.ge [sflag:s29], $0x1  }
0xbb: {  	[sflag:s29] =	ssyncadd.s32 $0xFFFFFFFF  }
0xbc: {  	_ =	strace $0x90000048  }
0xbd: {  	_ =	sfence  }
0xbe: {  	s30 =	sld [smem:$0x0];
	_ =	sdelay $0x2  }
0xbf: {  	s31 =	sshll.u32 s1, $0xD;
	s1 =	sshrl.u32 s1, $0x2  }
0xc0: {  	s3 =	sand.u32 $0x4000, s31;
	s1 =	sadd.s32 s1, s30  }
0xc1: {  	s0 =	sor.u32 s3, s0;
	s1 =	sshll.u32 s1, $0x11  }
0xc2: {  	s0 =	sor.u32 s1, s0  }
0xc3: {  	s0 =	sadd.s32 $0x8F2B, s0  }
0xc4: {  	[sflag:s0] =	ssyncadd.remote.s32 $0x1  }
0xc5: {  	_ =	sfence.sel $0xFFFF  }
0xc6: {  	[dreg:$0x0] =	wrdreg $0xFFFFFFFF;
	(pc) =	sbr.abs _section_cstart, $3  }
0xc7: {  	[dreg:$0x1] =	wrdreg $0xFFFFFFFF  }
0xc8: {  	_ =	task.clear_ibuf [dreg:s8], $0x2FFFF;
	_ =	strace $0x9FFFFFFF  }
0xc9: {  	(tm) =	ssettm $0x7FFFFFFF  }
tec
execute0_lowered:
.L_overlay_start_1:
0x0: {  	(tag) =	ssettag $0x1  }
0x1: {  	s5 =	rddreg [dreg:$0x0]  }
0x2: {  	s2 =	rddreg [dreg:$0x1]  }
0x3: {  	s7 =	rddreg [dreg:$0x2]  }
0x4: {  	s0 =	rddreg [dreg:$0x3]  }
0x5: {  	s4 =	srdreg.scid;
	s1 =	stileid.u32  }
0x6: {  	s3 =	simm.s32 $0x0;
	s12 =	simm.s32 $0x40000000;
	s13 =	simm.s32 $0x2000  }
0x7: {  	s14 =	simm.s32 $0x4000;
	s6 =	sand.u32 $0x1, s4;
	s29 =	sshll.u32 s1, $0x5  }
0x8: {  	s8 =	sshll.u32 s1, $0xC;
	[smem:$0x7FF] =	sst s3;
	s11 =	sshll.u32 s1, $0xE  }
0x9: {  	p0 =	sgt.u32 s1, $0x7;
	s9 =	sshll.u32 s6, $0x4;
	s4 =	sand.u32 $0x60, s29  }
0xa: {  	s8 =	sand.u32 $0x4000, s8;
	_ =	strace $0x80000047;
	s31 =	ssub.s32 $0x2, s6  }
.Ltmp0:
0xb: {  	s6 =	sshll.u32 s6, $0x6;
	s4 =	sor.u32 s9, s4;
	(pc) =	sbr.rel .LBB2_1-.Ltmp0, $4  }
0xc: {  	s10 =	sshrl.u32 s31, $0x1;
	s9 =	simm.s32 $0x80;
	s8 =	sor.u32 s8, s4  }
0xd: {  	s4 =	sadd.s32 $0x9E00, s5;
	s10 =	ssub.s32 s31, s10;
	s30 =	sadd.s32 s8, s5  }
0xe: {  	v0 =	vimm.f32 $0.0e+00;
	s5 =	sor.u32 s11, s6;
	s7 =	sadd.s32 s7, s8;
	s8 =	smax.u32 s10, $0x1  }
0xf: {  	v1 =	vimm.f32 $-1.000000000e+00;
	v2 =	vimm.s32 $0x0;
	v3 =	vlaneseq.u32;
	s10 =	simm.s32 $0x400;
	s11 =	simm.s32 $0x1;
	s6 =	sadd.s32 $0x1E00, s30  }
.LBB2_58:
0x10: {  	s3 =	sadd.s32 $0x1, s3  }
0x11: {  	p1 =	sne.s32 s3, s8  }
.Ltmp1:
0x12: {  	_ = 	snop;
	(pc) =	sbr.rel @!p1 .LBB2_59-.Ltmp1, $1  }
0x13: {  	_ =	sdelay $0x3  }
.LBB2_1:
0x14: {  	s15 =	simm.s32 $0x40;
	s16 =	simm.s32 $0x0  }
.LBB2_2:
0x15: {  	p1 =	sne.s32 s15, $0xFFC0;
	[tilespmem:s16+$0x4000] =	vst v0;
	s16 =	smov.u32 s15;
	s15 =	sadd.s32 $0x40, s15  }
.Ltmp2:
0x16: {  	(pc) =	sbr.rel @p1 .LBB2_2-.Ltmp2, $2  }
0x17: {  	_ =	sdelay $0x2  }
0x18: {  	s16 =	sshra.s32 s16, $0x2  }
.Ltmp3:
0x19: {  	(pc) =	sbr.rel .LBB2_4-.Ltmp3, $2  }
0x1a: {  	_ =	sdelay $0x2  }
0x1b: {  	[tilespmem:s16+$0x4000] =	vst v0;
	s15 =	simm.s32 $0x0;
	s16 =	simm.s32 $0x0  }
.LBB2_30:
0x1c: {  	s16 =	sadd.s32 $0x1, s16  }
0x1d: {  	p1 =	sne.s32 s16, $0x4  }
.Ltmp4:
0x1e: {  	_ = 	snop;
	(pc) =	sbr.rel @!p1 .LBB2_31-.Ltmp4, $1  }
0x1f: {  	_ =	sdelay $0x3  }
.LBB2_4:
0x20: {  	s17 =	sshll.u32 s16, $0x4  }
0x21: {  	s17 =	sadd.s32 s5, s17  }
0x22: {  	s18 =	sadd.s32 s4, s17  }
0x23: {  	[tilespmem:s15], [sflag:$0x1] =	stream.strided.gather [hbm4b:s18+s9], $0x4000, s10, s9, $0x38;
	[tilespmem:$0x8200] =	vst v63  }
0x24: {  	_ =	swait.ge [sflag:s11], $0x4000  }
0x25: {  	[sflag:s11] =	ssyncset.done $0x0  }
0x26: {  	s19 =	simm.s32 $0x0;
	[sflag:s11] =	ssyncadd.s32 $0xFFFFC000  }
0x27: {  	v5 =	vimm.f32 $0.0e+00;
	v4 =	vimm.f32 $-1.000000000e+00;
	s18 =	simm.s32 $0x40;
	v6 =	vld [tilespmem:s19+$0x0]  }
.LBB2_5:
0x28: {  	p1 =	sne.s32 s18, $0xFFC0  }
.Ltmp5:
0x29: {  	_ = 	snop;
	(pc) =	sbr.rel @p1 .LBB2_5-.Ltmp5, $3  }
0x2a: {  	_ =	sdelay $0x1  }
0x2b: {  	s19 =	sshra.s32 s18, $0x2;
	s18 =	sadd.s32 $0x40, s18;
	v5 =	vadd.f32 v6, v5;
	v4 =	vmax.f32 v4, v6  }
0x2c: {  	v6 =	vld [tilespmem:s19+$0x0]  }
0x2d: {  	_ =	sdelay $0x3  }
0x2e: {  	v5 =	vadd.f32 v6, v5;
	_ =	sdelay $0x1  }
0x2f: {  	(xrf2) =	vadd.scan.msk.f32 $0xffff, v5;
	_ =	sdelay $0x4  }
0x30: {  	v4 =	vmax.f32 v4, v6  }
0x31: {  	(xrf0) =	vmax.scan.msk.f32 $0xffff, v4;
	_ =	sdelay $0x3  }
0x32: {  	v4, _, _ =	vpop (xrf2)  }
0x33: {  	(v2sf) =	vpush v4, $0xF  }
0x34: {  	v4, _, _ =	vpop (xrf0)  }
0x35: {  	(v2sf) =	vpush v4, $0xF;
	_ =	sdelay $0xc  }
0x36: {  	s18 =	spop (v2sf)  }
0x37: {  	s19 =	smul.f32 $6.103515630e-05, s18  }
0x38: {  	s18 =	spop (v2sf)  }
0x39: {  	s20 =	ssub.f32 s18, s19;
	_ =	sdelay $0x1  }
0x3a: {  	s21 =	smul.f32 $-2.599999900e-01, s20  }
0x3b: {  	s19 =	ssub.f32 s19, s20  }
0x3c: {  	s20 =	simm.s32 $0x0;
	s22 =	sadd.f32 s21, s18;
	s21 =	simm.s32 $0x0  }
.LBB2_7:
0x3d: {  	[tilespmem:$0x8000] =	vst v1  }
0x3e: {  	[tilespmem:$0x8010] =	vst v1  }
0x3f: {  	[tilespmem:$0x8020] =	vst v1  }
0x40: {  	[tilespmem:$0x8030] =	vst v1  }
0x41: {  	[tilespmem:$0x8040] =	vst v1  }
0x42: {  	[tilespmem:$0x8050] =	vst v1  }
0x43: {  	[tilespmem:$0x8060] =	vst v1  }
0x44: {  	[tilespmem:$0x8070] =	vst v1  }
0x45: {  	[tilespmem:$0x8080] =	vst v1  }
0x46: {  	[tilespmem:$0x8090] =	vst v1  }
0x47: {  	[tilespmem:$0x80A0] =	vst v1  }
0x48: {  	[tilespmem:$0x80B0] =	vst v1  }
0x49: {  	[tilespmem:$0x80C0] =	vst v1  }
0x4a: {  	[tilespmem:$0x80D0] =	vst v1  }
0x4b: {  	[tilespmem:$0x80E0] =	vst v1  }
0x4c: {  	[tilespmem:$0x80F0] =	vst v1  }
0x4d: {  	v6 =	vld [tilespmem:s20+$0x0];
	_ =	sdelay $0x3  }
0x4e: {  	v4 =	vmov s22  }
0x4f: {  	vm0 =	vgt.f32 v6, v4  }
0x50: {  	v5 =	vsel vm0, $0x1, v2  }
0x51: {  	(xrf0) =	vadd.scan.msk.s32 $0xffff, v5;
	_ =	sdelay $0x5  }
0x52: {  	v5, _, _ =	vpop (xrf0)  }
0x53: {  	(v2sf) =	vpush v5, $0xF;
	_ =	sdelay $0xe  }
0x54: {  	p1 =	por $0x0, $0x0;
	s23 =	spop (v2sf)  }
0x55: {  	p2 =	slt.s32 @!p1 s23, $0x1  }
0x56: {  	p2 =	por p2, p1  }
0x57: {  	s24 =	simm.s32 $0x10;
	vm0 =	vgt.f32 @!p2 v6, v4;
	v5 =	vlaneseq.u32 @!p2  }
0x58: {  	s25 =	simm.s32 $0x0;
	s26 =	simm.s32 $0x0;
	s23 =	sadd.s32 $0x0, s23;
	v5 =	vor.u32 @!p2 s20, v5;
	[tilespmem:s20+$0x8000] =	vst.msk @!p2 vm0, v6  }
.LBB2_8:
0x59: {  	[tilespmem:s25+$0x8100] =	vst.msk @!p2 vm0, v5;
	s26 =	sadd.s32 $0x10, s26;
	s28 =	smov.u32 s24;
	s24 =	sadd.s32 $0x10, s24  }
0x5a: {  	s25 =	smov.u32 s23;
	v6 =	vld [tilespmem:s26+$0x0];
	p1 =	sne.s32 s24, $0x4000;
	_ =	sdelay $0x4  }
0x5b: {  	vm0 =	vgt.f32 v6, v4  }
0x5c: {  	v5 =	vsel vm0, $0x1, v2  }
0x5d: {  	(xrf0) =	vadd.scan.msk.s32 $0xffff, v5;
	_ =	sdelay $0x5  }
0x5e: {  	v5, _, _ =	vpop (xrf0)  }
0x5f: {  	(v2sf) =	vpush v5, $0xF;
	_ =	sdelay $0xe  }
.Ltmp6:
0x60: {  	p2 =	sgt.s32 s23, $0xE0;
	s29 =	spop (v2sf);
	(pc) =	sbr.rel @p1 .LBB2_8-.Ltmp6, $4  }
0x61: {  	p3 =	slt.s32 @!p2 s29, $0x1;
	s23 =	sadd.s32 s23, s29  }
0x62: {  	p2 =	por p3, p2  }
0x63: {  	vm0 =	vgt.f32 @!p2 v6, v4;
	v5 =	vlaneseq.u32 @!p2  }
0x64: {  	v5 =	vor.u32 @!p2 s28, v5;
	[tilespmem:s25+$0x8000] =	vst.msk @!p2 vm0, v6  }
0x65: {  	p1 =	sgt.s32 s23, $0xE0;
	p3 =	slt.s32 s23, $0x20;
	s23 =	sadd.s32 $0xFFFFFF1F, s23  }
0x66: {  	s19 =	smov.u32 @p1 s22;
	p1 =	sgt.u32 s23, $0xFFFFFF3E  }
0x67: {  	s18 =	smov.u32 @p3 s22;
	p3 =	slt.u32 @!p1 s21, $0x9  }
0x68: {  	p1 =	por p1, !p3  }
.Ltmp7:
0x69: {  	_ = 	snop;
	(pc) =	sbr.rel @!p1 .LBB2_7-.Ltmp7, $3  }
0x6a: {  	_ = 	snop  }
0x6b: {  	s22 =	sadd.f32 s18, s19;
	_ =	sdelay $0x1  }
0x6c: {  	[tilespmem:s25+$0x8100] =	vst.msk @!p2 vm0, v5;
	s21 =	sadd.s32 $0x1, s21;
	s22 =	smul.f32 $5.000000000e-01, s22  }
0x6d: {  	p1 =	slt.u32 s23, $0xFFFFFF3F  }
.Ltmp8:
0x6e: {  	_ = 	snop;
	(pc) =	sbr.rel @!p1 .LBB2_11-.Ltmp8, $2  }
0x6f: {  	_ =	sdelay $0x2  }
0x70: {  	s18 =	simm.s32 $0x0;
	s19 =	simm.s32 $0x0  }
.LBB2_16:
0x71: {  	s20 =	simm.s32 $0x0  }
0x72: {  	v5 =	vld [tilespmem:s20+$0x0]  }
0x73: {  	s28 =	simm.s32 $0x10  }
0x74: {  	s29 =	simm.s32 $0x20;
	s21 =	sshrl.u32 s12, s19;
	v6 =	vld [tilespmem:s28+$0x0]  }
0x75: {  	v7 =	vld [tilespmem:s29+$0x0];
	s20 =	sor.u32 s21, s18  }
0x76: {  	v4 =	vmov s20  }
0x77: {  	vm0 =	vge.s32 v5, v4  }
0x78: {  	v5 =	vsel vm0, $0x1, v2  }
0x79: {  	vm13 =	vge.s32 v6, v4;
	(xrf0) =	vadd.scan.msk.s32 $0xffff, v5  }
0x7a: {  	vm14 =	vge.s32 v7, v4;
	v5 =	vsel vm13, $0x1, v2  }
0x7b: {  	(xrf0) =	vadd.scan.msk.s32 $0xffff, v5;
	v5 =	vsel vm14, $0x1, v2  }
0x7c: {  	s30 =	simm.s32 $0x30;
	(xrf0) =	vadd.scan.msk.s32 $0xffff, v5  }
0x7d: {  	v6 =	vld [tilespmem:s30+$0x0];
	_ =	sdelay $0x1  }
0x7e: {  	v5, _, _ =	vpop (xrf0)  }
0x7f: {  	(v2sf) =	vpush v5, $0xF  }
0x80: {  	v5, _, _ =	vpop (xrf0)  }
0x81: {  	vm15 =	vge.s32 v6, v4;
	(v2sf) =	vpush v5, $0xF;
	v6, _, _ =	vpop (xrf0)  }
0x82: {  	(v2sf) =	vpush v6, $0xF;
	_ =	sdelay $0x5  }
0x83: {  	s31 =	simm.s32 $0x40;
	v5 =	vsel vm15, $0x1, v2  }
0x84: {  	(xrf0) =	vadd.scan.msk.s32 $0xffff, v5;
	v5 =	vld [tilespmem:s31+$0x0];
	_ =	sdelay $0x1  }
0x85: {  	s22 =	simm.s32 $0x140;
	s21 =	simm.s32 $0x0  }
.LBB2_17:
0x86: {  	p1 =	sne.s32 s22, $0xFFC0  }
.Ltmp9:
0x87: {  	s23 =	sshra.s32 s22, $0x2;
	(pc) =	sbr.rel @p1 .LBB2_17-.Ltmp9, $4  }
0x88: {  	s22 =	sadd.s32 $0x40, s22;
	s24 =	spop (v2sf);
	vm0 =	vge.s32 v5, v4  }
0x89: {  	s21 =	sadd.s32 s21, s24;
	v5 =	vld [tilespmem:s23+$0x0];
	v7 =	vsel vm0, $0x1, v2  }
0x8a: {  	(xrf0) =	vadd.scan.msk.s32 $0xffff, v7;
	v6, _, _ =	vpop (xrf0)  }
0x8b: {  	(v2sf) =	vpush v6, $0xF  }
0x8c: {  	_ =	sdelay $0x1  }
0x8d: {  	vm0 =	vge.s32 v5, v4  }
0x8e: {  	v4 =	vsel vm0, $0x1, v2  }
0x8f: {  	(xrf0) =	vadd.scan.msk.s32 $0xffff, v4;
	_ =	sdelay $0x4  }
0x90: {  	v4, _, _ =	vpop (xrf0)  }
0x91: {  	(v2sf) =	vpush v4, $0xF;
	v4, _, _ =	vpop (xrf0)  }
0x92: {  	(v2sf) =	vpush v4, $0xF;
	_ =	sdelay $0xa  }
0x93: {  	s22 =	spop (v2sf)  }
0x94: {  	s19 =	sadd.s32 $0x1, s19;
	s21 =	sadd.s32 s21, s22;
	s28 =	spop (v2sf)  }
0x95: {  	p2 =	sne.s32 s19, $0x1F;
	s21 =	sadd.s32 s21, s28;
	s29 =	spop (v2sf)  }
.Ltmp10:
0x96: {  	s21 =	sadd.s32 s21, s29;
	s30 =	spop (v2sf);
	(pc) =	sbr.rel @p2 .LBB2_16-.Ltmp10, $4  }
0x97: {  	s21 =	sadd.s32 s21, s30;
	s31 =	spop (v2sf)  }
0x98: {  	s21 =	sadd.s32 s21, s31  }
0x99: {  	p1 =	sgt.s32 s21, $0x1F  }
0x9a: {  	s18 =	smov.u32 @p1 s20  }
0x9b: {  	s19 =	simm.s32 $0x0  }
0x9c: {  	v5 =	vld [tilespmem:s19+$0x0]  }
0x9d: {  	s28 =	simm.s32 $0x10  }
0x9e: {  	s29 =	simm.s32 $0x20;
	v6 =	vld [tilespmem:s28+$0x0]  }
0x9f: {  	s30 =	sadd.s32 $0x1, s18;
	v7 =	vld [tilespmem:s29+$0x0]  }
0xa0: {  	v4 =	vmov s30  }
0xa1: {  	vm0 =	vge.s32 v5, v4  }
0xa2: {  	v5 =	vsel vm0, $0x1, v2  }
0xa3: {  	vm13 =	vge.s32 v6, v4;
	(xrf0) =	vadd.scan.msk.s32 $0xffff, v5  }
0xa4: {  	vm14 =	vge.s32 v7, v4;
	v5 =	vsel vm13, $0x1, v2  }
0xa5: {  	(xrf0) =	vadd.scan.msk.s32 $0xffff, v5;
	v5 =	vsel vm14, $0x1, v2  }
0xa6: {  	s31 =	simm.s32 $0x30;
	(xrf0) =	vadd.scan.msk.s32 $0xffff, v5  }
0xa7: {  	v6 =	vld [tilespmem:s31+$0x0];
	_ =	sdelay $0x1  }
0xa8: {  	v5, _, _ =	vpop (xrf0)  }
0xa9: {  	(v2sf) =	vpush v5, $0xF  }
0xaa: {  	v5, _, _ =	vpop (xrf0)  }
0xab: {  	vm15 =	vge.s32 v6, v4;
	(v2sf) =	vpush v5, $0xF;
	v6, _, _ =	vpop (xrf0)  }
0xac: {  	(v2sf) =	vpush v6, $0xF;
	_ =	sdelay $0x5  }
0xad: {  	s21 =	simm.s32 $0x40;
	v5 =	vsel vm15, $0x1, v2  }
0xae: {  	(xrf0) =	vadd.scan.msk.s32 $0xffff, v5;
	v5 =	vld [tilespmem:s21+$0x0];
	_ =	sdelay $0x1  }
0xaf: {  	s20 =	simm.s32 $0x140;
	s19 =	simm.s32 $0x0  }
.LBB2_20:
0xb0: {  	p1 =	sne.s32 s20, $0xFFC0  }
.Ltmp11:
0xb1: {  	s21 =	sshra.s32 s20, $0x2;
	(pc) =	sbr.rel @p1 .LBB2_20-.Ltmp11, $4  }
0xb2: {  	s20 =	sadd.s32 $0x40, s20;
	s22 =	spop (v2sf);
	vm0 =	vge.s32 v5, v4  }
0xb3: {  	s19 =	sadd.s32 s19, s22;
	v5 =	vld [tilespmem:s21+$0x0];
	v7 =	vsel vm0, $0x1, v2  }
0xb4: {  	(xrf0) =	vadd.scan.msk.s32 $0xffff, v7;
	v6, _, _ =	vpop (xrf0)  }
0xb5: {  	(v2sf) =	vpush v6, $0xF  }
0xb6: {  	_ =	sdelay $0x1  }
0xb7: {  	vm0 =	vge.s32 v5, v4  }
0xb8: {  	v4 =	vsel vm0, $0x1, v2  }
0xb9: {  	(xrf0) =	vadd.scan.msk.s32 $0xffff, v4;
	_ =	sdelay $0x4  }
0xba: {  	v4, _, _ =	vpop (xrf0)  }
0xbb: {  	(v2sf) =	vpush v4, $0xF;
	v4, _, _ =	vpop (xrf0)  }
0xbc: {  	(v2sf) =	vpush v4, $0xF;
	_ =	sdelay $0xa  }
0xbd: {  	s20 =	spop (v2sf)  }
0xbe: {  	s21 =	spop (v2sf);
	s19 =	sadd.s32 s19, s20  }
0xbf: {  	s19 =	sadd.s32 s19, s21;
	s29 =	spop (v2sf)  }
0xc0: {  	s19 =	sadd.s32 s19, s29;
	s30 =	spop (v2sf)  }
0xc1: {  	s19 =	sadd.s32 s19, s30;
	s31 =	spop (v2sf)  }
0xc2: {  	s20 =	simm.s32 $0x0;
	s19 =	sadd.s32 s19, s31  }
0xc3: {  	s21 =	simm.s32 $0x0;
	v4 =	vmov s18;
	s18 =	simm.s32 $0x0;
	s19 =	ssub.s32 $0x20, s19  }
.LBB2_22:
0xc4: {  	v6 =	vld [tilespmem:s20+$0x0]  }
0xc5: {  	s23 =	simm.s32 $0x10  }
0xc6: {  	s22 =	sshrl.u32 s13, s21;
	v7 =	vld [tilespmem:s23+$0x0]  }
0xc7: {  	s22 =	sor.u32 s22, s18  }
0xc8: {  	s24 =	simm.s32 $0x20;
	v9 =	vor.u32 s20, v3;
	v5 =	vmov s22  }
0xc9: {  	v8 =	vld [tilespmem:s24+$0x0];
	vm1 =	vlt.s32 v9, v5;
	vm0 =	veq.s32 v6, v4  }
0xca: {  	vm0 =	vmand vm1, vm0  }
0xcb: {  	vm2 =	veq.s32 v7, v4;
	v7 =	vsel vm0, $0x1, v2  }
0xcc: {  	v6 =	vor.u32 s23, v3;
	(xrf0) =	vadd.scan.msk.s32 $0xffff, v7  }
0xcd: {  	vm3 =	vlt.s32 v6, v5;
	v6 =	vor.u32 s24, v3  }
0xce: {  	vm1 =	vmand vm3, vm2;
	vm0 =	veq.s32 v8, v4;
	vm2 =	vlt.s32 v6, v5  }
0xcf: {  	v6 =	vsel vm1, $0x1, v2;
	vm0 =	vmand vm2, vm0  }
0xd0: {  	s30 =	simm.s32 $0x30;
	(xrf0) =	vadd.scan.msk.s32 $0xffff, v6;
	v7 =	vsel vm0, $0x1, v2  }
0xd1: {  	v6 =	vld [tilespmem:s30+$0x0];
	(xrf0) =	vadd.scan.msk.s32 $0xffff, v7  }
0xd2: {  	v61, _, _ =	vpop (xrf0)  }
0xd3: {  	(v2sf) =	vpush v61, $0xF;
	_ =	sdelay $0x2  }
0xd4: {  	vm0 =	veq.s32 v6, v4;
	v6, _, _ =	vpop (xrf0)  }
0xd5: {  	(v2sf) =	vpush v6, $0xF;
	v62, _, _ =	vpop (xrf0)  }
0xd6: {  	(v2sf) =	vpush v62, $0xF;
	_ =	sdelay $0x1  }
0xd7: {  	s31 =	simm.s32 $0x40;
	v60 =	vor.u32 s30, v3  }
0xd8: {  	vm1 =	vlt.s32 v60, v5;
	v7 =	vld [tilespmem:s31+$0x0]  }
0xd9: {  	vm0 =	vmand vm1, vm0  }
0xda: {  	v6 =	vsel vm0, $0x1, v2  }
0xdb: {  	(xrf0) =	vadd.scan.msk.s32 $0xffff, v6  }
0xdc: {  	v63 =	vor.u32 s31, v3  }
0xdd: {  	s25 =	simm.s32 $0x50;
	s23 =	simm.s32 $0x0;
	s24 =	simm.s32 $0x50;
	vm1 =	vlt.s32 v63, v5;
	vm0 =	veq.s32 v7, v4  }
.LBB2_23:
0xde: {  	p1 =	sne.s32 s24, $0x3FF0  }
0xdf: {  	v6 =	vld [tilespmem:s25+$0x0];
	vm0 =	vmand vm1, vm0;
	s26 =	spop (v2sf);
	s28 =	smov.u32 s24;
	s24 =	sadd.s32 $0x10, s24  }
.Ltmp12:
0xe0: {  	v8 =	vsel vm0, $0x1, v2;
	s23 =	sadd.s32 s23, s26;
	(pc) =	sbr.rel @p1 .LBB2_23-.Ltmp12, $4  }
0xe1: {  	(xrf0) =	vadd.scan.msk.s32 $0xffff, v8;
	v7, _, _ =	vpop (xrf0)  }
0xe2: {  	(v2sf) =	vpush v7, $0xF  }
0xe3: {  	v7 =	vor.u32 s28, v3  }
0xe4: {  	s25 =	sadd.s32 $0x10, s25;
	vm1 =	vlt.s32 v7, v5;
	vm0 =	veq.s32 v6, v4  }
0xe5: {  	vm0 =	vmand vm1, vm0  }
0xe6: {  	v5 =	vsel vm0, $0x1, v2  }
0xe7: {  	(xrf0) =	vadd.scan.msk.s32 $0xffff, v5;
	_ =	sdelay $0x4  }
0xe8: {  	v5, _, _ =	vpop (xrf0)  }
0xe9: {  	(v2sf) =	vpush v5, $0xF;
	v5, _, _ =	vpop (xrf0)  }
0xea: {  	(v2sf) =	vpush v5, $0xF;
	_ =	sdelay $0xa  }
0xeb: {  	s24 =	spop (v2sf)  }
0xec: {  	s21 =	sadd.s32 $0x1, s21;
	s23 =	sadd.s32 s23, s24;
	s28 =	spop (v2sf)  }
0xed: {  	p2 =	seq.s32 s21, $0xE;
	s23 =	sadd.s32 s23, s28;
	s29 =	spop (v2sf)  }
.Ltmp13:
0xee: {  	s23 =	sadd.s32 s23, s29;
	s30 =	spop (v2sf);
	(pc) =	sbr.rel @!p2 .LBB2_22-.Ltmp13, $4  }
0xef: {  	s23 =	sadd.s32 s23, s30;
	s31 =	spop (v2sf)  }
0xf0: {  	s23 =	sadd.s32 s23, s31  }
0xf1: {  	p1 =	slt.s32 s23, s19  }
0xf2: {  	s18 =	smov.u32 @p1 s22  }
0xf3: {  	s19 =	simm.s32 $0x0  }
0xf4: {  	v6 =	vld [tilespmem:s19+$0x0];
	_ =	sdelay $0x3  }
0xf5: {  	v5 =	vmov s18;
	v7 =	vor.u32 s19, v3  }
0xf6: {  	vm1 =	vle.s32 v7, v5;
	vm0 =	veq.s32 v4, v6  }
0xf7: {  	vm2 =	vlt.s32 v4, v6;
	vm0 =	vmand vm1, vm0  }
0xf8: {  	vm0 =	vmor vm2, vm0  }
0xf9: {  	s18 =	simm.s32 $0x4000;
	v6 =	vnsel vm0, $0x0, v6  }
0xfa: {  	s19 =	simm.s32 $0x10;
	[tilespmem:s18+$0x0] =	vst v6  }
0xfb: {  	s20 =	simm.s32 $0x20;
	s21 =	simm.s32 $0x10;
	v6 =	vld [tilespmem:s19+$0x0]  }
.LBB2_26:
0xfc: {  	p1 =	sne.s32 s20, $0x3FF0;
	_ =	sdelay $0x2  }
0xfd: {  	v7 =	vor.u32 s19, v3;
	s19 =	smov.u32 s20  }
0xfe: {  	vm1 =	vle.s32 v7, v5;
	vm0 =	veq.s32 v4, v6  }
.Ltmp14:
0xff: {  	vm2 =	vlt.s32 v4, v6;
	vm0 =	vmand vm1, vm0;
	(pc) =	sbr.rel @p1 .LBB2_26-.Ltmp14, $4  }
0x100: {  	vm0 =	vmor vm2, vm0  }
0x101: {  	s18 =	sadd.s32 $0x10, s18;
	v6 =	vnsel vm0, $0x0, v6  }
0x102: {  	s21 =	sadd.s32 $0x10, s21;
	[tilespmem:s18+$0x0] =	vst v6  }
0x103: {  	s20 =	sadd.s32 $0x10, s20;
	v6 =	vld [tilespmem:s21+$0x0]  }
0x104: {  	_ =	sdelay $0x2  }
0x105: {  	v7 =	vor.u32 s19, v3  }
0x106: {  	vm1 =	vle.s32 v7, v5;
	vm0 =	veq.s32 v4, v6  }
0x107: {  	vm2 =	vlt.s32 v4, v6;
	vm0 =	vmand vm1, vm0  }
0x108: {  	vm0 =	vmor vm2, vm0  }
0x109: {  	s18 =	sadd.s32 $0x10, s18;
	v4 =	vnsel vm0, $0x0, v6  }
0x10a: {  	s17 =	sadd.s32 s2, s17;
	[tilespmem:s18+$0x0] =	vst v4  }
0x10b: {  	[hbm4b:s17+s9] =	stream.strided.scatter [tilespmem:s14], [sflag:$0x1], $0x4000, s10, s9, $0x38;
	[tilespmem:$0x8200] =	vst v63  }
0x10c: {  	_ =	swait.ge [sflag:s11], $0x4000  }
0x10d: {  	[sflag:s11] =	ssyncset.done $0x0  }
0x10e: {  	s18 =	simm.s32 $0x0;
	s17 =	simm.s32 $0x40;
	[sflag:s11] =	ssyncadd.s32 $0xFFFFC000  }
.LBB2_28:
0x10f: {  	p1 =	sne.s32 s17, $0xFFC0;
	[tilespmem:s18+$0x4000] =	vst v0;
	s18 =	smov.u32 s17;
	s17 =	sadd.s32 $0x40, s17  }
.Ltmp15:
0x110: {  	(pc) =	sbr.rel @p1 .LBB2_28-.Ltmp15, $2  }
0x111: {  	_ =	sdelay $0x2  }
0x112: {  	s18 =	sshra.s32 s18, $0x2  }
.Ltmp16:
0x113: {  	(pc) =	sbr.rel .LBB2_30-.Ltmp16, $2  }
0x114: {  	_ =	sdelay $0x2  }
0x115: {  	[tilespmem:s18+$0x4000] =	vst v0  }
.LBB2_11:
0x116: {  	v35 =	vld [tilespmem:$0x8000]  }
0x117: {  	v34 =	vld [tilespmem:$0x8010]  }
0x118: {  	v33 =	vld [tilespmem:$0x8020]  }
0x119: {  	v32 =	vld [tilespmem:$0x8030]  }
0x11a: {  	v31 =	vld [tilespmem:$0x8040]  }
0x11b: {  	v30 =	vld [tilespmem:$0x8050]  }
0x11c: {  	v29 =	vld [tilespmem:$0x8060]  }
0x11d: {  	v28 =	vld [tilespmem:$0x8070]  }
0x11e: {  	v27 =	vld [tilespmem:$0x8080]  }
0x11f: {  	v20 =	vld [tilespmem:$0x8090]  }
0x120: {  	v21 =	vld [tilespmem:$0x80A0]  }
0x121: {  	v22 =	vld [tilespmem:$0x80B0]  }
0x122: {  	v23 =	vld [tilespmem:$0x80C0]  }
0x123: {  	v24 =	vld [tilespmem:$0x80D0]  }
0x124: {  	v25 =	vld [tilespmem:$0x80E0]  }
0x125: {  	v26 =	vld [tilespmem:$0x80F0]  }
0x126: {  	v4 =	vld [tilespmem:$0x8100]  }
0x127: {  	v5 =	vld [tilespmem:$0x8110]  }
0x128: {  	v6 =	vld [tilespmem:$0x8120]  }
0x129: {  	v7 =	vld [tilespmem:$0x8130]  }
0x12a: {  	v8 =	vld [tilespmem:$0x8140]  }
0x12b: {  	v9 =	vld [tilespmem:$0x8150]  }
0x12c: {  	v10 =	vld [tilespmem:$0x8160]  }
0x12d: {  	v11 =	vld [tilespmem:$0x8170]  }
0x12e: {  	v12 =	vld [tilespmem:$0x8180]  }
0x12f: {  	v13 =	vld [tilespmem:$0x8190]  }
0x130: {  	v14 =	vld [tilespmem:$0x81A0]  }
0x131: {  	v15 =	vld [tilespmem:$0x81B0]  }
0x132: {  	v16 =	vld [tilespmem:$0x81C0]  }
0x133: {  	v17 =	vld [tilespmem:$0x81D0]  }
0x134: {  	v18 =	vld [tilespmem:$0x81E0]  }
0x135: {  	v19 =	vld [tilespmem:$0x81F0];
	s18 =	simm.s32 $0x0;
	s21 =	simm.s32 $0x40000000;
	s19 =	simm.s32 $0x1  }
.LBB2_12:
0x136: {  	p1 =	sne.s32 s19, $0x1E;
	s20 =	sor.u32 s21, s18  }
0x137: {  	v36 =	vmov s20  }
0x138: {  	vm0 =	vle.s32 v36, v35;
	vm1 =	vle.s32 v36, v34  }
0x139: {  	v37 =	vsel vm0, $0x1, v2;
	v38 =	vsel vm1, $0x1, v2;
	vm0 =	vle.s32 v36, v33  }
0x13a: {  	v37 =	vadd.s32 v38, v37;
	v38 =	vsel vm0, $0x1, v2;
	vm0 =	vle.s32 v36, v32  }
0x13b: {  	v37 =	vadd.s32 v38, v37;
	v38 =	vsel vm0, $0x1, v2;
	vm0 =	vle.s32 v36, v31  }
0x13c: {  	v37 =	vadd.s32 v38, v37;
	v38 =	vsel vm0, $0x1, v2;
	vm0 =	vle.s32 v36, v30  }
0x13d: {  	v37 =	vadd.s32 v38, v37;
	v38 =	vsel vm0, $0x1, v2;
	vm0 =	vle.s32 v36, v29  }
0x13e: {  	v37 =	vadd.s32 v38, v37;
	v38 =	vsel vm0, $0x1, v2;
	vm0 =	vle.s32 v36, v28  }
0x13f: {  	v37 =	vadd.s32 v38, v37;
	v38 =	vsel vm0, $0x1, v2;
	vm0 =	vle.s32 v36, v27  }
0x140: {  	v37 =	vadd.s32 v38, v37;
	v38 =	vsel vm0, $0x1, v2;
	vm0 =	vle.s32 v36, v20  }
0x141: {  	v37 =	vadd.s32 v38, v37;
	v38 =	vsel vm0, $0x1, v2;
	vm0 =	vle.s32 v36, v21  }
0x142: {  	v37 =	vadd.s32 v38, v37;
	v38 =	vsel vm0, $0x1, v2;
	vm0 =	vle.s32 v36, v22  }
0x143: {  	v37 =	vadd.s32 v38, v37;
	v38 =	vsel vm0, $0x1, v2;
	vm0 =	vle.s32 v36, v23  }
0x144: {  	v37 =	vadd.s32 v38, v37;
	v38 =	vsel vm0, $0x1, v2;
	vm0 =	vle.s32 v36, v24  }
0x145: {  	v37 =	vadd.s32 v38, v37;
	v38 =	vsel vm0, $0x1, v2;
	vm0 =	vle.s32 v36, v25  }
0x146: {  	v37 =	vadd.s32 v38, v37;
	v38 =	vsel vm0, $0x1, v2;
	vm0 =	vle.s32 v36, v26  }
0x147: {  	v36 =	vadd.s32 v38, v37;
	v37 =	vsel vm0, $0x1, v2  }
0x148: {  	v36 =	vadd.s32 v37, v36  }
0x149: {  	(xrf0) =	vadd.scan.msk.s32 $0xffff, v36;
	_ =	sdelay $0x5  }
0x14a: {  	v36, _, _ =	vpop (xrf0)  }
0x14b: {  	(v2sf) =	vpush v36, $0xF;
	_ =	sdelay $0xc  }
.Ltmp17:
0x14c: {  	(pc) =	sbr.rel @p1 .LBB2_12-.Ltmp17, $4  }
0x14d: {  	_ = 	snop  }
0x14e: {  	s21 =	spop (v2sf)  }
0x14f: {  	p2 =	sgt.s32 s21, $0x1F  }
0x150: {  	s21 =	sshrl.u32 s12, s19;
	s19 =	sadd.s32 $0x1, s19;
	s18 =	smov.u32 @p2 s20  }
0x151: {  	s19 =	sor.u32 s21, s18  }
0x152: {  	v36 =	vmov s19  }
0x153: {  	vm0 =	vle.s32 v36, v35;
	vm1 =	vle.s32 v36, v34  }
0x154: {  	v37 =	vsel vm0, $0x1, v2;
	v38 =	vsel vm1, $0x1, v2;
	vm0 =	vle.s32 v36, v33  }
0x155: {  	v37 =	vadd.s32 v38, v37;
	v49 =	vsel vm0, $0x1, v2;
	vm0 =	vle.s32 v36, v32  }
0x156: {  	v37 =	vadd.s32 v49, v37;
	v50 =	vsel vm0, $0x1, v2;
	vm0 =	vle.s32 v36, v31  }
0x157: {  	v37 =	vadd.s32 v50, v37;
	v51 =	vsel vm0, $0x1, v2;
	vm0 =	vle.s32 v36, v30  }
0x158: {  	v37 =	vadd.s32 v51, v37;
	v52 =	vsel vm0, $0x1, v2;
	vm0 =	vle.s32 v36, v29  }
0x159: {  	v37 =	vadd.s32 v52, v37;
	v53 =	vsel vm0, $0x1, v2;
	vm0 =	vle.s32 v36, v28  }
0x15a: {  	v37 =	vadd.s32 v53, v37;
	v54 =	vsel vm0, $0x1, v2;
	vm0 =	vle.s32 v36, v27  }
0x15b: {  	v37 =	vadd.s32 v54, v37;
	v55 =	vsel vm0, $0x1, v2;
	vm0 =	vle.s32 v36, v20  }
0x15c: {  	v37 =	vadd.s32 v55, v37;
	v56 =	vsel vm0, $0x1, v2;
	vm0 =	vle.s32 v36, v21  }
0x15d: {  	v37 =	vadd.s32 v56, v37;
	v57 =	vsel vm0, $0x1, v2;
	vm0 =	vle.s32 v36, v22  }
0x15e: {  	v37 =	vadd.s32 v57, v37;
	v58 =	vsel vm0, $0x1, v2;
	vm0 =	vle.s32 v36, v23  }
0x15f: {  	v37 =	vadd.s32 v58, v37;
	v59 =	vsel vm0, $0x1, v2;
	vm0 =	vle.s32 v36, v24  }
0x160: {  	v37 =	vadd.s32 v59, v37;
	v60 =	vsel vm0, $0x1, v2;
	vm0 =	vle.s32 v36, v25  }
0x161: {  	v37 =	vadd.s32 v60, v37;
	v61 =	vsel vm0, $0x1, v2;
	vm0 =	vle.s32 v36, v26  }
0x162: {  	v62 =	vadd.s32 v61, v37;
	v63 =	vsel vm0, $0x1, v2  }
0x163: {  	v36 =	vadd.s32 v63, v62  }
0x164: {  	(xrf0) =	vadd.scan.msk.s32 $0xffff, v36;
	_ =	sdelay $0x5  }
0x165: {  	v36, _, _ =	vpop (xrf0)  }
0x166: {  	(v2sf) =	vpush v36, $0xF;
	_ =	sdelay $0xe  }
0x167: {  	s20 =	spop (v2sf)  }
0x168: {  	v40 =	vimm.s32 $0x0;
	v42 =	vimm.s32 $0x0;
	v44 =	vimm.s32 $0x0;
	p1 =	sgt.s32 s20, $0x1F  }
0x169: {  	v46 =	vimm.s32 $0x0;
	v48 =	vimm.s32 $0x0;
	v50 =	vimm.s32 $0x0;
	s18 =	smov.u32 @p1 s19  }
0x16a: {  	v52 =	vimm.s32 $0x0;
	v54 =	vimm.s32 $0x0;
	v36 =	vmov s18  }
0x16b: {  	v56 =	vimm.s32 $0x0;
	vm1 =	vlt.s32 v36, v35;
	vm0 =	vlt.s32 v36, v34  }
0x16c: {  	v37 =	vsel vm1, $0xFFFFFFFF, v40;
	v41 =	vsel vm1, $0x1, v2;
	v43 =	vsel vm0, $0x1, v2  }
0x16d: {  	v38 =	vsel vm0, $0xFFFFFFFF, v42;
	vm0 =	vlt.s32 v36, v33;
	[tilespmem:$0x1FE00] =	vst v37;
	v37 =	vadd.s32 v43, v41  }
0x16e: {  	[tilespmem:$0x1FE10] =	vst v38;
	v38 =	vsel vm0, $0xFFFFFFFF, v44;
	v45 =	vsel vm0, $0x1, v2;
	vm0 =	vlt.s32 v36, v32  }
0x16f: {  	v58 =	vimm.s32 $0x0;
	v37 =	vadd.s32 v45, v37;
	v47 =	vsel vm0, $0x1, v2  }
0x170: {  	[tilespmem:$0x1FE20] =	vst v38;
	v38 =	vsel vm0, $0xFFFFFFFF, v46;
	vm0 =	vlt.s32 v36, v31;
	v37 =	vadd.s32 v47, v37  }
0x171: {  	[tilespmem:$0x1FE30] =	vst v38;
	v38 =	vsel vm0, $0xFFFFFFFF, v48;
	v49 =	vsel vm0, $0x1, v2;
	vm0 =	vlt.s32 v36, v30  }
0x172: {  	v60 =	vimm.s32 $0x0;
	v37 =	vadd.s32 v49, v37;
	v51 =	vsel vm0, $0x1, v2  }
0x173: {  	[tilespmem:$0x1FE40] =	vst v38;
	v38 =	vsel vm0, $0xFFFFFFFF, v50;
	vm0 =	vlt.s32 v36, v29;
	v37 =	vadd.s32 v51, v37  }
0x174: {  	[tilespmem:$0x1FE50] =	vst v38;
	v38 =	vsel vm0, $0xFFFFFFFF, v52;
	v53 =	vsel vm0, $0x1, v2;
	vm0 =	vlt.s32 v36, v28  }
0x175: {  	v62 =	vimm.s32 $0x0;
	v37 =	vadd.s32 v53, v37;
	v55 =	vsel vm0, $0x1, v2  }
0x176: {  	[tilespmem:$0x1FE60] =	vst v38;
	v38 =	vsel vm0, $0xFFFFFFFF, v54;
	vm0 =	vlt.s32 v36, v27;
	v37 =	vadd.s32 v55, v37  }
0x177: {  	[tilespmem:$0x1FE70] =	vst v38;
	v38 =	vsel vm0, $0xFFFFFFFF, v56;
	v57 =	vsel vm0, $0x1, v2;
	vm0 =	vlt.s32 v36, v20  }
0x178: {  	v40 =	vimm.s32 $0x0;
	v37 =	vadd.s32 v57, v37;
	v59 =	vsel vm0, $0x1, v2  }
0x179: {  	[tilespmem:$0x1FE80] =	vst v38;
	v38 =	vsel vm0, $0xFFFFFFFF, v58;
	vm0 =	vlt.s32 v36, v21;
	v37 =	vadd.s32 v59, v37  }
0x17a: {  	[tilespmem:$0x1FE90] =	vst v38;
	v38 =	vsel vm0, $0xFFFFFFFF, v60;
	v61 =	vsel vm0, $0x1, v2;
	vm0 =	vlt.s32 v36, v22  }
0x17b: {  	v42 =	vimm.s32 $0x0;
	v37 =	vadd.s32 v61, v37;
	v63 =	vsel vm0, $0x1, v2  }
0x17c: {  	[tilespmem:$0x1FEA0] =	vst v38;
	v38 =	vsel vm0, $0xFFFFFFFF, v62;
	vm0 =	vlt.s32 v36, v23;
	v37 =	vadd.s32 v63, v37  }
0x17d: {  	[tilespmem:$0x1FEB0] =	vst v38;
	v38 =	vsel vm0, $0xFFFFFFFF, v40;
	v41 =	vsel vm0, $0x1, v2;
	vm0 =	vlt.s32 v36, v24  }
0x17e: {  	v44 =	vimm.s32 $0x0;
	v37 =	vadd.s32 v41, v37;
	v43 =	vsel vm0, $0x1, v2  }
0x17f: {  	[tilespmem:$0x1FEC0] =	vst v38;
	v38 =	vsel vm0, $0xFFFFFFFF, v42;
	vm0 =	vlt.s32 v36, v25;
	v37 =	vadd.s32 v43, v37  }
0x180: {  	[tilespmem:$0x1FED0] =	vst v38;
	v38 =	vsel vm0, $0xFFFFFFFF, v44;
	v45 =	vsel vm0, $0x1, v2;
	vm0 =	vlt.s32 v36, v26  }
0x181: {  	v37 =	vadd.s32 v45, v37;
	v47 =	vsel vm0, $0x1, v2  }
0x182: {  	v37 =	vadd.s32 v47, v37  }
0x183: {  	(xrf0) =	vadd.scan.msk.s32 $0xffff, v37;
	_ =	sdelay $0x1  }
0x184: {  	s30 =	simm.s32 $0x2000;
	s18 =	simm.s32 $0x0  }
0x185: {  	s19 =	sor.u32 s30, s18  }
0x186: {  	vm2 =	vlt.s32 v17, s19;
	vm1 =	vlt.s32 v18, s19;
	vm15 =	vlt.s32 v19, s19  }
0x187: {  	vm5 =	vlt.s32 v14, s19;
	v46 =	vimm.s32 $0x0;
	v48 =	vimm.s32 $0x0  }
0x188: {  	v49 =	vimm.s32 $0x0;
	[tilespmem:$0x1FEE0] =	vst v38;
	v38 =	vsel vm0, $0xFFFFFFFF, v46;
	vm0 =	veq.s32 v36, v26;
	v37, _, _ =	vpop (xrf0)  }
0x189: {  	[tilespmem:$0x1FEF0] =	vst v38;
	(v2sf) =	vpush v37, $0xF;
	v37 =	vsel vm0, $0xFFFFFFFF, v48;
	vm0 =	veq.s32 v36, v25  }
0x18a: {  	v50 =	vimm.s32 $0x0;
	[tilespmem:$0x1FF00] =	vst v37;
	v37 =	vsel vm0, $0xFFFFFFFF, v49;
	vm0 =	veq.s32 v36, v24  }
0x18b: {  	v51 =	vimm.s32 $0x0;
	[tilespmem:$0x1FF10] =	vst v37;
	v37 =	vsel vm0, $0xFFFFFFFF, v50;
	vm0 =	veq.s32 v36, v23  }
0x18c: {  	v52 =	vimm.s32 $0x0;
	[tilespmem:$0x1FF20] =	vst v37;
	v37 =	vsel vm0, $0xFFFFFFFF, v51;
	vm0 =	veq.s32 v36, v22  }
0x18d: {  	v53 =	vimm.s32 $0x0;
	[tilespmem:$0x1FF30] =	vst v37;
	v37 =	vsel vm0, $0xFFFFFFFF, v52;
	vm0 =	veq.s32 v36, v21  }
0x18e: {  	v54 =	vimm.s32 $0x0;
	[tilespmem:$0x1FF40] =	vst v37;
	v37 =	vsel vm0, $0xFFFFFFFF, v53;
	vm0 =	veq.s32 v36, v20  }
0x18f: {  	v55 =	vimm.s32 $0x0;
	[tilespmem:$0x1FF50] =	vst v37;
	v37 =	vsel vm0, $0xFFFFFFFF, v54;
	vm0 =	veq.s32 v36, v27  }
0x190: {  	v56 =	vimm.s32 $0x0;
	[tilespmem:$0x1FF60] =	vst v37;
	v37 =	vsel vm0, $0xFFFFFFFF, v55;
	vm0 =	veq.s32 v36, v28  }
0x191: {  	v57 =	vimm.s32 $0x0;
	[tilespmem:$0x1FF70] =	vst v37;
	v37 =	vsel vm0, $0xFFFFFFFF, v56;
	vm0 =	veq.s32 v36, v29  }
0x192: {  	v58 =	vimm.s32 $0x0;
	[tilespmem:$0x1FF80] =	vst v37;
	v37 =	vsel vm0, $0xFFFFFFFF, v57;
	vm0 =	veq.s32 v36, v30  }
0x193: {  	v59 =	vimm.s32 $0x0;
	[tilespmem:$0x1FF90] =	vst v37;
	v37 =	vsel vm0, $0xFFFFFFFF, v58;
	vm0 =	veq.s32 v36, v31  }
0x194: {  	v60 =	vimm.s32 $0x0;
	[tilespmem:$0x1FFA0] =	vst v37;
	v37 =	vsel vm0, $0xFFFFFFFF, v59;
	vm0 =	veq.s32 v36, v32  }
0x195: {  	v61 =	vimm.s32 $0x0;
	[tilespmem:$0x1FFB0] =	vst v37;
	v37 =	vsel vm0, $0xFFFFFFFF, v60;
	vm0 =	veq.s32 v36, v33  }
0x196: {  	v62 =	vimm.s32 $0x0;
	[tilespmem:$0x1FFC0] =	vst v37;
	v37 =	vsel vm0, $0xFFFFFFFF, v61;
	vm0 =	veq.s32 v36, v34  }
0x197: {  	v63 =	vimm.s32 $0x0;
	[tilespmem:$0x1FFD0] =	vst v37;
	v37 =	vsel vm0, $0xFFFFFFFF, v62;
	vm0 =	veq.s32 v36, v35  }
0x198: {  	vm4 =	vlt.s32 v15, s19;
	vm3 =	vlt.s32 v16, s19;
	[tilespmem:$0x1FFE0] =	vst v37;
	v36 =	vsel vm0, $0xFFFFFFFF, v63;
	s31 =	spop (v2sf)  }
0x199: {  	s21 =	simm.s32 $0x1;
	vm8 =	vlt.s32 v11, s19;
	vm7 =	vlt.s32 v12, s19;
	vm6 =	vlt.s32 v13, s19;
	[tilespmem:$0x1FFF0] =	vst v36;
	s20 =	ssub.s32 $0x20, s31  }
.LBB2_14:
0x19a: {  	v36 =	vld [tilespmem:$0x1FFF0]  }
0x19b: {  	v59 =	vld [tilespmem:$0x1FFE0];
	_ =	sdelay $0x1  }
0x19c: {  	v38 =	vld [tilespmem:$0x1FFD0];
	_ =	sdelay $0x1  }
0x19d: {  	vm12 =	vlt.s32 v4, s19;
	v62 =	vld [tilespmem:$0x1FFC0];
	vm0 =	vnez.u8 v36  }
0x19e: {  	vm13 =	vlt.s32 v5, s19;
	vm12 =	vmand vm0, vm12;
	vm0 =	vnez.u8 v59  }
0x19f: {  	v40 =	vld [tilespmem:$0x1FFB0];
	vm13 =	vmand vm0, vm13  }
0x1a0: {  	vm0 =	vlt.s32 v6, s19;
	v60 =	vsel vm12, $0x1, v2;
	vm12 =	vnez.u8 v38  }
0x1a1: {  	v42 =	vld [tilespmem:$0x1FFA0];
	vm0 =	vmand vm12, vm0  }
0x1a2: {  	vm14 =	vlt.s32 v7, s19;
	v61 =	vsel vm0, $0x1, v2;
	vm0 =	vnez.u8 v62  }
0x1a3: {  	v44 =	vld [tilespmem:$0x1FF90];
	vm0 =	vmand vm0, vm14  }
0x1a4: {  	vm9 =	vlt.s32 v8, s19;
	v63 =	vsel vm0, $0x1, v2;
	vm0 =	vnez.u8 v40  }
0x1a5: {  	v46 =	vld [tilespmem:$0x1FF80];
	vm0 =	vmand vm0, vm9  }
0x1a6: {  	vm10 =	vlt.s32 v9, s19;
	v41 =	vsel vm0, $0x1, v2;
	vm0 =	vnez.u8 v42  }
0x1a7: {  	v48 =	vld [tilespmem:$0x1FF70];
	vm0 =	vmand vm0, vm10  }
0x1a8: {  	vm11 =	vlt.s32 v10, s19;
	v43 =	vsel vm0, $0x1, v2;
	vm0 =	vnez.u8 v44  }
0x1a9: {  	v50 =	vld [tilespmem:$0x1FF60];
	vm0 =	vmand vm0, vm11  }
0x1aa: {  	v45 =	vsel vm0, $0x1, v2;
	vm0 =	vnez.u8 v46  }
0x1ab: {  	v52 =	vld [tilespmem:$0x1FF50];
	vm0 =	vmand vm0, vm8  }
0x1ac: {  	v47 =	vsel vm0, $0x1, v2;
	vm0 =	vnez.u8 v48  }
0x1ad: {  	v54 =	vld [tilespmem:$0x1FF40];
	vm0 =	vmand vm0, vm7  }
0x1ae: {  	v37 =	vsel vm13, $0x1, v2;
	v49 =	vsel vm0, $0x1, v2;
	vm0 =	vnez.u8 v50  }
0x1af: {  	v56 =	vld [tilespmem:$0x1FF30];
	v36 =	vadd.s32 v37, v60;
	vm0 =	vmand vm0, vm6  }
0x1b0: {  	v36 =	vadd.s32 v61, v36;
	v51 =	vsel vm0, $0x1, v2;
	vm0 =	vnez.u8 v52  }
0x1b1: {  	v58 =	vld [tilespmem:$0x1FF20];
	v36 =	vadd.s32 v63, v36;
	vm0 =	vmand vm0, vm5  }
0x1b2: {  	v36 =	vadd.s32 v41, v36;
	v53 =	vsel vm0, $0x1, v2;
	vm0 =	vnez.u8 v54  }
0x1b3: {  	v60 =	vld [tilespmem:$0x1FF10];
	v36 =	vadd.s32 v43, v36;
	vm0 =	vmand vm0, vm4  }
0x1b4: {  	v36 =	vadd.s32 v45, v36;
	v55 =	vsel vm0, $0x1, v2;
	vm0 =	vnez.u8 v56  }
0x1b5: {  	v62 =	vld [tilespmem:$0x1FF00];
	v36 =	vadd.s32 v47, v36;
	vm0 =	vmand vm0, vm3  }
0x1b6: {  	v36 =	vadd.s32 v49, v36;
	v57 =	vsel vm0, $0x1, v2;
	vm0 =	vnez.u8 v58  }
0x1b7: {  	v36 =	vadd.s32 v51, v36;
	vm0 =	vmand vm0, vm2  }
0x1b8: {  	v36 =	vadd.s32 v53, v36;
	v59 =	vsel vm0, $0x1, v2;
	vm0 =	vnez.u8 v60  }
0x1b9: {  	v36 =	vadd.s32 v55, v36;
	vm0 =	vmand vm0, vm1  }
0x1ba: {  	v36 =	vadd.s32 v57, v36;
	v61 =	vsel vm0, $0x1, v2;
	vm0 =	vnez.u8 v62  }
0x1bb: {  	v36 =	vadd.s32 v59, v36;
	vm0 =	vmand vm0, vm15  }
0x1bc: {  	v36 =	vadd.s32 v61, v36;
	v63 =	vsel vm0, $0x1, v2  }
0x1bd: {  	v36 =	vadd.s32 v63, v36  }
0x1be: {  	(xrf0) =	vadd.scan.msk.s32 $0xffff, v36;
	_ =	sdelay $0x5  }
0x1bf: {  	v36, _, _ =	vpop (xrf0)  }
0x1c0: {  	(v2sf) =	vpush v36, $0xF;
	_ =	sdelay $0xe  }
0x1c1: {  	s22 =	spop (v2sf)  }
0x1c2: {  	p1 =	sne.s32 s21, $0xD;
	p2 =	slt.s32 s22, s20  }
.Ltmp18:
0x1c3: {  	s31 =	sshrl.u32 s13, s21;
	s18 =	smov.u32 @p2 s19;
	(pc) =	sbr.rel @p1 .LBB2_14-.Ltmp18, $4  }
0x1c4: {  	s19 =	sor.u32 s31, s18  }
0x1c5: {  	vm2 =	vlt.s32 v17, s19;
	vm1 =	vlt.s32 v18, s19;
	vm15 =	vlt.s32 v19, s19  }
0x1c6: {  	vm5 =	vlt.s32 v14, s19;
	vm4 =	vlt.s32 v15, s19;
	vm3 =	vlt.s32 v16, s19  }
0x1c7: {  	s21 =	sadd.s32 $0x1, s21;
	vm8 =	vlt.s32 v11, s19;
	vm7 =	vlt.s32 v12, s19;
	vm6 =	vlt.s32 v13, s19  }
0x1c8: {  	v36 =	vld [tilespmem:$0x1FFF0]  }
0x1c9: {  	v37 =	vld [tilespmem:$0x1FFE0]  }
0x1ca: {  	v38 =	vld [tilespmem:$0x1FFD0]  }
0x1cb: {  	v60 =	vld [tilespmem:$0x1FFB0]  }
0x1cc: {  	v42 =	vld [tilespmem:$0x1FF80]  }
0x1cd: {  	v39 =	vld [tilespmem:$0x1FFC0]  }
0x1ce: {  	vm0 =	vlt.s32 v4, s19  }
0x1cf: {  	vm12 =	vlt.s32 v5, s19;
	vm14 =	vlt.s32 v6, s19;
	vm9 =	vnez.u8 v36  }
0x1d0: {  	v62 =	vld [tilespmem:$0x1FFA0];
	vm13 =	vnez.u8 v37;
	vm11 =	vnez.u8 v38;
	vm0 =	vmand vm9, vm0  }
0x1d1: {  	v50 =	vld [tilespmem:$0x1FF40];
	vm10 =	vnez.u8 v60;
	vm9 =	vnez.u8 v42;
	v56 =	vsel vm0, $0x1, v2  }
0x1d2: {  	v40 =	vld [tilespmem:$0x1FF90];
	vm0 =	vmand vm13, vm12;
	vm12 =	vlt.s32 v7, s19;
	vm13 =	vnez.u8 v39  }
0x1d3: {  	v46 =	vld [tilespmem:$0x1FF60];
	v57 =	vsel vm0, $0x1, v2;
	vm0 =	vmand vm11, vm14;
	vm14 =	vlt.s32 v8, s19  }
0x1d4: {  	vm11 =	vlt.s32 v9, s19;
	v58 =	vsel vm0, $0x1, v2;
	vm0 =	vmand vm13, vm12  }
0x1d5: {  	v36 =	vadd.s32 v57, v56;
	vm12 =	vnez.u8 v62;
	vm13 =	vmand vm9, vm8  }
0x1d6: {  	v44 =	vld [tilespmem:$0x1FF70];
	vm8 =	vnez.u8 v50;
	v59 =	vsel vm0, $0x1, v2;
	vm0 =	vmand vm10, vm14  }
0x1d7: {  	v54 =	vld [tilespmem:$0x1FF20];
	v36 =	vadd.s32 v58, v36;
	vm14 =	vlt.s32 v10, s19;
	vm10 =	vnez.u8 v40  }
0x1d8: {  	v43 =	vsel vm13, $0x1, v2;
	vm13 =	vnez.u8 v46;
	v61 =	vsel vm0, $0x1, v2  }
0x1d9: {  	v48 =	vld [tilespmem:$0x1FF50];
	v36 =	vadd.s32 v59, v36;
	vm0 =	vmand vm12, vm11;
	vm11 =	vmand vm10, vm14  }
0x1da: {  	v52 =	vld [tilespmem:$0x1FF30];
	vm6 =	vmand vm13, vm6;
	v63 =	vsel vm0, $0x1, v2;
	v36 =	vadd.s32 v61, v36  }
0x1db: {  	v58 =	vld [tilespmem:$0x1FF00];
	v41 =	vsel vm11, $0x1, v2;
	vm11 =	vnez.u8 v44;
	v47 =	vsel vm6, $0x1, v2  }
0x1dc: {  	v56 =	vld [tilespmem:$0x1FF10];
	vm0 =	vmand vm8, vm4;
	vm6 =	vnez.u8 v54;
	v36 =	vadd.s32 v63, v36  }
0x1dd: {  	vm14 =	vmand vm11, vm7;
	v51 =	vsel vm0, $0x1, v2;
	v36 =	vadd.s32 v41, v36  }
0x1de: {  	v45 =	vsel vm14, $0x1, v2;
	vm14 =	vnez.u8 v48;
	v36 =	vadd.s32 v43, v36  }
0x1df: {  	vm7 =	vmand vm14, vm5;
	vm5 =	vnez.u8 v52;
	v36 =	vadd.s32 v45, v36  }
0x1e0: {  	vm8 =	vnez.u8 v58;
	v49 =	vsel vm7, $0x1, v2;
	v36 =	vadd.s32 v47, v36  }
0x1e1: {  	vm0 =	vmand vm5, vm3;
	vm7 =	vnez.u8 v56;
	v36 =	vadd.s32 v49, v36  }
0x1e2: {  	v53 =	vsel vm0, $0x1, v2;
	vm0 =	vmand vm6, vm2;
	v36 =	vadd.s32 v51, v36  }
0x1e3: {  	v55 =	vsel vm0, $0x1, v2;
	vm0 =	vmand vm7, vm1;
	v36 =	vadd.s32 v53, v36  }
0x1e4: {  	v57 =	vsel vm0, $0x1, v2;
	vm0 =	vmand vm8, vm15;
	v36 =	vadd.s32 v55, v36  }
0x1e5: {  	v59 =	vsel vm0, $0x1, v2;
	v36 =	vadd.s32 v57, v36  }
0x1e6: {  	v36 =	vadd.s32 v59, v36  }
0x1e7: {  	(xrf0) =	vadd.scan.msk.s32 $0xffff, v36;
	_ =	sdelay $0x5  }
0x1e8: {  	v36, _, _ =	vpop (xrf0)  }
0x1e9: {  	(v2sf) =	vpush v36, $0xF;
	_ =	sdelay $0xa  }
0x1ea: {  	v60 =	vld [tilespmem:$0x1FFF0]  }
0x1eb: {  	v40 =	vld [tilespmem:$0x1FE10]  }
0x1ec: {  	v61 =	vld [tilespmem:$0x1FE00]  }
0x1ed: {  	v63 =	vld [tilespmem:$0x1FFE0]  }
0x1ee: {  	v41 =	vld [tilespmem:$0x1FFD0];
	s21 =	spop (v2sf)  }
0x1ef: {  	v42 =	vld [tilespmem:$0x1FE20];
	p1 =	slt.s32 s21, s20  }
0x1f0: {  	v62 =	vimm.s32 $0x0;
	vm4 =	vnez.u8 v60;
	v43 =	vld [tilespmem:$0x1FFC0];
	s18 =	smov.u32 @p1 s19  }
0x1f1: {  	v44 =	vld [tilespmem:$0x1FE30];
	vm6 =	vnez.u8 v40;
	vm15 =	vle.s32 v4, s18;
	vm5 =	vle.s32 v5, s18  }
0x1f2: {  	v45 =	vld [tilespmem:$0x1FFB0];
	vm0 =	vmand vm4, vm15;
	vm15 =	vnez.u8 v61;
	vm4 =	vnez.u8 v63  }
0x1f3: {  	v46 =	vld [tilespmem:$0x1FE40];
	vm7 =	vnez.u8 v41;
	vm8 =	vmor vm15, vm0;
	vm1 =	vmand vm4, vm5  }
0x1f4: {  	v48 =	vld [tilespmem:$0x1FE60];
	vm5 =	vle.s32 v6, s18;
	vm15 =	vle.s32 v7, s18;
	vm1 =	vmor vm6, vm1  }
0x1f5: {  	v47 =	vld [tilespmem:$0x1FE50];
	vm2 =	vmand vm7, vm5;
	vm6 =	vnez.u8 v42;
	vm7 =	vnez.u8 v43  }
0x1f6: {  	v36 =	vsel vm8, $0xFFFFFFFF, v62;
	vm2 =	vmor vm6, vm2;
	vm3 =	vmand vm7, vm15  }
0x1f7: {  	v50 =	vld [tilespmem:$0x1FE80];
	vm15 =	vle.s32 v8, s18;
	vm6 =	vnez.u8 v44;
	vm7 =	vnez.u8 v45  }
0x1f8: {  	v49 =	vld [tilespmem:$0x1FE70];
	vm4 =	vmand vm7, vm15;
	vm15 =	vle.s32 v9, s18;
	vm7 =	vnez.u8 v46  }
0x1f9: {  	v54 =	vld [tilespmem:$0x1FEB0];
	vm3 =	vmor vm6, vm3;
	vm4 =	vmor vm7, vm4;
	vm5 =	vmand vm12, vm15  }
0x1fa: {  	v51 =	vld [tilespmem:$0x1FE90];
	vm15 =	vle.s32 v10, s18;
	vm7 =	vnez.u8 v47;
	vm12 =	vnez.u8 v48  }
0x1fb: {  	v52 =	vld [tilespmem:$0x1FEA0];
	vm5 =	vmor vm7, vm5;
	vm6 =	vmand vm10, vm15;
	vm10 =	vle.s32 v11, s18  }
0x1fc: {  	v53 =	vld [tilespmem:$0x1FF40];
	vm15 =	vle.s32 v12, s18;
	vm6 =	vmor vm12, vm6;
	vm7 =	vmand vm9, vm10  }
0x1fd: {  	v56 =	vld [tilespmem:$0x1FEC0];
	[tilespmem:v4+s14+$0x0] =	vst.idx.msk vm8, v35;
	vm12 =	vnez.u8 v49;
	vm8 =	vmand vm11, vm15;
	vm11 =	vnez.u8 v50  }
0x1fe: {  	v55 =	vld [tilespmem:$0x1FF30];
	vm15 =	vle.s32 v13, s18;
	vm7 =	vmor vm12, vm7;
	vm8 =	vmor vm11, vm8  }
0x1ff: {  	v57 =	vld [tilespmem:$0x1FF20];
	vm9 =	vmand vm13, vm15;
	vm12 =	vle.s32 v14, s18;
	vm13 =	vnez.u8 v51  }
0x200: {  	v58 =	vld [tilespmem:$0x1FED0];
	vm15 =	vnez.u8 v52;
	vm9 =	vmor vm13, vm9;
	vm10 =	vmand vm14, vm12  }
0x201: {  	v59 =	vld [tilespmem:$0x1FF10];
	[tilespmem:$0x1FDF0] =	vst v36;
	vm14 =	vle.s32 v15, s18;
	vm12 =	vnez.u8 v53;
	vm13 =	vnez.u8 v54  }
0x202: {  	v60 =	vld [tilespmem:$0x1FEE0];
	[tilespmem:v5+s14+$0x0] =	vst.idx.msk vm1, v34;
	vm10 =	vmor vm15, vm10;
	vm11 =	vmand vm12, vm14;
	vm12 =	vle.s32 v16, s18  }
0x203: {  	v61 =	vld [tilespmem:$0x1FF00];
	[tilespmem:v6+s14+$0x0] =	vst.idx.msk vm2, v33;
	vm14 =	vnez.u8 v55;
	vm15 =	vnez.u8 v56;
	vm11 =	vmor vm13, vm11  }
0x204: {  	v62 =	vld [tilespmem:$0x1FEF0];
	[tilespmem:v7+s14+$0x0] =	vst.idx.msk vm3, v32;
	vm12 =	vmand vm14, vm12;
	vm13 =	vle.s32 v17, s18;
	vm14 =	vnez.u8 v57  }
0x205: {  	[tilespmem:v8+s14+$0x0] =	vst.idx.msk vm4, v31;
	vm12 =	vmor vm15, vm12;
	vm13 =	vmand vm14, vm13;
	vm15 =	vnez.u8 v58  }
0x206: {  	[tilespmem:v9+s14+$0x0] =	vst.idx.msk vm5, v30;
	vm14 =	vle.s32 v18, s18;
	vm13 =	vmor vm15, vm13;
	vm15 =	vnez.u8 v59  }
0x207: {  	vm0 =	vnez.u8 v60;
	[tilespmem:v10+s14+$0x0] =	vst.idx.msk vm6, v29;
	vm14 =	vmand vm15, vm14  }
0x208: {  	[tilespmem:v11+s14+$0x0] =	vst.idx.msk vm7, v28;
	vm15 =	vle.s32 v19, s18;
	vm14 =	vmor vm0, vm14;
	vm0 =	vnez.u8 v61  }
0x209: {  	[tilespmem:v12+s14+$0x0] =	vst.idx.msk vm8, v27;
	vm15 =	vmand vm0, vm15;
	vm0 =	vnez.u8 v62  }
0x20a: {  	[tilespmem:v13+s14+$0x0] =	vst.idx.msk vm9, v20;
	vm15 =	vmor vm0, vm15  }
0x20b: {  	[tilespmem:v14+s14+$0x0] =	vst.idx.msk vm10, v21  }
0x20c: {  	[tilespmem:v15+s14+$0x0] =	vst.idx.msk vm11, v22  }
0x20d: {  	[tilespmem:v16+s14+$0x0] =	vst.idx.msk vm12, v23  }
0x20e: {  	[tilespmem:v17+s14+$0x0] =	vst.idx.msk vm13, v24  }
0x20f: {  	[tilespmem:v18+s14+$0x0] =	vst.idx.msk vm14, v25  }
0x210: {  	s17 =	sadd.s32 s2, s17;
	[tilespmem:v19+s14+$0x0] =	vst.idx.msk vm15, v26  }
0x211: {  	[hbm4b:s17+s9] =	stream.strided.scatter [tilespmem:s14], [sflag:$0x1], $0x4000, s10, s9, $0x38;
	[tilespmem:$0x8200] =	vst v63  }
0x212: {  	_ =	swait.ge [sflag:s11], $0x4000  }
0x213: {  	v63 =	vld [tilespmem:$0x1FDF0];
	_ =	sdelay $0x4  }
0x214: {  	vm0 =	vnez.u8 v63;
	_ =	sdelay $0x3  }
0x215: {  	[sflag:s11] =	ssyncset.done $0x0  }
0x216: {  	[sflag:s11] =	ssyncadd.s32 $0xFFFFC000  }
0x217: {  	[tilespmem:v4+s14+$0x0] =	vst.idx.msk vm0, v0  }
0x218: {  	[tilespmem:v5+s14+$0x0] =	vst.idx.msk vm1, v0  }
0x219: {  	[tilespmem:v6+s14+$0x0] =	vst.idx.msk vm2, v0  }
0x21a: {  	[tilespmem:v7+s14+$0x0] =	vst.idx.msk vm3, v0  }
0x21b: {  	[tilespmem:v8+s14+$0x0] =	vst.idx.msk vm4, v0  }
0x21c: {  	[tilespmem:v9+s14+$0x0] =	vst.idx.msk vm5, v0  }
0x21d: {  	[tilespmem:v10+s14+$0x0] =	vst.idx.msk vm6, v0  }
0x21e: {  	[tilespmem:v11+s14+$0x0] =	vst.idx.msk vm7, v0  }
0x21f: {  	[tilespmem:v12+s14+$0x0] =	vst.idx.msk vm8, v0  }
0x220: {  	[tilespmem:v13+s14+$0x0] =	vst.idx.msk vm9, v0  }
0x221: {  	[tilespmem:v14+s14+$0x0] =	vst.idx.msk vm10, v0  }
.Ltmp19:
0x222: {  	[tilespmem:v15+s14+$0x0] =	vst.idx.msk vm11, v0;
	(pc) =	sbr.rel .LBB2_30-.Ltmp19, $4  }
0x223: {  	[tilespmem:v16+s14+$0x0] =	vst.idx.msk vm12, v0  }
0x224: {  	[tilespmem:v17+s14+$0x0] =	vst.idx.msk vm13, v0  }
0x225: {  	[tilespmem:v18+s14+$0x0] =	vst.idx.msk vm14, v0  }
0x226: {  	[tilespmem:v19+s14+$0x0] =	vst.idx.msk vm15, v0  }
.LBB2_31:
.Ltmp20:
0x227: {  	(pc) =	sbr.rel @p0 .LBB2_58-.Ltmp20, $1  }
0x228: {  	_ =	sdelay $0x3  }
0x229: {  	s15 =	simm.s32 $0x0  }
0x22a: {  	[tilespmem:s15], [sflag:$0x1] =	stream.strided.gather [hbm4b:s6+s9], $0x4000, s10, s9, $0x38;
	[tilespmem:$0x8200] =	vst v63  }
0x22b: {  	_ =	swait.ge [sflag:s11], $0x4000  }
0x22c: {  	[sflag:s11] =	ssyncset.done $0x0  }
0x22d: {  	s16 =	simm.s32 $0x0;
	[sflag:s11] =	ssyncadd.s32 $0xFFFFC000  }
0x22e: {  	v5 =	vimm.f32 $0.0e+00;
	v4 =	vimm.f32 $-1.000000000e+00;
	s15 =	simm.s32 $0x40;
	v6 =	vld [tilespmem:s16+$0x0]  }
.LBB2_33:
0x22f: {  	p1 =	sne.s32 s15, $0xFFC0  }
.Ltmp21:
0x230: {  	_ = 	snop;
	(pc) =	sbr.rel @p1 .LBB2_33-.Ltmp21, $3  }
0x231: {  	_ =	sdelay $0x1  }
0x232: {  	s16 =	sshra.s32 s15, $0x2;
	s15 =	sadd.s32 $0x40, s15;
	v5 =	vadd.f32 v6, v5;
	v4 =	vmax.f32 v4, v6  }
0x233: {  	v6 =	vld [tilespmem:s16+$0x0]  }
0x234: {  	_ =	sdelay $0x3  }
0x235: {  	v5 =	vadd.f32 v6, v5;
	_ =	sdelay $0x1  }
0x236: {  	(xrf2) =	vadd.scan.msk.f32 $0xffff, v5;
	_ =	sdelay $0x4  }
0x237: {  	v4 =	vmax.f32 v4, v6  }
0x238: {  	(xrf0) =	vmax.scan.msk.f32 $0xffff, v4;
	_ =	sdelay $0x3  }
0x239: {  	v4, _, _ =	vpop (xrf2)  }
0x23a: {  	(v2sf) =	vpush v4, $0xF  }
0x23b: {  	v4, _, _ =	vpop (xrf0)  }
0x23c: {  	(v2sf) =	vpush v4, $0xF;
	_ =	sdelay $0xc  }
0x23d: {  	s15 =	spop (v2sf)  }
0x23e: {  	s16 =	smul.f32 $6.103515630e-05, s15  }
0x23f: {  	s15 =	spop (v2sf)  }
0x240: {  	s17 =	ssub.f32 s15, s16;
	_ =	sdelay $0x1  }
0x241: {  	s18 =	smul.f32 $-2.599999900e-01, s17  }
0x242: {  	s16 =	ssub.f32 s16, s17  }
0x243: {  	s17 =	simm.s32 $0x0;
	s19 =	sadd.f32 s18, s15;
	s18 =	simm.s32 $0x0  }
.LBB2_35:
0x244: {  	[tilespmem:$0x8000] =	vst v1  }
0x245: {  	[tilespmem:$0x8010] =	vst v1  }
0x246: {  	[tilespmem:$0x8020] =	vst v1  }
0x247: {  	[tilespmem:$0x8030] =	vst v1  }
0x248: {  	[tilespmem:$0x8040] =	vst v1  }
0x249: {  	[tilespmem:$0x8050] =	vst v1  }
0x24a: {  	[tilespmem:$0x8060] =	vst v1  }
0x24b: {  	[tilespmem:$0x8070] =	vst v1  }
0x24c: {  	[tilespmem:$0x8080] =	vst v1  }
0x24d: {  	[tilespmem:$0x8090] =	vst v1  }
0x24e: {  	[tilespmem:$0x80A0] =	vst v1  }
0x24f: {  	[tilespmem:$0x80B0] =	vst v1  }
0x250: {  	[tilespmem:$0x80C0] =	vst v1  }
0x251: {  	[tilespmem:$0x80D0] =	vst v1  }
0x252: {  	[tilespmem:$0x80E0] =	vst v1  }
0x253: {  	[tilespmem:$0x80F0] =	vst v1  }
0x254: {  	v6 =	vld [tilespmem:s17+$0x0];
	_ =	sdelay $0x3  }
0x255: {  	v4 =	vmov s19  }
0x256: {  	vm0 =	vgt.f32 v6, v4  }
0x257: {  	v5 =	vsel vm0, $0x1, v2  }
0x258: {  	(xrf0) =	vadd.scan.msk.s32 $0xffff, v5;
	_ =	sdelay $0x5  }
0x259: {  	v5, _, _ =	vpop (xrf0)  }
0x25a: {  	(v2sf) =	vpush v5, $0xF;
	_ =	sdelay $0xe  }
0x25b: {  	p1 =	por $0x0, $0x0;
	s20 =	spop (v2sf)  }
0x25c: {  	p2 =	slt.s32 @!p1 s20, $0x1  }
0x25d: {  	p2 =	por p2, p1  }
0x25e: {  	s21 =	simm.s32 $0x10;
	vm0 =	vgt.f32 @!p2 v6, v4;
	v5 =	vlaneseq.u32 @!p2  }
0x25f: {  	s22 =	simm.s32 $0x0;
	s23 =	simm.s32 $0x0;
	s20 =	sadd.s32 $0x0, s20;
	v5 =	vor.u32 @!p2 s17, v5;
	[tilespmem:s17+$0x8000] =	vst.msk @!p2 vm0, v6  }
.LBB2_36:
0x260: {  	[tilespmem:s22+$0x8100] =	vst.msk @!p2 vm0, v5;
	s23 =	sadd.s32 $0x10, s23;
	s24 =	smov.u32 s21;
	s21 =	sadd.s32 $0x10, s21  }
0x261: {  	s22 =	smov.u32 s20;
	v6 =	vld [tilespmem:s23+$0x0];
	p1 =	sne.s32 s21, $0x4000;
	_ =	sdelay $0x4  }
0x262: {  	vm0 =	vgt.f32 v6, v4  }
0x263: {  	v5 =	vsel vm0, $0x1, v2  }
0x264: {  	(xrf0) =	vadd.scan.msk.s32 $0xffff, v5;
	_ =	sdelay $0x5  }
0x265: {  	v5, _, _ =	vpop (xrf0)  }
0x266: {  	(v2sf) =	vpush v5, $0xF;
	_ =	sdelay $0xe  }
.Ltmp22:
0x267: {  	p2 =	sgt.s32 s20, $0xE0;
	s25 =	spop (v2sf);
	(pc) =	sbr.rel @p1 .LBB2_36-.Ltmp22, $4  }
0x268: {  	p3 =	slt.s32 @!p2 s25, $0x1;
	s20 =	sadd.s32 s20, s25  }
0x269: {  	p2 =	por p3, p2  }
0x26a: {  	vm0 =	vgt.f32 @!p2 v6, v4;
	v5 =	vlaneseq.u32 @!p2  }
0x26b: {  	v5 =	vor.u32 @!p2 s24, v5;
	[tilespmem:s22+$0x8000] =	vst.msk @!p2 vm0, v6  }
0x26c: {  	p1 =	sgt.s32 s20, $0xE0;
	p3 =	slt.s32 s20, $0x20;
	s20 =	sadd.s32 $0xFFFFFF1F, s20  }
0x26d: {  	s16 =	smov.u32 @p1 s19;
	p1 =	sgt.u32 s20, $0xFFFFFF3E  }
0x26e: {  	s15 =	smov.u32 @p3 s19;
	p3 =	slt.u32 @!p1 s18, $0x9  }
0x26f: {  	p1 =	por p1, !p3  }
.Ltmp23:
0x270: {  	_ = 	snop;
	(pc) =	sbr.rel @!p1 .LBB2_35-.Ltmp23, $3  }
0x271: {  	_ = 	snop  }
0x272: {  	s19 =	sadd.f32 s15, s16;
	_ =	sdelay $0x1  }
0x273: {  	[tilespmem:s22+$0x8100] =	vst.msk @!p2 vm0, v5;
	s18 =	sadd.s32 $0x1, s18;
	s19 =	smul.f32 $5.000000000e-01, s19  }
0x274: {  	p1 =	slt.u32 s20, $0xFFFFFF3F  }
.Ltmp24:
0x275: {  	_ = 	snop;
	(pc) =	sbr.rel @!p1 .LBB2_39-.Ltmp24, $2  }
0x276: {  	_ =	sdelay $0x2  }
0x277: {  	s15 =	simm.s32 $0x0;
	s16 =	simm.s32 $0x0  }
.LBB2_44:
0x278: {  	s17 =	simm.s32 $0x0  }
0x279: {  	v5 =	vld [tilespmem:s17+$0x0]  }
0x27a: {  	s28 =	simm.s32 $0x10  }
0x27b: {  	s29 =	simm.s32 $0x20;
	s18 =	sshrl.u32 s12, s16;
	v6 =	vld [tilespmem:s28+$0x0]  }
0x27c: {  	v7 =	vld [tilespmem:s29+$0x0];
	s17 =	sor.u32 s18, s15  }
0x27d: {  	v4 =	vmov s17  }
0x27e: {  	vm0 =	vge.s32 v5, v4  }
0x27f: {  	v5 =	vsel vm0, $0x1, v2  }
0x280: {  	vm13 =	vge.s32 v6, v4;
	(xrf0) =	vadd.scan.msk.s32 $0xffff, v5  }
0x281: {  	vm14 =	vge.s32 v7, v4;
	v5 =	vsel vm13, $0x1, v2  }
0x282: {  	(xrf0) =	vadd.scan.msk.s32 $0xffff, v5;
	v5 =	vsel vm14, $0x1, v2  }
0x283: {  	s30 =	simm.s32 $0x30;
	(xrf0) =	vadd.scan.msk.s32 $0xffff, v5  }
0x284: {  	v6 =	vld [tilespmem:s30+$0x0];
	_ =	sdelay $0x1  }
0x285: {  	v5, _, _ =	vpop (xrf0)  }
0x286: {  	(v2sf) =	vpush v5, $0xF  }
0x287: {  	v5, _, _ =	vpop (xrf0)  }
0x288: {  	vm15 =	vge.s32 v6, v4;
	(v2sf) =	vpush v5, $0xF;
	v6, _, _ =	vpop (xrf0)  }
0x289: {  	(v2sf) =	vpush v6, $0xF;
	_ =	sdelay $0x5  }
0x28a: {  	s31 =	simm.s32 $0x40;
	v5 =	vsel vm15, $0x1, v2  }
0x28b: {  	(xrf0) =	vadd.scan.msk.s32 $0xffff, v5;
	v5 =	vld [tilespmem:s31+$0x0];
	_ =	sdelay $0x1  }
0x28c: {  	s19 =	simm.s32 $0x140;
	s18 =	simm.s32 $0x0  }
.LBB2_45:
0x28d: {  	p1 =	sne.s32 s19, $0xFFC0  }
.Ltmp25:
0x28e: {  	s20 =	sshra.s32 s19, $0x2;
	(pc) =	sbr.rel @p1 .LBB2_45-.Ltmp25, $4  }
0x28f: {  	s19 =	sadd.s32 $0x40, s19;
	s21 =	spop (v2sf);
	vm0 =	vge.s32 v5, v4  }
0x290: {  	s18 =	sadd.s32 s18, s21;
	v5 =	vld [tilespmem:s20+$0x0];
	v7 =	vsel vm0, $0x1, v2  }
0x291: {  	(xrf0) =	vadd.scan.msk.s32 $0xffff, v7;
	v6, _, _ =	vpop (xrf0)  }
0x292: {  	(v2sf) =	vpush v6, $0xF  }
0x293: {  	_ =	sdelay $0x1  }
0x294: {  	vm0 =	vge.s32 v5, v4  }
0x295: {  	v4 =	vsel vm0, $0x1, v2  }
0x296: {  	(xrf0) =	vadd.scan.msk.s32 $0xffff, v4;
	_ =	sdelay $0x4  }
0x297: {  	v4, _, _ =	vpop (xrf0)  }
0x298: {  	(v2sf) =	vpush v4, $0xF;
	v4, _, _ =	vpop (xrf0)  }
0x299: {  	(v2sf) =	vpush v4, $0xF;
	_ =	sdelay $0xa  }
0x29a: {  	s19 =	spop (v2sf)  }
0x29b: {  	s16 =	sadd.s32 $0x1, s16;
	s18 =	sadd.s32 s18, s19;
	s28 =	spop (v2sf)  }
0x29c: {  	p2 =	sne.s32 s16, $0x1F;
	s18 =	sadd.s32 s18, s28;
	s29 =	spop (v2sf)  }
.Ltmp26:
0x29d: {  	s18 =	sadd.s32 s18, s29;
	s30 =	spop (v2sf);
	(pc) =	sbr.rel @p2 .LBB2_44-.Ltmp26, $4  }
0x29e: {  	s18 =	sadd.s32 s18, s30;
	s31 =	spop (v2sf)  }
0x29f: {  	s18 =	sadd.s32 s18, s31  }
0x2a0: {  	p1 =	sgt.s32 s18, $0x1F  }
0x2a1: {  	s15 =	smov.u32 @p1 s17  }
0x2a2: {  	s16 =	simm.s32 $0x0  }
0x2a3: {  	v5 =	vld [tilespmem:s16+$0x0]  }
0x2a4: {  	s28 =	simm.s32 $0x10  }
0x2a5: {  	s29 =	simm.s32 $0x20;
	v6 =	vld [tilespmem:s28+$0x0]  }
0x2a6: {  	s30 =	sadd.s32 $0x1, s15;
	v7 =	vld [tilespmem:s29+$0x0]  }
0x2a7: {  	v4 =	vmov s30  }
0x2a8: {  	vm0 =	vge.s32 v5, v4  }
0x2a9: {  	v5 =	vsel vm0, $0x1, v2  }
0x2aa: {  	vm13 =	vge.s32 v6, v4;
	(xrf0) =	vadd.scan.msk.s32 $0xffff, v5  }
0x2ab: {  	vm14 =	vge.s32 v7, v4;
	v5 =	vsel vm13, $0x1, v2  }
0x2ac: {  	(xrf0) =	vadd.scan.msk.s32 $0xffff, v5;
	v5 =	vsel vm14, $0x1, v2  }
0x2ad: {  	s31 =	simm.s32 $0x30;
	(xrf0) =	vadd.scan.msk.s32 $0xffff, v5  }
0x2ae: {  	v6 =	vld [tilespmem:s31+$0x0];
	_ =	sdelay $0x1  }
0x2af: {  	v5, _, _ =	vpop (xrf0)  }
0x2b0: {  	(v2sf) =	vpush v5, $0xF  }
0x2b1: {  	v5, _, _ =	vpop (xrf0)  }
0x2b2: {  	vm15 =	vge.s32 v6, v4;
	(v2sf) =	vpush v5, $0xF;
	v6, _, _ =	vpop (xrf0)  }
0x2b3: {  	(v2sf) =	vpush v6, $0xF;
	_ =	sdelay $0x5  }
0x2b4: {  	s18 =	simm.s32 $0x40;
	v5 =	vsel vm15, $0x1, v2  }
0x2b5: {  	(xrf0) =	vadd.scan.msk.s32 $0xffff, v5;
	v5 =	vld [tilespmem:s18+$0x0];
	_ =	sdelay $0x1  }
0x2b6: {  	s17 =	simm.s32 $0x140;
	s16 =	simm.s32 $0x0  }
.LBB2_48:
0x2b7: {  	p1 =	sne.s32 s17, $0xFFC0  }
.Ltmp27:
0x2b8: {  	s18 =	sshra.s32 s17, $0x2;
	(pc) =	sbr.rel @p1 .LBB2_48-.Ltmp27, $4  }
0x2b9: {  	s17 =	sadd.s32 $0x40, s17;
	s19 =	spop (v2sf);
	vm0 =	vge.s32 v5, v4  }
0x2ba: {  	s16 =	sadd.s32 s16, s19;
	v5 =	vld [tilespmem:s18+$0x0];
	v7 =	vsel vm0, $0x1, v2  }
0x2bb: {  	(xrf0) =	vadd.scan.msk.s32 $0xffff, v7;
	v6, _, _ =	vpop (xrf0)  }
0x2bc: {  	(v2sf) =	vpush v6, $0xF  }
0x2bd: {  	_ =	sdelay $0x1  }
0x2be: {  	vm0 =	vge.s32 v5, v4  }
0x2bf: {  	v4 =	vsel vm0, $0x1, v2  }
0x2c0: {  	(xrf0) =	vadd.scan.msk.s32 $0xffff, v4;
	_ =	sdelay $0x4  }
0x2c1: {  	v4, _, _ =	vpop (xrf0)  }
0x2c2: {  	(v2sf) =	vpush v4, $0xF;
	v4, _, _ =	vpop (xrf0)  }
0x2c3: {  	(v2sf) =	vpush v4, $0xF;
	_ =	sdelay $0xa  }
0x2c4: {  	s17 =	spop (v2sf)  }
0x2c5: {  	s18 =	spop (v2sf);
	s16 =	sadd.s32 s16, s17  }
0x2c6: {  	s16 =	sadd.s32 s16, s18;
	s29 =	spop (v2sf)  }
0x2c7: {  	s16 =	sadd.s32 s16, s29;
	s30 =	spop (v2sf)  }
0x2c8: {  	s16 =	sadd.s32 s16, s30;
	s31 =	spop (v2sf)  }
0x2c9: {  	s17 =	simm.s32 $0x0;
	s16 =	sadd.s32 s16, s31  }
0x2ca: {  	s18 =	simm.s32 $0x0;
	v4 =	vmov s15;
	s15 =	simm.s32 $0x0;
	s16 =	ssub.s32 $0x20, s16  }
.LBB2_50:
0x2cb: {  	v6 =	vld [tilespmem:s17+$0x0]  }
0x2cc: {  	s20 =	simm.s32 $0x10  }
0x2cd: {  	s19 =	sshrl.u32 s13, s18;
	v7 =	vld [tilespmem:s20+$0x0]  }
0x2ce: {  	s19 =	sor.u32 s19, s15  }
0x2cf: {  	s21 =	simm.s32 $0x20;
	v9 =	vor.u32 s17, v3;
	v5 =	vmov s19  }
0x2d0: {  	v8 =	vld [tilespmem:s21+$0x0];
	vm1 =	vlt.s32 v9, v5;
	vm0 =	veq.s32 v6, v4  }
0x2d1: {  	vm0 =	vmand vm1, vm0  }
0x2d2: {  	vm2 =	veq.s32 v7, v4;
	v7 =	vsel vm0, $0x1, v2  }
0x2d3: {  	v6 =	vor.u32 s20, v3;
	(xrf0) =	vadd.scan.msk.s32 $0xffff, v7  }
0x2d4: {  	vm3 =	vlt.s32 v6, v5;
	v6 =	vor.u32 s21, v3  }
0x2d5: {  	vm1 =	vmand vm3, vm2;
	vm0 =	veq.s32 v8, v4;
	vm2 =	vlt.s32 v6, v5  }
0x2d6: {  	v6 =	vsel vm1, $0x1, v2;
	vm0 =	vmand vm2, vm0  }
0x2d7: {  	s30 =	simm.s32 $0x30;
	(xrf0) =	vadd.scan.msk.s32 $0xffff, v6;
	v7 =	vsel vm0, $0x1, v2  }
0x2d8: {  	v6 =	vld [tilespmem:s30+$0x0];
	(xrf0) =	vadd.scan.msk.s32 $0xffff, v7  }
0x2d9: {  	v61, _, _ =	vpop (xrf0)  }
0x2da: {  	(v2sf) =	vpush v61, $0xF;
	_ =	sdelay $0x2  }
0x2db: {  	vm0 =	veq.s32 v6, v4;
	v6, _, _ =	vpop (xrf0)  }
0x2dc: {  	(v2sf) =	vpush v6, $0xF;
	v62, _, _ =	vpop (xrf0)  }
0x2dd: {  	(v2sf) =	vpush v62, $0xF;
	_ =	sdelay $0x1  }
0x2de: {  	s31 =	simm.s32 $0x40;
	v60 =	vor.u32 s30, v3  }
0x2df: {  	vm1 =	vlt.s32 v60, v5;
	v7 =	vld [tilespmem:s31+$0x0]  }
0x2e0: {  	vm0 =	vmand vm1, vm0  }
0x2e1: {  	v6 =	vsel vm0, $0x1, v2  }
0x2e2: {  	(xrf0) =	vadd.scan.msk.s32 $0xffff, v6  }
0x2e3: {  	v63 =	vor.u32 s31, v3  }
0x2e4: {  	s22 =	simm.s32 $0x50;
	s20 =	simm.s32 $0x0;
	s21 =	simm.s32 $0x50;
	vm1 =	vlt.s32 v63, v5;
	vm0 =	veq.s32 v7, v4  }
.LBB2_51:
0x2e5: {  	p1 =	sne.s32 s21, $0x3FF0  }
0x2e6: {  	v6 =	vld [tilespmem:s22+$0x0];
	vm0 =	vmand vm1, vm0;
	s23 =	spop (v2sf);
	s24 =	smov.u32 s21;
	s21 =	sadd.s32 $0x10, s21  }
.Ltmp28:
0x2e7: {  	v8 =	vsel vm0, $0x1, v2;
	s20 =	sadd.s32 s20, s23;
	(pc) =	sbr.rel @p1 .LBB2_51-.Ltmp28, $4  }
0x2e8: {  	(xrf0) =	vadd.scan.msk.s32 $0xffff, v8;
	v7, _, _ =	vpop (xrf0)  }
0x2e9: {  	(v2sf) =	vpush v7, $0xF  }
0x2ea: {  	v7 =	vor.u32 s24, v3  }
0x2eb: {  	s22 =	sadd.s32 $0x10, s22;
	vm1 =	vlt.s32 v7, v5;
	vm0 =	veq.s32 v6, v4  }
0x2ec: {  	vm0 =	vmand vm1, vm0  }
0x2ed: {  	v5 =	vsel vm0, $0x1, v2  }
0x2ee: {  	(xrf0) =	vadd.scan.msk.s32 $0xffff, v5;
	_ =	sdelay $0x4  }
0x2ef: {  	v5, _, _ =	vpop (xrf0)  }
0x2f0: {  	(v2sf) =	vpush v5, $0xF;
	v5, _, _ =	vpop (xrf0)  }
0x2f1: {  	(v2sf) =	vpush v5, $0xF;
	_ =	sdelay $0xa  }
0x2f2: {  	s21 =	spop (v2sf)  }
0x2f3: {  	s18 =	sadd.s32 $0x1, s18;
	s20 =	sadd.s32 s20, s21;
	s28 =	spop (v2sf)  }
0x2f4: {  	p2 =	seq.s32 s18, $0xE;
	s20 =	sadd.s32 s20, s28;
	s29 =	spop (v2sf)  }
.Ltmp29:
0x2f5: {  	s20 =	sadd.s32 s20, s29;
	s30 =	spop (v2sf);
	(pc) =	sbr.rel @!p2 .LBB2_50-.Ltmp29, $4  }
0x2f6: {  	s20 =	sadd.s32 s20, s30;
	s31 =	spop (v2sf)  }
0x2f7: {  	s20 =	sadd.s32 s20, s31  }
0x2f8: {  	p1 =	slt.s32 s20, s16  }
0x2f9: {  	s15 =	smov.u32 @p1 s19  }
0x2fa: {  	s16 =	simm.s32 $0x0  }
0x2fb: {  	v6 =	vld [tilespmem:s16+$0x0];
	_ =	sdelay $0x3  }
0x2fc: {  	v5 =	vmov s15;
	v7 =	vor.u32 s16, v3  }
0x2fd: {  	vm1 =	vle.s32 v7, v5;
	vm0 =	veq.s32 v4, v6  }
0x2fe: {  	vm2 =	vlt.s32 v4, v6;
	vm0 =	vmand vm1, vm0  }
0x2ff: {  	vm0 =	vmor vm2, vm0  }
0x300: {  	s15 =	simm.s32 $0x4000;
	v6 =	vnsel vm0, $0x0, v6  }
0x301: {  	s16 =	simm.s32 $0x10;
	[tilespmem:s15+$0x0] =	vst v6  }
0x302: {  	s17 =	simm.s32 $0x20;
	s18 =	simm.s32 $0x10;
	v6 =	vld [tilespmem:s16+$0x0]  }
.LBB2_54:
0x303: {  	p1 =	sne.s32 s17, $0x3FF0;
	_ =	sdelay $0x2  }
0x304: {  	v7 =	vor.u32 s16, v3;
	s16 =	smov.u32 s17  }
0x305: {  	vm1 =	vle.s32 v7, v5;
	vm0 =	veq.s32 v4, v6  }
.Ltmp30:
0x306: {  	vm2 =	vlt.s32 v4, v6;
	vm0 =	vmand vm1, vm0;
	(pc) =	sbr.rel @p1 .LBB2_54-.Ltmp30, $4  }
0x307: {  	vm0 =	vmor vm2, vm0  }
0x308: {  	s15 =	sadd.s32 $0x10, s15;
	v6 =	vnsel vm0, $0x0, v6  }
0x309: {  	s18 =	sadd.s32 $0x10, s18;
	[tilespmem:s15+$0x0] =	vst v6  }
0x30a: {  	s17 =	sadd.s32 $0x10, s17;
	v6 =	vld [tilespmem:s18+$0x0]  }
0x30b: {  	_ =	sdelay $0x2  }
0x30c: {  	v7 =	vor.u32 s16, v3  }
0x30d: {  	vm1 =	vle.s32 v7, v5;
	vm0 =	veq.s32 v4, v6  }
0x30e: {  	vm2 =	vlt.s32 v4, v6;
	vm0 =	vmand vm1, vm0  }
0x30f: {  	vm0 =	vmor vm2, vm0  }
0x310: {  	s15 =	sadd.s32 $0x10, s15;
	v4 =	vnsel vm0, $0x0, v6  }
0x311: {  	[tilespmem:s15+$0x0] =	vst v4  }
0x312: {  	[hbm4b:s7+s9] =	stream.strided.scatter [tilespmem:s14], [sflag:$0x1], $0x4000, s10, s9, $0x38;
	[tilespmem:$0x8200] =	vst v63  }
0x313: {  	_ =	swait.ge [sflag:s11], $0x4000  }
0x314: {  	[sflag:s11] =	ssyncset.done $0x0  }
0x315: {  	s16 =	simm.s32 $0x0;
	s15 =	simm.s32 $0x40;
	[sflag:s11] =	ssyncadd.s32 $0xFFFFC000  }
.LBB2_56:
0x316: {  	p1 =	sne.s32 s15, $0xFFC0;
	[tilespmem:s16+$0x4000] =	vst v0;
	s16 =	smov.u32 s15;
	s15 =	sadd.s32 $0x40, s15  }
.Ltmp31:
0x317: {  	(pc) =	sbr.rel @p1 .LBB2_56-.Ltmp31, $2  }
0x318: {  	_ =	sdelay $0x2  }
0x319: {  	s16 =	sshra.s32 s16, $0x2  }
.Ltmp32:
0x31a: {  	(pc) =	sbr.rel .LBB2_58-.Ltmp32, $2  }
0x31b: {  	_ =	sdelay $0x2  }
0x31c: {  	[tilespmem:s16+$0x4000] =	vst v0  }
.LBB2_39:
0x31d: {  	v35 =	vld [tilespmem:$0x8000]  }
0x31e: {  	v34 =	vld [tilespmem:$0x8010]  }
0x31f: {  	v33 =	vld [tilespmem:$0x8020]  }
0x320: {  	v32 =	vld [tilespmem:$0x8030]  }
0x321: {  	v31 =	vld [tilespmem:$0x8040]  }
0x322: {  	v30 =	vld [tilespmem:$0x8050]  }
0x323: {  	v29 =	vld [tilespmem:$0x8060]  }
0x324: {  	v28 =	vld [tilespmem:$0x8070]  }
0x325: {  	v27 =	vld [tilespmem:$0x8080]  }
0x326: {  	v20 =	vld [tilespmem:$0x8090]  }
0x327: {  	v21 =	vld [tilespmem:$0x80A0]  }
0x328: {  	v22 =	vld [tilespmem:$0x80B0]  }
0x329: {  	v23 =	vld [tilespmem:$0x80C0]  }
0x32a: {  	v24 =	vld [tilespmem:$0x80D0]  }
0x32b: {  	v25 =	vld [tilespmem:$0x80E0]  }
0x32c: {  	v26 =	vld [tilespmem:$0x80F0]  }
0x32d: {  	v4 =	vld [tilespmem:$0x8100]  }
0x32e: {  	v5 =	vld [tilespmem:$0x8110]  }
0x32f: {  	v6 =	vld [tilespmem:$0x8120]  }
0x330: {  	v7 =	vld [tilespmem:$0x8130]  }
0x331: {  	v8 =	vld [tilespmem:$0x8140]  }
0x332: {  	v9 =	vld [tilespmem:$0x8150]  }
0x333: {  	v10 =	vld [tilespmem:$0x8160]  }
0x334: {  	v11 =	vld [tilespmem:$0x8170]  }
0x335: {  	v12 =	vld [tilespmem:$0x8180]  }
0x336: {  	v13 =	vld [tilespmem:$0x8190]  }
0x337: {  	v14 =	vld [tilespmem:$0x81A0]  }
0x338: {  	v15 =	vld [tilespmem:$0x81B0]  }
0x339: {  	v16 =	vld [tilespmem:$0x81C0]  }
0x33a: {  	v17 =	vld [tilespmem:$0x81D0]  }
0x33b: {  	v18 =	vld [tilespmem:$0x81E0]  }
0x33c: {  	v19 =	vld [tilespmem:$0x81F0];
	s15 =	simm.s32 $0x0;
	s18 =	simm.s32 $0x40000000;
	s16 =	simm.s32 $0x1  }
.LBB2_40:
0x33d: {  	p1 =	sne.s32 s16, $0x1E;
	s17 =	sor.u32 s18, s15  }
0x33e: {  	v36 =	vmov s17  }
0x33f: {  	vm0 =	vle.s32 v36, v35;
	vm1 =	vle.s32 v36, v34  }
0x340: {  	v37 =	vsel vm0, $0x1, v2;
	v38 =	vsel vm1, $0x1, v2;
	vm0 =	vle.s32 v36, v33  }
0x341: {  	v37 =	vadd.s32 v38, v37;
	v38 =	vsel vm0, $0x1, v2;
	vm0 =	vle.s32 v36, v32  }
0x342: {  	v37 =	vadd.s32 v38, v37;
	v38 =	vsel vm0, $0x1, v2;
	vm0 =	vle.s32 v36, v31  }
0x343: {  	v37 =	vadd.s32 v38, v37;
	v38 =	vsel vm0, $0x1, v2;
	vm0 =	vle.s32 v36, v30  }
0x344: {  	v37 =	vadd.s32 v38, v37;
	v38 =	vsel vm0, $0x1, v2;
	vm0 =	vle.s32 v36, v29  }
0x345: {  	v37 =	vadd.s32 v38, v37;
	v38 =	vsel vm0, $0x1, v2;
	vm0 =	vle.s32 v36, v28  }
0x346: {  	v37 =	vadd.s32 v38, v37;
	v38 =	vsel vm0, $0x1, v2;
	vm0 =	vle.s32 v36, v27  }
0x347: {  	v37 =	vadd.s32 v38, v37;
	v38 =	vsel vm0, $0x1, v2;
	vm0 =	vle.s32 v36, v20  }
0x348: {  	v37 =	vadd.s32 v38, v37;
	v38 =	vsel vm0, $0x1, v2;
	vm0 =	vle.s32 v36, v21  }
0x349: {  	v37 =	vadd.s32 v38, v37;
	v38 =	vsel vm0, $0x1, v2;
	vm0 =	vle.s32 v36, v22  }
0x34a: {  	v37 =	vadd.s32 v38, v37;
	v38 =	vsel vm0, $0x1, v2;
	vm0 =	vle.s32 v36, v23  }
0x34b: {  	v37 =	vadd.s32 v38, v37;
	v38 =	vsel vm0, $0x1, v2;
	vm0 =	vle.s32 v36, v24  }
0x34c: {  	v37 =	vadd.s32 v38, v37;
	v38 =	vsel vm0, $0x1, v2;
	vm0 =	vle.s32 v36, v25  }
0x34d: {  	v37 =	vadd.s32 v38, v37;
	v38 =	vsel vm0, $0x1, v2;
	vm0 =	vle.s32 v36, v26  }
0x34e: {  	v36 =	vadd.s32 v38, v37;
	v37 =	vsel vm0, $0x1, v2  }
0x34f: {  	v36 =	vadd.s32 v37, v36  }
0x350: {  	(xrf0) =	vadd.scan.msk.s32 $0xffff, v36;
	_ =	sdelay $0x5  }
0x351: {  	v36, _, _ =	vpop (xrf0)  }
0x352: {  	(v2sf) =	vpush v36, $0xF;
	_ =	sdelay $0xc  }
.Ltmp33:
0x353: {  	(pc) =	sbr.rel @p1 .LBB2_40-.Ltmp33, $4  }
0x354: {  	_ = 	snop  }
0x355: {  	s18 =	spop (v2sf)  }
0x356: {  	p2 =	sgt.s32 s18, $0x1F  }
0x357: {  	s18 =	sshrl.u32 s12, s16;
	s16 =	sadd.s32 $0x1, s16;
	s15 =	smov.u32 @p2 s17  }
0x358: {  	s16 =	sor.u32 s18, s15  }
0x359: {  	v36 =	vmov s16  }
0x35a: {  	vm0 =	vle.s32 v36, v35;
	vm1 =	vle.s32 v36, v34  }
0x35b: {  	v37 =	vsel vm0, $0x1, v2;
	v38 =	vsel vm1, $0x1, v2;
	vm0 =	vle.s32 v36, v33  }
0x35c: {  	v37 =	vadd.s32 v38, v37;
	v49 =	vsel vm0, $0x1, v2;
	vm0 =	vle.s32 v36, v32  }
0x35d: {  	v37 =	vadd.s32 v49, v37;
	v50 =	vsel vm0, $0x1, v2;
	vm0 =	vle.s32 v36, v31  }
0x35e: {  	v37 =	vadd.s32 v50, v37;
	v51 =	vsel vm0, $0x1, v2;
	vm0 =	vle.s32 v36, v30  }
0x35f: {  	v37 =	vadd.s32 v51, v37;
	v52 =	vsel vm0, $0x1, v2;
	vm0 =	vle.s32 v36, v29  }
0x360: {  	v37 =	vadd.s32 v52, v37;
	v53 =	vsel vm0, $0x1, v2;
	vm0 =	vle.s32 v36, v28  }
0x361: {  	v37 =	vadd.s32 v53, v37;
	v54 =	vsel vm0, $0x1, v2;
	vm0 =	vle.s32 v36, v27  }
0x362: {  	v37 =	vadd.s32 v54, v37;
	v55 =	vsel vm0, $0x1, v2;
	vm0 =	vle.s32 v36, v20  }
0x363: {  	v37 =	vadd.s32 v55, v37;
	v56 =	vsel vm0, $0x1, v2;
	vm0 =	vle.s32 v36, v21  }
0x364: {  	v37 =	vadd.s32 v56, v37;
	v57 =	vsel vm0, $0x1, v2;
	vm0 =	vle.s32 v36, v22  }
0x365: {  	v37 =	vadd.s32 v57, v37;
	v58 =	vsel vm0, $0x1, v2;
	vm0 =	vle.s32 v36, v23  }
0x366: {  	v37 =	vadd.s32 v58, v37;
	v59 =	vsel vm0, $0x1, v2;
	vm0 =	vle.s32 v36, v24  }
0x367: {  	v37 =	vadd.s32 v59, v37;
	v60 =	vsel vm0, $0x1, v2;
	vm0 =	vle.s32 v36, v25  }
0x368: {  	v37 =	vadd.s32 v60, v37;
	v61 =	vsel vm0, $0x1, v2;
	vm0 =	vle.s32 v36, v26  }
0x369: {  	v62 =	vadd.s32 v61, v37;
	v63 =	vsel vm0, $0x1, v2  }
0x36a: {  	v36 =	vadd.s32 v63, v62  }
0x36b: {  	(xrf0) =	vadd.scan.msk.s32 $0xffff, v36;
	_ =	sdelay $0x5  }
0x36c: {  	v36, _, _ =	vpop (xrf0)  }
0x36d: {  	(v2sf) =	vpush v36, $0xF;
	_ =	sdelay $0xe  }
0x36e: {  	s17 =	spop (v2sf)  }
0x36f: {  	v40 =	vimm.s32 $0x0;
	v42 =	vimm.s32 $0x0;
	v44 =	vimm.s32 $0x0;
	p1 =	sgt.s32 s17, $0x1F  }
0x370: {  	v46 =	vimm.s32 $0x0;
	v48 =	vimm.s32 $0x0;
	v50 =	vimm.s32 $0x0;
	s15 =	smov.u32 @p1 s16  }
0x371: {  	v52 =	vimm.s32 $0x0;
	v54 =	vimm.s32 $0x0;
	v36 =	vmov s15  }
0x372: {  	v56 =	vimm.s32 $0x0;
	vm1 =	vlt.s32 v36, v35;
	vm0 =	vlt.s32 v36, v34  }
0x373: {  	v37 =	vsel vm1, $0xFFFFFFFF, v40;
	v41 =	vsel vm1, $0x1, v2;
	v43 =	vsel vm0, $0x1, v2  }
0x374: {  	v38 =	vsel vm0, $0xFFFFFFFF, v42;
	vm0 =	vlt.s32 v36, v33;
	[tilespmem:$0x1FBF0] =	vst v37;
	v37 =	vadd.s32 v43, v41  }
0x375: {  	[tilespmem:$0x1FC00] =	vst v38;
	v38 =	vsel vm0, $0xFFFFFFFF, v44;
	v45 =	vsel vm0, $0x1, v2;
	vm0 =	vlt.s32 v36, v32  }
0x376: {  	v58 =	vimm.s32 $0x0;
	v37 =	vadd.s32 v45, v37;
	v47 =	vsel vm0, $0x1, v2  }
0x377: {  	[tilespmem:$0x1FC10] =	vst v38;
	v38 =	vsel vm0, $0xFFFFFFFF, v46;
	vm0 =	vlt.s32 v36, v31;
	v37 =	vadd.s32 v47, v37  }
0x378: {  	[tilespmem:$0x1FC20] =	vst v38;
	v38 =	vsel vm0, $0xFFFFFFFF, v48;
	v49 =	vsel vm0, $0x1, v2;
	vm0 =	vlt.s32 v36, v30  }
0x379: {  	v60 =	vimm.s32 $0x0;
	v37 =	vadd.s32 v49, v37;
	v51 =	vsel vm0, $0x1, v2  }
0x37a: {  	[tilespmem:$0x1FC30] =	vst v38;
	v38 =	vsel vm0, $0xFFFFFFFF, v50;
	vm0 =	vlt.s32 v36, v29;
	v37 =	vadd.s32 v51, v37  }
0x37b: {  	[tilespmem:$0x1FC40] =	vst v38;
	v38 =	vsel vm0, $0xFFFFFFFF, v52;
	v53 =	vsel vm0, $0x1, v2;
	vm0 =	vlt.s32 v36, v28  }
0x37c: {  	v62 =	vimm.s32 $0x0;
	v37 =	vadd.s32 v53, v37;
	v55 =	vsel vm0, $0x1, v2  }
0x37d: {  	[tilespmem:$0x1FC50] =	vst v38;
	v38 =	vsel vm0, $0xFFFFFFFF, v54;
	vm0 =	vlt.s32 v36, v27;
	v37 =	vadd.s32 v55, v37  }
0x37e: {  	[tilespmem:$0x1FC60] =	vst v38;
	v38 =	vsel vm0, $0xFFFFFFFF, v56;
	v57 =	vsel vm0, $0x1, v2;
	vm0 =	vlt.s32 v36, v20  }
0x37f: {  	v40 =	vimm.s32 $0x0;
	v37 =	vadd.s32 v57, v37;
	v59 =	vsel vm0, $0x1, v2  }
0x380: {  	[tilespmem:$0x1FC70] =	vst v38;
	v38 =	vsel vm0, $0xFFFFFFFF, v58;
	vm0 =	vlt.s32 v36, v21;
	v37 =	vadd.s32 v59, v37  }
0x381: {  	[tilespmem:$0x1FC80] =	vst v38;
	v38 =	vsel vm0, $0xFFFFFFFF, v60;
	v61 =	vsel vm0, $0x1, v2;
	vm0 =	vlt.s32 v36, v22  }
0x382: {  	v42 =	vimm.s32 $0x0;
	v37 =	vadd.s32 v61, v37;
	v63 =	vsel vm0, $0x1, v2  }
0x383: {  	[tilespmem:$0x1FC90] =	vst v38;
	v38 =	vsel vm0, $0xFFFFFFFF, v62;
	vm0 =	vlt.s32 v36, v23;
	v37 =	vadd.s32 v63, v37  }
0x384: {  	[tilespmem:$0x1FCA0] =	vst v38;
	v38 =	vsel vm0, $0xFFFFFFFF, v40;
	v41 =	vsel vm0, $0x1, v2;
	vm0 =	vlt.s32 v36, v24  }
0x385: {  	v44 =	vimm.s32 $0x0;
	v37 =	vadd.s32 v41, v37;
	v43 =	vsel vm0, $0x1, v2  }
0x386: {  	[tilespmem:$0x1FCB0] =	vst v38;
	v38 =	vsel vm0, $0xFFFFFFFF, v42;
	vm0 =	vlt.s32 v36, v25;
	v37 =	vadd.s32 v43, v37  }
0x387: {  	[tilespmem:$0x1FCC0] =	vst v38;
	v38 =	vsel vm0, $0xFFFFFFFF, v44;
	v45 =	vsel vm0, $0x1, v2;
	vm0 =	vlt.s32 v36, v26  }
0x388: {  	v37 =	vadd.s32 v45, v37;
	v47 =	vsel vm0, $0x1, v2  }
0x389: {  	v37 =	vadd.s32 v47, v37  }
0x38a: {  	(xrf0) =	vadd.scan.msk.s32 $0xffff, v37;
	_ =	sdelay $0x1  }
0x38b: {  	s30 =	simm.s32 $0x2000;
	s15 =	simm.s32 $0x0  }
0x38c: {  	s16 =	sor.u32 s30, s15  }
0x38d: {  	vm2 =	vlt.s32 v17, s16;
	vm1 =	vlt.s32 v18, s16;
	vm15 =	vlt.s32 v19, s16  }
0x38e: {  	vm5 =	vlt.s32 v14, s16;
	v46 =	vimm.s32 $0x0;
	v48 =	vimm.s32 $0x0  }
0x38f: {  	v49 =	vimm.s32 $0x0;
	[tilespmem:$0x1FCD0] =	vst v38;
	v38 =	vsel vm0, $0xFFFFFFFF, v46;
	vm0 =	veq.s32 v36, v26;
	v37, _, _ =	vpop (xrf0)  }
0x390: {  	[tilespmem:$0x1FCE0] =	vst v38;
	(v2sf) =	vpush v37, $0xF;
	v37 =	vsel vm0, $0xFFFFFFFF, v48;
	vm0 =	veq.s32 v36, v25  }
0x391: {  	v50 =	vimm.s32 $0x0;
	[tilespmem:$0x1FCF0] =	vst v37;
	v37 =	vsel vm0, $0xFFFFFFFF, v49;
	vm0 =	veq.s32 v36, v24  }
0x392: {  	v51 =	vimm.s32 $0x0;
	[tilespmem:$0x1FD00] =	vst v37;
	v37 =	vsel vm0, $0xFFFFFFFF, v50;
	vm0 =	veq.s32 v36, v23  }
0x393: {  	v52 =	vimm.s32 $0x0;
	[tilespmem:$0x1FD10] =	vst v37;
	v37 =	vsel vm0, $0xFFFFFFFF, v51;
	vm0 =	veq.s32 v36, v22  }
0x394: {  	v53 =	vimm.s32 $0x0;
	[tilespmem:$0x1FD20] =	vst v37;
	v37 =	vsel vm0, $0xFFFFFFFF, v52;
	vm0 =	veq.s32 v36, v21  }
0x395: {  	v54 =	vimm.s32 $0x0;
	[tilespmem:$0x1FD30] =	vst v37;
	v37 =	vsel vm0, $0xFFFFFFFF, v53;
	vm0 =	veq.s32 v36, v20  }
0x396: {  	v55 =	vimm.s32 $0x0;
	[tilespmem:$0x1FD40] =	vst v37;
	v37 =	vsel vm0, $0xFFFFFFFF, v54;
	vm0 =	veq.s32 v36, v27  }
0x397: {  	v56 =	vimm.s32 $0x0;
	[tilespmem:$0x1FD50] =	vst v37;
	v37 =	vsel vm0, $0xFFFFFFFF, v55;
	vm0 =	veq.s32 v36, v28  }
0x398: {  	v57 =	vimm.s32 $0x0;
	[tilespmem:$0x1FD60] =	vst v37;
	v37 =	vsel vm0, $0xFFFFFFFF, v56;
	vm0 =	veq.s32 v36, v29  }
0x399: {  	v58 =	vimm.s32 $0x0;
	[tilespmem:$0x1FD70] =	vst v37;
	v37 =	vsel vm0, $0xFFFFFFFF, v57;
	vm0 =	veq.s32 v36, v30  }
0x39a: {  	v59 =	vimm.s32 $0x0;
	[tilespmem:$0x1FD80] =	vst v37;
	v37 =	vsel vm0, $0xFFFFFFFF, v58;
	vm0 =	veq.s32 v36, v31  }
0x39b: {  	v60 =	vimm.s32 $0x0;
	[tilespmem:$0x1FD90] =	vst v37;
	v37 =	vsel vm0, $0xFFFFFFFF, v59;
	vm0 =	veq.s32 v36, v32  }
0x39c: {  	v61 =	vimm.s32 $0x0;
	[tilespmem:$0x1FDA0] =	vst v37;
	v37 =	vsel vm0, $0xFFFFFFFF, v60;
	vm0 =	veq.s32 v36, v33  }
0x39d: {  	v62 =	vimm.s32 $0x0;
	[tilespmem:$0x1FDB0] =	vst v37;
	v37 =	vsel vm0, $0xFFFFFFFF, v61;
	vm0 =	veq.s32 v36, v34  }
0x39e: {  	v63 =	vimm.s32 $0x0;
	[tilespmem:$0x1FDC0] =	vst v37;
	v37 =	vsel vm0, $0xFFFFFFFF, v62;
	vm0 =	veq.s32 v36, v35  }
0x39f: {  	vm4 =	vlt.s32 v15, s16;
	vm3 =	vlt.s32 v16, s16;
	[tilespmem:$0x1FDD0] =	vst v37;
	v36 =	vsel vm0, $0xFFFFFFFF, v63;
	s31 =	spop (v2sf)  }
0x3a0: {  	s18 =	simm.s32 $0x1;
	vm8 =	vlt.s32 v11, s16;
	vm7 =	vlt.s32 v12, s16;
	vm6 =	vlt.s32 v13, s16;
	[tilespmem:$0x1FDE0] =	vst v36;
	s17 =	ssub.s32 $0x20, s31  }
.LBB2_42:
0x3a1: {  	v36 =	vld [tilespmem:$0x1FDE0]  }
0x3a2: {  	v59 =	vld [tilespmem:$0x1FDD0];
	_ =	sdelay $0x1  }
0x3a3: {  	v38 =	vld [tilespmem:$0x1FDC0];
	_ =	sdelay $0x1  }
0x3a4: {  	vm12 =	vlt.s32 v4, s16;
	v62 =	vld [tilespmem:$0x1FDB0];
	vm0 =	vnez.u8 v36  }
0x3a5: {  	vm13 =	vlt.s32 v5, s16;
	vm12 =	vmand vm0, vm12;
	vm0 =	vnez.u8 v59  }
0x3a6: {  	v40 =	vld [tilespmem:$0x1FDA0];
	vm13 =	vmand vm0, vm13  }
0x3a7: {  	vm0 =	vlt.s32 v6, s16;
	v60 =	vsel vm12, $0x1, v2;
	vm12 =	vnez.u8 v38  }
0x3a8: {  	v42 =	vld [tilespmem:$0x1FD90];
	vm0 =	vmand vm12, vm0  }
0x3a9: {  	vm14 =	vlt.s32 v7, s16;
	v61 =	vsel vm0, $0x1, v2;
	vm0 =	vnez.u8 v62  }
0x3aa: {  	v44 =	vld [tilespmem:$0x1FD80];
	vm0 =	vmand vm0, vm14  }
0x3ab: {  	vm9 =	vlt.s32 v8, s16;
	v63 =	vsel vm0, $0x1, v2;
	vm0 =	vnez.u8 v40  }
0x3ac: {  	v46 =	vld [tilespmem:$0x1FD70];
	vm0 =	vmand vm0, vm9  }
0x3ad: {  	vm10 =	vlt.s32 v9, s16;
	v41 =	vsel vm0, $0x1, v2;
	vm0 =	vnez.u8 v42  }
0x3ae: {  	v48 =	vld [tilespmem:$0x1FD60];
	vm0 =	vmand vm0, vm10  }
0x3af: {  	vm11 =	vlt.s32 v10, s16;
	v43 =	vsel vm0, $0x1, v2;
	vm0 =	vnez.u8 v44  }
0x3b0: {  	v50 =	vld [tilespmem:$0x1FD50];
	vm0 =	vmand vm0, vm11  }
0x3b1: {  	v45 =	vsel vm0, $0x1, v2;
	vm0 =	vnez.u8 v46  }
0x3b2: {  	v52 =	vld [tilespmem:$0x1FD40];
	vm0 =	vmand vm0, vm8  }
0x3b3: {  	v47 =	vsel vm0, $0x1, v2;
	vm0 =	vnez.u8 v48  }
0x3b4: {  	v54 =	vld [tilespmem:$0x1FD30];
	vm0 =	vmand vm0, vm7  }
0x3b5: {  	v37 =	vsel vm13, $0x1, v2;
	v49 =	vsel vm0, $0x1, v2;
	vm0 =	vnez.u8 v50  }
0x3b6: {  	v56 =	vld [tilespmem:$0x1FD20];
	v36 =	vadd.s32 v37, v60;
	vm0 =	vmand vm0, vm6  }
0x3b7: {  	v36 =	vadd.s32 v61, v36;
	v51 =	vsel vm0, $0x1, v2;
	vm0 =	vnez.u8 v52  }
0x3b8: {  	v58 =	vld [tilespmem:$0x1FD10];
	v36 =	vadd.s32 v63, v36;
	vm0 =	vmand vm0, vm5  }
0x3b9: {  	v36 =	vadd.s32 v41, v36;
	v53 =	vsel vm0, $0x1, v2;
	vm0 =	vnez.u8 v54  }
0x3ba: {  	v60 =	vld [tilespmem:$0x1FD00];
	v36 =	vadd.s32 v43, v36;
	vm0 =	vmand vm0, vm4  }
0x3bb: {  	v36 =	vadd.s32 v45, v36;
	v55 =	vsel vm0, $0x1, v2;
	vm0 =	vnez.u8 v56  }
0x3bc: {  	v62 =	vld [tilespmem:$0x1FCF0];
	v36 =	vadd.s32 v47, v36;
	vm0 =	vmand vm0, vm3  }
0x3bd: {  	v36 =	vadd.s32 v49, v36;
	v57 =	vsel vm0, $0x1, v2;
	vm0 =	vnez.u8 v58  }
0x3be: {  	v36 =	vadd.s32 v51, v36;
	vm0 =	vmand vm0, vm2  }
0x3bf: {  	v36 =	vadd.s32 v53, v36;
	v59 =	vsel vm0, $0x1, v2;
	vm0 =	vnez.u8 v60  }
0x3c0: {  	v36 =	vadd.s32 v55, v36;
	vm0 =	vmand vm0, vm1  }
0x3c1: {  	v36 =	vadd.s32 v57, v36;
	v61 =	vsel vm0, $0x1, v2;
	vm0 =	vnez.u8 v62  }
0x3c2: {  	v36 =	vadd.s32 v59, v36;
	vm0 =	vmand vm0, vm15  }
0x3c3: {  	v36 =	vadd.s32 v61, v36;
	v63 =	vsel vm0, $0x1, v2  }
0x3c4: {  	v36 =	vadd.s32 v63, v36  }
0x3c5: {  	(xrf0) =	vadd.scan.msk.s32 $0xffff, v36;
	_ =	sdelay $0x5  }
0x3c6: {  	v36, _, _ =	vpop (xrf0)  }
0x3c7: {  	(v2sf) =	vpush v36, $0xF;
	_ =	sdelay $0xe  }
0x3c8: {  	s19 =	spop (v2sf)  }
0x3c9: {  	p1 =	sne.s32 s18, $0xD;
	p2 =	slt.s32 s19, s17  }
.Ltmp34:
0x3ca: {  	s31 =	sshrl.u32 s13, s18;
	s15 =	smov.u32 @p2 s16;
	(pc) =	sbr.rel @p1 .LBB2_42-.Ltmp34, $4  }
0x3cb: {  	s16 =	sor.u32 s31, s15  }
0x3cc: {  	vm2 =	vlt.s32 v17, s16;
	vm1 =	vlt.s32 v18, s16;
	vm15 =	vlt.s32 v19, s16  }
0x3cd: {  	vm5 =	vlt.s32 v14, s16;
	vm4 =	vlt.s32 v15, s16;
	vm3 =	vlt.s32 v16, s16  }
0x3ce: {  	s18 =	sadd.s32 $0x1, s18;
	vm8 =	vlt.s32 v11, s16;
	vm7 =	vlt.s32 v12, s16;
	vm6 =	vlt.s32 v13, s16  }
0x3cf: {  	v36 =	vld [tilespmem:$0x1FDE0]  }
0x3d0: {  	v37 =	vld [tilespmem:$0x1FDD0]  }
0x3d1: {  	v38 =	vld [tilespmem:$0x1FDC0]  }
0x3d2: {  	v60 =	vld [tilespmem:$0x1FDA0]  }
0x3d3: {  	v42 =	vld [tilespmem:$0x1FD70]  }
0x3d4: {  	v39 =	vld [tilespmem:$0x1FDB0]  }
0x3d5: {  	vm0 =	vlt.s32 v4, s16  }
0x3d6: {  	vm12 =	vlt.s32 v5, s16;
	vm14 =	vlt.s32 v6, s16;
	vm9 =	vnez.u8 v36  }
0x3d7: {  	v62 =	vld [tilespmem:$0x1FD90];
	vm13 =	vnez.u8 v37;
	vm11 =	vnez.u8 v38;
	vm0 =	vmand vm9, vm0  }
0x3d8: {  	v50 =	vld [tilespmem:$0x1FD30];
	vm10 =	vnez.u8 v60;
	vm9 =	vnez.u8 v42;
	v56 =	vsel vm0, $0x1, v2  }
0x3d9: {  	v40 =	vld [tilespmem:$0x1FD80];
	vm0 =	vmand vm13, vm12;
	vm12 =	vlt.s32 v7, s16;
	vm13 =	vnez.u8 v39  }
0x3da: {  	v46 =	vld [tilespmem:$0x1FD50];
	v57 =	vsel vm0, $0x1, v2;
	vm0 =	vmand vm11, vm14;
	vm14 =	vlt.s32 v8, s16  }
0x3db: {  	vm11 =	vlt.s32 v9, s16;
	v58 =	vsel vm0, $0x1, v2;
	vm0 =	vmand vm13, vm12  }
0x3dc: {  	v36 =	vadd.s32 v57, v56;
	vm12 =	vnez.u8 v62;
	vm13 =	vmand vm9, vm8  }
0x3dd: {  	v44 =	vld [tilespmem:$0x1FD60];
	vm8 =	vnez.u8 v50;
	v59 =	vsel vm0, $0x1, v2;
	vm0 =	vmand vm10, vm14  }
0x3de: {  	v54 =	vld [tilespmem:$0x1FD10];
	v36 =	vadd.s32 v58, v36;
	vm14 =	vlt.s32 v10, s16;
	vm10 =	vnez.u8 v40  }
0x3df: {  	v43 =	vsel vm13, $0x1, v2;
	vm13 =	vnez.u8 v46;
	v61 =	vsel vm0, $0x1, v2  }
0x3e0: {  	v48 =	vld [tilespmem:$0x1FD40];
	v36 =	vadd.s32 v59, v36;
	vm0 =	vmand vm12, vm11;
	vm11 =	vmand vm10, vm14  }
0x3e1: {  	v52 =	vld [tilespmem:$0x1FD20];
	vm6 =	vmand vm13, vm6;
	v63 =	vsel vm0, $0x1, v2;
	v36 =	vadd.s32 v61, v36  }
0x3e2: {  	v58 =	vld [tilespmem:$0x1FCF0];
	v41 =	vsel vm11, $0x1, v2;
	vm11 =	vnez.u8 v44;
	v47 =	vsel vm6, $0x1, v2  }
0x3e3: {  	v56 =	vld [tilespmem:$0x1FD00];
	vm0 =	vmand vm8, vm4;
	vm6 =	vnez.u8 v54;
	v36 =	vadd.s32 v63, v36  }
0x3e4: {  	vm14 =	vmand vm11, vm7;
	v51 =	vsel vm0, $0x1, v2;
	v36 =	vadd.s32 v41, v36  }
0x3e5: {  	v45 =	vsel vm14, $0x1, v2;
	vm14 =	vnez.u8 v48;
	v36 =	vadd.s32 v43, v36  }
0x3e6: {  	vm7 =	vmand vm14, vm5;
	vm5 =	vnez.u8 v52;
	v36 =	vadd.s32 v45, v36  }
0x3e7: {  	vm8 =	vnez.u8 v58;
	v49 =	vsel vm7, $0x1, v2;
	v36 =	vadd.s32 v47, v36  }
0x3e8: {  	vm0 =	vmand vm5, vm3;
	vm7 =	vnez.u8 v56;
	v36 =	vadd.s32 v49, v36  }
0x3e9: {  	v53 =	vsel vm0, $0x1, v2;
	vm0 =	vmand vm6, vm2;
	v36 =	vadd.s32 v51, v36  }
0x3ea: {  	v55 =	vsel vm0, $0x1, v2;
	vm0 =	vmand vm7, vm1;
	v36 =	vadd.s32 v53, v36  }
0x3eb: {  	v57 =	vsel vm0, $0x1, v2;
	vm0 =	vmand vm8, vm15;
	v36 =	vadd.s32 v55, v36  }
0x3ec: {  	v59 =	vsel vm0, $0x1, v2;
	v36 =	vadd.s32 v57, v36  }
0x3ed: {  	v36 =	vadd.s32 v59, v36  }
0x3ee: {  	(xrf0) =	vadd.scan.msk.s32 $0xffff, v36;
	_ =	sdelay $0x5  }
0x3ef: {  	v36, _, _ =	vpop (xrf0)  }
0x3f0: {  	(v2sf) =	vpush v36, $0xF;
	_ =	sdelay $0xa  }
0x3f1: {  	v60 =	vld [tilespmem:$0x1FDE0]  }
0x3f2: {  	v40 =	vld [tilespmem:$0x1FC00]  }
0x3f3: {  	v61 =	vld [tilespmem:$0x1FBF0]  }
0x3f4: {  	v63 =	vld [tilespmem:$0x1FDD0]  }
0x3f5: {  	v41 =	vld [tilespmem:$0x1FDC0];
	s18 =	spop (v2sf)  }
0x3f6: {  	v42 =	vld [tilespmem:$0x1FC10];
	p1 =	slt.s32 s18, s17  }
0x3f7: {  	v62 =	vimm.s32 $0x0;
	vm4 =	vnez.u8 v60;
	v43 =	vld [tilespmem:$0x1FDB0];
	s15 =	smov.u32 @p1 s16  }
0x3f8: {  	v44 =	vld [tilespmem:$0x1FC20];
	vm6 =	vnez.u8 v40;
	vm15 =	vle.s32 v4, s15;
	vm5 =	vle.s32 v5, s15  }
0x3f9: {  	v45 =	vld [tilespmem:$0x1FDA0];
	vm0 =	vmand vm4, vm15;
	vm15 =	vnez.u8 v61;
	vm4 =	vnez.u8 v63  }
0x3fa: {  	v46 =	vld [tilespmem:$0x1FC30];
	vm7 =	vnez.u8 v41;
	vm8 =	vmor vm15, vm0;
	vm1 =	vmand vm4, vm5  }
0x3fb: {  	v48 =	vld [tilespmem:$0x1FC50];
	vm5 =	vle.s32 v6, s15;
	vm15 =	vle.s32 v7, s15;
	vm1 =	vmor vm6, vm1  }
0x3fc: {  	v47 =	vld [tilespmem:$0x1FC40];
	vm2 =	vmand vm7, vm5;
	vm6 =	vnez.u8 v42;
	vm7 =	vnez.u8 v43  }
0x3fd: {  	v36 =	vsel vm8, $0xFFFFFFFF, v62;
	vm2 =	vmor vm6, vm2;
	vm3 =	vmand vm7, vm15  }
0x3fe: {  	v50 =	vld [tilespmem:$0x1FC70];
	vm15 =	vle.s32 v8, s15;
	vm6 =	vnez.u8 v44;
	vm7 =	vnez.u8 v45  }
0x3ff: {  	v49 =	vld [tilespmem:$0x1FC60];
	vm4 =	vmand vm7, vm15;
	vm15 =	vle.s32 v9, s15;
	vm7 =	vnez.u8 v46  }
0x400: {  	v54 =	vld [tilespmem:$0x1FCA0];
	vm3 =	vmor vm6, vm3;
	vm4 =	vmor vm7, vm4;
	vm5 =	vmand vm12, vm15  }
0x401: {  	v51 =	vld [tilespmem:$0x1FC80];
	vm15 =	vle.s32 v10, s15;
	vm7 =	vnez.u8 v47;
	vm12 =	vnez.u8 v48  }
0x402: {  	v52 =	vld [tilespmem:$0x1FC90];
	vm5 =	vmor vm7, vm5;
	vm6 =	vmand vm10, vm15;
	vm10 =	vle.s32 v11, s15  }
0x403: {  	v53 =	vld [tilespmem:$0x1FD30];
	vm15 =	vle.s32 v12, s15;
	vm6 =	vmor vm12, vm6;
	vm7 =	vmand vm9, vm10  }
0x404: {  	v56 =	vld [tilespmem:$0x1FCB0];
	[tilespmem:v4+s14+$0x0] =	vst.idx.msk vm8, v35;
	vm12 =	vnez.u8 v49;
	vm8 =	vmand vm11, vm15;
	vm11 =	vnez.u8 v50  }
0x405: {  	v55 =	vld [tilespmem:$0x1FD20];
	vm15 =	vle.s32 v13, s15;
	vm7 =	vmor vm12, vm7;
	vm8 =	vmor vm11, vm8  }
0x406: {  	v57 =	vld [tilespmem:$0x1FD10];
	vm9 =	vmand vm13, vm15;
	vm12 =	vle.s32 v14, s15;
	vm13 =	vnez.u8 v51  }
0x407: {  	v58 =	vld [tilespmem:$0x1FCC0];
	vm15 =	vnez.u8 v52;
	vm9 =	vmor vm13, vm9;
	vm10 =	vmand vm14, vm12  }
0x408: {  	v59 =	vld [tilespmem:$0x1FD00];
	[tilespmem:$0x1FBE0] =	vst v36;
	vm14 =	vle.s32 v15, s15;
	vm12 =	vnez.u8 v53;
	vm13 =	vnez.u8 v54  }
0x409: {  	v60 =	vld [tilespmem:$0x1FCD0];
	[tilespmem:v5+s14+$0x0] =	vst.idx.msk vm1, v34;
	vm10 =	vmor vm15, vm10;
	vm11 =	vmand vm12, vm14;
	vm12 =	vle.s32 v16, s15  }
0x40a: {  	v61 =	vld [tilespmem:$0x1FCF0];
	[tilespmem:v6+s14+$0x0] =	vst.idx.msk vm2, v33;
	vm14 =	vnez.u8 v55;
	vm15 =	vnez.u8 v56;
	vm11 =	vmor vm13, vm11  }
0x40b: {  	v62 =	vld [tilespmem:$0x1FCE0];
	[tilespmem:v7+s14+$0x0] =	vst.idx.msk vm3, v32;
	vm12 =	vmand vm14, vm12;
	vm13 =	vle.s32 v17, s15;
	vm14 =	vnez.u8 v57  }
0x40c: {  	[tilespmem:v8+s14+$0x0] =	vst.idx.msk vm4, v31;
	vm12 =	vmor vm15, vm12;
	vm13 =	vmand vm14, vm13;
	vm15 =	vnez.u8 v58  }
0x40d: {  	[tilespmem:v9+s14+$0x0] =	vst.idx.msk vm5, v30;
	vm14 =	vle.s32 v18, s15;
	vm13 =	vmor vm15, vm13;
	vm15 =	vnez.u8 v59  }
0x40e: {  	vm0 =	vnez.u8 v60;
	[tilespmem:v10+s14+$0x0] =	vst.idx.msk vm6, v29;
	vm14 =	vmand vm15, vm14  }
0x40f: {  	[tilespmem:v11+s14+$0x0] =	vst.idx.msk vm7, v28;
	vm15 =	vle.s32 v19, s15;
	vm14 =	vmor vm0, vm14;
	vm0 =	vnez.u8 v61  }
0x410: {  	[tilespmem:v12+s14+$0x0] =	vst.idx.msk vm8, v27;
	vm15 =	vmand vm0, vm15;
	vm0 =	vnez.u8 v62  }
0x411: {  	[tilespmem:v13+s14+$0x0] =	vst.idx.msk vm9, v20;
	vm15 =	vmor vm0, vm15  }
0x412: {  	[tilespmem:v14+s14+$0x0] =	vst.idx.msk vm10, v21  }
0x413: {  	[tilespmem:v15+s14+$0x0] =	vst.idx.msk vm11, v22  }
0x414: {  	[tilespmem:v16+s14+$0x0] =	vst.idx.msk vm12, v23  }
0x415: {  	[tilespmem:v17+s14+$0x0] =	vst.idx.msk vm13, v24  }
0x416: {  	[tilespmem:v18+s14+$0x0] =	vst.idx.msk vm14, v25  }
0x417: {  	[tilespmem:v19+s14+$0x0] =	vst.idx.msk vm15, v26  }
0x418: {  	[hbm4b:s7+s9] =	stream.strided.scatter [tilespmem:s14], [sflag:$0x1], $0x4000, s10, s9, $0x38;
	[tilespmem:$0x8200] =	vst v63  }
0x419: {  	_ =	swait.ge [sflag:s11], $0x4000  }
0x41a: {  	v63 =	vld [tilespmem:$0x1FBE0];
	_ =	sdelay $0x4  }
0x41b: {  	vm0 =	vnez.u8 v63;
	_ =	sdelay $0x3  }
0x41c: {  	[sflag:s11] =	ssyncset.done $0x0  }
0x41d: {  	[sflag:s11] =	ssyncadd.s32 $0xFFFFC000  }
0x41e: {  	[tilespmem:v4+s14+$0x0] =	vst.idx.msk vm0, v0  }
0x41f: {  	[tilespmem:v5+s14+$0x0] =	vst.idx.msk vm1, v0  }
0x420: {  	[tilespmem:v6+s14+$0x0] =	vst.idx.msk vm2, v0  }
0x421: {  	[tilespmem:v7+s14+$0x0] =	vst.idx.msk vm3, v0  }
0x422: {  	[tilespmem:v8+s14+$0x0] =	vst.idx.msk vm4, v0  }
0x423: {  	[tilespmem:v9+s14+$0x0] =	vst.idx.msk vm5, v0  }
0x424: {  	[tilespmem:v10+s14+$0x0] =	vst.idx.msk vm6, v0  }
0x425: {  	[tilespmem:v11+s14+$0x0] =	vst.idx.msk vm7, v0  }
0x426: {  	[tilespmem:v12+s14+$0x0] =	vst.idx.msk vm8, v0  }
0x427: {  	[tilespmem:v13+s14+$0x0] =	vst.idx.msk vm9, v0  }
0x428: {  	[tilespmem:v14+s14+$0x0] =	vst.idx.msk vm10, v0  }
.Ltmp35:
0x429: {  	[tilespmem:v15+s14+$0x0] =	vst.idx.msk vm11, v0;
	(pc) =	sbr.rel .LBB2_58-.Ltmp35, $4  }
0x42a: {  	[tilespmem:v16+s14+$0x0] =	vst.idx.msk vm12, v0  }
0x42b: {  	[tilespmem:v17+s14+$0x0] =	vst.idx.msk vm13, v0  }
0x42c: {  	[tilespmem:v18+s14+$0x0] =	vst.idx.msk vm14, v0  }
0x42d: {  	[tilespmem:v19+s14+$0x0] =	vst.idx.msk vm15, v0  }
.LBB2_59:
0x42e: {  	_ =	sfence.sel $0x180000  }
0x42f: {  	[bflag:$0x0] =	sbarrier.arrive $0xFFFF  }
0x430: {  	p0 =	sne.s32 s1, $0x0;
	_ =	strace $0x90000047  }
0x431: {  	s0 =	sadd.s32 @!p0 $0x100000, s0;
	[bflag:$0x2] =	sbarrier.arrive $0xFFFF  }
0x432: {  	[sflag:s0] =	ssyncadd.tile.s32 @!p0 $0x1;
	_ =	shalt  }
.Lfunc_end2:
_tile_overlayer_lowered:
.L_overlay_start_2:
0x433: {  	(tag) =	ssettag $0x2  }
0x434: {  	s0 =	rddreg [dreg:$0x0];
	s2 =	stileid.u32  }
0x435: {  	s1 =	rddreg [dreg:$0x1];
	p0 =	sne.s32 s2, $0x0  }
0x436: {  	s3 =	rddreg [dreg:$0x2];
	[bflag:$0x3] =	sbarrier.arrive $0xFFFF;
	s2 =	simm.s32 @!p0 $0x1C01  }
0x437: {  	[timem:s3], [sflag:s2] =	dma.local @!p0 [hbm:s0], s1  }
0x438: {  	s0 =	simm.s32 @!p0 $0x1  }
0x439: {  	_ =	swait.ge @!p0 [sflag:s0], s1  }
0x43a: {  	s1 =	ssub.s32 @!p0 $0x0, s1;
	[sflag:s0] =	ssyncset.done @!p0 $0x0  }
0x43b: {  	[sflag:s0] =	ssyncadd.s32 @!p0 s1  }
0x43c: {  	[bflag:$0x3] =	sbarrier.arrive $0xFFFF  }
0x43d: {  	_ =	shalt  }

</sc_bundles>
